<compile_context>
chip_gen: v7x
topology: tpu7x:2x2x1
jax: 0.10.2.dev20260603
libtpu: 0.0.44.dev20260713+nightly
codegen_flags: <defaults>
</compile_context>

<pallas_src>
import dataclasses
import functools

import jax
import jax.numpy as jnp
from jax import lax
from jax.experimental import pallas as pl
from jax.experimental.pallas import tpu as pltpu
from jax.experimental.pallas import tpu_sc as plsc

N = 10000
E = 320000
D = 128
DH = D // 2

NC = 2
NS = 16
EPT = E // NS
CH = 80
NCHUNK = EPT // CH
SETS = 2
NBUF = 5
GRP = SETS * NBUF
NGRP = NCHUNK // GRP
NP = 10240
RPT = NP // NS

ROWS_BLK = 2048
NBLK = NP // ROWS_BLK


@functools.lru_cache(maxsize=None)
def _make_sc_segsum(with_deg: bool):
    mesh = plsc.VectorSubcoreMesh(core_axis_name="c", subcore_axis_name="s")
    out_type = [jax.ShapeDtypeStruct((NC, NP, DH), jnp.float32)]
    scratch = (
        [pltpu.VMEM((CH,), jnp.int32) for _ in range(GRP)]
        + [pltpu.VMEM((CH,), jnp.int32) for _ in range(GRP)]
        + [pltpu.VMEM((CH, DH), jnp.float32) for _ in range(GRP)]
        + [pltpu.VMEM_SHARED((NP, DH), jnp.float32)]
        + [pltpu.SemaphoreType.DMA for _ in range(SETS)]
        + [pltpu.SemaphoreType.DMA for _ in range(GRP)]
        + [pltpu.SemaphoreType.DMA for _ in range(SETS)]
    )
    if with_deg:
        out_type.append(jax.ShapeDtypeStruct((NS, 1, NP), jnp.float32))
        scratch.append(pltpu.VMEM((NP,), jnp.float32))

    def body(*refs):
        n_in = 5
        n_out = 2 if with_deg else 1
        (glo_hbm, ghi_hbm, src_hbm, dst_hbm, zrow_hbm) = refs[:n_in]
        part_hbm = refs[n_in]
        sc = list(refs[n_in + n_out:])
        sidx = sc[:GRP]
        didx = sc[GRP:2 * GRP]
        rows = sc[2 * GRP:3 * GRP]
        acc_sh = sc[3 * GRP]
        sem_i = sc[3 * GRP + 1:3 * GRP + 1 + SETS]
        sem_g = sc[3 * GRP + 1 + SETS:3 * GRP + 1 + SETS + GRP]
        sem_s = sc[3 * GRP + 1 + SETS + GRP:3 * GRP + 1 + 2 * SETS + GRP]
        if with_deg:
            hist_hbm = refs[n_in + 1]
            hist_v = sc[3 * GRP + 1 + 2 * SETS + GRP]
        c = lax.axis_index("c")
        s = lax.axis_index("s")

        pltpu.sync_copy(zrow_hbm, acc_sh.at[pl.ds(s * RPT, RPT)])
        if with_deg:
            @pl.loop(0, NP // 16)
            def _(i):
                hist_v[pl.ds(i * 16, 16)] = jnp.zeros((16,), jnp.float32)
        plsc.subcore_barrier()

        base = pl.multiple_of(s * EPT, 8)

        def drain_set(sidx_set):
            for b in sidx_set:
                pltpu.make_async_copy(rows[b], acc_sh.at[didx[b]],
                                      sem_s[b // NBUF]).wait()

        @pl.loop(0, NGRP)
        def _(g):
            for S in range(SETS):
                bs = list(range(S * NBUF, (S + 1) * NBUF))

                @pl.when(g > 0)
                def _():
                    drain_set(bs)

                off0 = base + (g * GRP + S * NBUF) * CH
                ih = []
                for k, b in enumerate(bs):
                    off = pl.multiple_of(off0 + k * CH, 8)
                    h1 = pltpu.async_copy(src_hbm.at[pl.ds(off, CH)],
                                          sidx[b], sem_i[S])
                    h2 = pltpu.async_copy(dst_hbm.at[pl.ds(off, CH)],
                                          didx[b], sem_i[S])
                    ih.append((h1, h2))
                for k, b in enumerate(bs):
                    ih[k][0].wait()
                    ih[k][1].wait()

                    @pl.when(c == 0)
                    def _():
                        pltpu.async_copy(glo_hbm.at[sidx[b]], rows[b],
                                         sem_g[b])

                    @pl.when(c == 1)
                    def _():
                        pltpu.async_copy(ghi_hbm.at[sidx[b]], rows[b],
                                         sem_g[b])
                for b in bs:
                    pltpu.make_async_copy(glo_hbm.at[sidx[b]], rows[b],
                                          sem_g[b]).wait()
                    if with_deg:
                        @pl.when(c == 0)
                        def _():
                            ones16 = jnp.ones((16,), jnp.float32)
                            for k in range(CH // 16):
                                idx = didx[b][pl.ds(k * 16, 16)]
                                plsc.addupdate_scatter(hist_v, [idx], ones16)
                    pltpu.async_copy(rows[b], acc_sh.at[didx[b]],
                                     sem_s[S], add=True)

        drain_set(list(range(GRP)))

        plsc.subcore_barrier()
        pltpu.sync_copy(acc_sh.at[pl.ds(s * RPT, RPT)],
                        part_hbm.at[c, pl.ds(s * RPT, RPT)])
        if with_deg:
            @pl.when(c == 0)
            def _():
                pltpu.sync_copy(hist_v, hist_hbm.at[s, 0])

    cp = pltpu.CompilerParams()
    if "needs_layout_passes" in pltpu.CompilerParams.__dataclass_fields__:
        cp = dataclasses.replace(cp, needs_layout_passes=False)
    if "use_tc_tiling_on_sc" in pltpu.CompilerParams.__dataclass_fields__:
        cp = dataclasses.replace(cp, use_tc_tiling_on_sc=False)
    return pl.kernel(body, out_type=out_type, mesh=mesh, scratch_types=scratch,
                     compiler_params=cp)


def _mm_body(x_ref, w_ref, o0_ref, o1_ref):
    h = jnp.dot(x_ref[...], w_ref[...], preferred_element_type=jnp.float32)
    o0_ref[...] = h[:, :DH]
    o1_ref[...] = h[:, DH:]


_tc_matmul = pl.pallas_call(
    _mm_body,
    grid=(NBLK,),
    in_specs=[
        pl.BlockSpec((ROWS_BLK, D), lambda i: (i, 0)),
        pl.BlockSpec((D, D), lambda i: (0, 0)),
    ],
    out_specs=[pl.BlockSpec((ROWS_BLK, DH), lambda i: (i, 0))] * 2,
    out_shape=[jax.ShapeDtypeStruct((N, DH), jnp.float32)] * 2,
)


def _deg_col(d_ref):
    return lax.dot_general(
        d_ref[:, 0, :], jnp.ones((NS, 1), jnp.float32),
        dimension_numbers=(((0,), (0,)), ((), ())),
        preferred_element_type=jnp.float32)


def _halves(p_ref, glo_ref, ghi_ref, d_ref, b_ref):
    rinv = 1.0 / (_deg_col(d_ref) + 1.0)
    lo = (p_ref[0] + glo_ref[...]) * rinv + b_ref[:, :DH]
    hi = (p_ref[1] + ghi_ref[...]) * rinv + b_ref[:, DH:]
    return lo, hi


def _comb_mm_body(p_ref, glo_ref, ghi_ref, d_ref, b_ref, w_ref,
                  o0_ref, o1_ref):
    lo, hi = _halves(p_ref, glo_ref, ghi_ref, d_ref, b_ref)
    h = jnp.maximum(jnp.concatenate([lo, hi], axis=1), 0.0)
    g2 = jnp.dot(h, w_ref[...], preferred_element_type=jnp.float32)
    o0_ref[...] = g2[:, :DH]
    o1_ref[...] = g2[:, DH:]


_in_specs_comb = [
    pl.BlockSpec((NC, ROWS_BLK, DH), lambda i: (0, i, 0)),
    pl.BlockSpec((ROWS_BLK, DH), lambda i: (i, 0)),
    pl.BlockSpec((ROWS_BLK, DH), lambda i: (i, 0)),
    pl.BlockSpec((NS, 1, ROWS_BLK), lambda i: (0, 0, i)),
    pl.BlockSpec((1, D), lambda i: (0, 0)),
]

_tc_comb_matmul = pl.pallas_call(
    _comb_mm_body,
    grid=(NBLK,),
    in_specs=_in_specs_comb + [pl.BlockSpec((D, D), lambda i: (0, 0))],
    out_specs=[pl.BlockSpec((ROWS_BLK, DH), lambda i: (i, 0))] * 2,
    out_shape=[jax.ShapeDtypeStruct((N, DH), jnp.float32)] * 2,
)


def _final_body(q_ref, glo_ref, ghi_ref, d_ref, b_ref, o_ref):
    lo, hi = _halves(q_ref, glo_ref, ghi_ref, d_ref, b_ref)
    o_ref[...] = jnp.concatenate([lo, hi], axis=1)


_tc_final = pl.pallas_call(
    _final_body,
    grid=(NBLK,),
    in_specs=_in_specs_comb,
    out_specs=pl.BlockSpec((ROWS_BLK, D), lambda i: (i, 0)),
    out_shape=jax.ShapeDtypeStruct((N, D), jnp.float32),
)


@jax.jit
def kernel(inputs, edge_index, W1, b1, W2, b2):
    src = edge_index[0]
    dst = edge_index[1]
    zrow = jnp.zeros((RPT, DH), jnp.float32)
    b1r = b1.reshape(1, D)
    b2r = b2.reshape(1, D)

    g1lo, g1hi = _tc_matmul(inputs, W1)
    p1, hist = _make_sc_segsum(True)(g1lo, g1hi, src, dst, zrow)
    g2lo, g2hi = _tc_comb_matmul(p1, g1lo, g1hi, hist, b1r, W2)
    (p2,) = _make_sc_segsum(False)(g2lo, g2hi, src, dst, zrow)
    return _tc_final(p2, g2lo, g2hi, hist, b2r)

# --- scband reference (transcript-rebuilt; emitter-appended) ---
"""Pipeline reference for scband-sage-34333968564343 (READ-ONLY COPY).

The authoritative reference and input builder live on the scoring server;
editing this copy changes nothing except your own understanding.
"""

import jax, jax.numpy as jnp
import numpy as np

N_NODES = 10000
N_EDGES = 320000
D_IN = 128
D_HID = 128
D_OUT = 128


def setup_inputs(seed: int = 0) -> dict:
    key = jax.random.key(seed)
    k1, k2, k3, k4, k5, k6 = jax.random.split(key, 6)
    x = jax.random.normal(k1, (N_NODES, D_IN), dtype=jnp.float32)
    edge_index = jax.random.randint(k2, (2, N_EDGES), 0, N_NODES, dtype=jnp.int32)
    # SAGEConv(aggregator_type='gcn') has fc_neigh: Linear(in, out, bias=False) plus a bias param
    W1 = jax.random.normal(k3, (D_IN, D_HID), dtype=jnp.float32) * (1.0 / np.sqrt(D_IN))
    b1 = jnp.zeros((D_HID,), dtype=jnp.float32)
    W2 = jax.random.normal(k4, (D_HID, D_OUT), dtype=jnp.float32) * (1.0 / np.sqrt(D_HID))
    b2 = jnp.zeros((D_OUT,), dtype=jnp.float32)
    return {"inputs": x, "edge_index": edge_index, "W1": W1, "b1": b1, "W2": W2, "b2": b2}


def _sage_conv_gcn(h, src, dst, W, b):
    # DGL SAGEConv, aggregator_type='gcn':
    #   neigh = sum_{(u->v) in E} h[u]  (scatter-add to dst)
    #   h_neigh = (neigh + h) / (in_degree + 1)
    #   rst = h_neigh @ W + b
    msgs = jnp.take(h, src, axis=0)
    agg = jax.ops.segment_sum(msgs, dst, num_segments=N_NODES)
    deg = jnp.zeros((N_NODES,), dtype=h.dtype).at[dst].add(1.0)
    h_neigh = (agg + h) / (deg[:, None] + 1.0)
    return h_neigh @ W + b


def reference(inputs, edge_index, W1, b1, W2, b2):
    src = edge_index[0]
    dst = edge_index[1]
    h = _sage_conv_gcn(inputs, src, dst, W1, b1)
    h = jax.nn.relu(h)
    h = _sage_conv_gcn(h, src, dst, W2, b2)
    return h

if __name__ == "__main__":
    import jax
    _d = setup_inputs()
    print(jax.jit(kernel)(*tuple(_d.values())))

</pallas_src>

<mosaic_0001>
#map = affine_map<(d0, d1) -> (0, 0)>
#map1 = affine_map<(d0, d1) -> (0)>
#map2 = affine_map<(d0, d1) -> (0, 0, 0)>
module attributes {stable_mosaic.version = 14 : i64} {
  func.func @body(%arg0: i32, %arg1: i32, %arg2: memref<10000x64xf32, #tpu.memory_space<hbm>>, %arg3: memref<10000x64xf32, #tpu.memory_space<hbm>>, %arg4: memref<320000xi32, #tpu.memory_space<hbm>>, %arg5: memref<320000xi32, #tpu.memory_space<hbm>>, %arg6: memref<640x64xf32, #tpu.memory_space<hbm>>, %arg7: memref<2x10240x64xf32, #tpu.memory_space<hbm>>, %arg8: memref<16x1x10240xf32, #tpu.memory_space<hbm>>, %arg9: memref<80xi32, #tpu.memory_space<vmem>>, %arg10: memref<80xi32, #tpu.memory_space<vmem>>, %arg11: memref<80xi32, #tpu.memory_space<vmem>>, %arg12: memref<80xi32, #tpu.memory_space<vmem>>, %arg13: memref<80xi32, #tpu.memory_space<vmem>>, %arg14: memref<80xi32, #tpu.memory_space<vmem>>, %arg15: memref<80xi32, #tpu.memory_space<vmem>>, %arg16: memref<80xi32, #tpu.memory_space<vmem>>, %arg17: memref<80xi32, #tpu.memory_space<vmem>>, %arg18: memref<80xi32, #tpu.memory_space<vmem>>, %arg19: memref<80xi32, #tpu.memory_space<vmem>>, %arg20: memref<80xi32, #tpu.memory_space<vmem>>, %arg21: memref<80xi32, #tpu.memory_space<vmem>>, %arg22: memref<80xi32, #tpu.memory_space<vmem>>, %arg23: memref<80xi32, #tpu.memory_space<vmem>>, %arg24: memref<80xi32, #tpu.memory_space<vmem>>, %arg25: memref<80xi32, #tpu.memory_space<vmem>>, %arg26: memref<80xi32, #tpu.memory_space<vmem>>, %arg27: memref<80xi32, #tpu.memory_space<vmem>>, %arg28: memref<80xi32, #tpu.memory_space<vmem>>, %arg29: memref<80x64xf32, #tpu.memory_space<vmem>>, %arg30: memref<80x64xf32, #tpu.memory_space<vmem>>, %arg31: memref<80x64xf32, #tpu.memory_space<vmem>>, %arg32: memref<80x64xf32, #tpu.memory_space<vmem>>, %arg33: memref<80x64xf32, #tpu.memory_space<vmem>>, %arg34: memref<80x64xf32, #tpu.memory_space<vmem>>, %arg35: memref<80x64xf32, #tpu.memory_space<vmem>>, %arg36: memref<80x64xf32, #tpu.memory_space<vmem>>, %arg37: memref<80x64xf32, #tpu.memory_space<vmem>>, %arg38: memref<80x64xf32, #tpu.memory_space<vmem>>, %arg39: memref<10240x64xf32, #tpu.memory_space<vmem_shared>>, %arg40: memref<!tpu.dma_semaphore, #tpu.memory_space<semaphore_mem>>, %arg41: memref<!tpu.dma_semaphore, #tpu.memory_space<semaphore_mem>>, %arg42: memref<!tpu.dma_semaphore, #tpu.memory_space<semaphore_mem>>, %arg43: memref<!tpu.dma_semaphore, #tpu.memory_space<semaphore_mem>>, %arg44: memref<!tpu.dma_semaphore, #tpu.memory_space<semaphore_mem>>, %arg45: memref<!tpu.dma_semaphore, #tpu.memory_space<semaphore_mem>>, %arg46: memref<!tpu.dma_semaphore, #tpu.memory_space<semaphore_mem>>, %arg47: memref<!tpu.dma_semaphore, #tpu.memory_space<semaphore_mem>>, %arg48: memref<!tpu.dma_semaphore, #tpu.memory_space<semaphore_mem>>, %arg49: memref<!tpu.dma_semaphore, #tpu.memory_space<semaphore_mem>>, %arg50: memref<!tpu.dma_semaphore, #tpu.memory_space<semaphore_mem>>, %arg51: memref<!tpu.dma_semaphore, #tpu.memory_space<semaphore_mem>>, %arg52: memref<!tpu.dma_semaphore, #tpu.memory_space<semaphore_mem>>, %arg53: memref<!tpu.dma_semaphore, #tpu.memory_space<semaphore_mem>>, %arg54: memref<10240xf32, #tpu.memory_space<vmem>>) attributes {dimension_semantics = [#tpu.dimension_semantics<core_parallel>, #tpu.dimension_semantics<subcore_parallel>], iteration_bounds = array<i64: 2, 16>, scalar_prefetch = 0 : i64, scratch_operands = 46 : i64, tpu.core_type = #tpu.core_type<sc_vector_subcore>, window_params = [{transform_indices = #map}, {transform_indices = #map}, {transform_indices = #map1}, {transform_indices = #map1}, {transform_indices = #map}, {transform_indices = #map2}, {transform_indices = #map2}]} {
    %mul3A = arith.constant 640 : i32
    %mul3A_0 = arith.muli %arg1, %mul3A : i32
    "tpu.region"() ({
      %run_scoped3A = tpu.sem_alloc : memref<!tpu.dma_semaphore, #tpu.memory_space<semaphore_mem>>
      %dma_start3A = arith.constant 0 : i32
      %dma_start3A_48 = tpu.memref_slice %arg39[%mul3A_0, %dma_start3A] : memref<10240x64xf32, #tpu.memory_space<vmem_shared>> -> memref<640x64xf32, #tpu.memory_space<vmem_shared>>
      tpu.enqueue_dma source(%arg6 : memref<640x64xf32, #tpu.memory_space<hbm>>) target(%dma_start3A_48 : memref<640x64xf32, #tpu.memory_space<vmem_shared>>) target_semaphore(%run_scoped3A : memref<!tpu.dma_semaphore, #tpu.memory_space<semaphore_mem>>)
      %dma_wait3A_49 = arith.constant 0 : i32
      %dma_wait3A_50 = tpu.memref_slice %arg39[%mul3A_0, %dma_wait3A_49] : memref<10240x64xf32, #tpu.memory_space<vmem_shared>> -> memref<640x64xf32, #tpu.memory_space<vmem_shared>>
      tpu.wait_dma2 semaphore(%run_scoped3A : memref<!tpu.dma_semaphore, #tpu.memory_space<semaphore_mem>>) src(%arg6 : memref<640x64xf32, #tpu.memory_space<hbm>>) dst(%dma_wait3A_50 : memref<640x64xf32, #tpu.memory_space<vmem_shared>>)
      tpu.yield
    }) : () -> ()
    %scan3A = arith.constant 0 : i32
    %scan3A_1 = arith.constant 640 : i32
    %scan3A_2 = arith.addi %scan3A, %scan3A_1 : i32
    %scan3A_3 = arith.constant 1 : i32
    scf.for %scan3A_48 = %scan3A to %scan3A_2 step %scan3A_3  : i32 {
      %mul3A_49 = arith.constant 1 : i32
      %mul3A_50 = arith.muli %scan3A_48, %mul3A_49 : i32
      %add3A = arith.constant 0 : i32
      %add3A_51 = arith.addi %add3A, %mul3A_50 : i32
      %broadcast_in_dim3A = arith.constant 0.000000e+00 : f32
      %broadcast_in_dim3A_52 = vector.broadcast %broadcast_in_dim3A : f32 to vector<16xf32>
      %mul3A_53 = arith.constant 16 : i32
      %mul3A_54 = arith.muli %add3A_51, %mul3A_53 : i32
      %swap3A = arith.index_cast %mul3A_54 : i32 to index
      %swap3A_55 = tpu.vector_load %arg54[%swap3A] {strides = array<i32>} : memref<10240xf32, #tpu.memory_space<vmem>>, vector<16xf32>,
      tpu.vector_store %arg54[%swap3A], %broadcast_in_dim3A_52 {strides = array<i32>} : memref<10240xf32, #tpu.memory_space<vmem>>, vector<16xf32>,
    }
    %scan3A_4 = arith.constant 640 : i32
    %barrier3A = arith.constant 0 : index
    tpu.barrier barrier_id(%barrier3A)
    %mul3A_5 = arith.constant 20000 : i32
    %mul3A_6 = arith.muli %arg1, %mul3A_5 : i32
    %multiple_of3A = tpu.assume_multiple %mul3A_6, 8 : i32
    %scan3A_7 = arith.constant 0 : i32
    %scan3A_8 = arith.constant 25 : i32
    %scan3A_9 = arith.addi %scan3A_7, %scan3A_8 : i32
    %scan3A_10 = arith.constant 1 : i32
    scf.for %scan3A_48 = %scan3A_7 to %scan3A_9 step %scan3A_10  : i32 {
      %mul3A_49 = arith.constant 1 : i32
      %mul3A_50 = arith.muli %scan3A_48, %mul3A_49 : i32
      %add3A = arith.constant 0 : i32
      %add3A_51 = arith.addi %add3A, %mul3A_50 : i32
      %gt3A = arith.constant 0 : i32
      %gt3A_52 = arith.cmpi sgt, %add3A_51, %gt3A : i32
      %convert_element_type3A_53 = arith.extui %gt3A_52 : i1 to i32
      %cond3A_54 = arith.constant 0 : i32
      %cond3A_55 = arith.cmpi ne, %convert_element_type3A_53, %cond3A_54 : i32
      scf.if %cond3A_55 {
        %dma_wait3A_394 = arith.constant 0 : i32
        %dma_wait3A_395 = arith.constant 0 : i32
        %dma_wait3A_396 = tpu.memref_slice %arg39[%dma_wait3A_394, %dma_wait3A_395] : memref<10240x64xf32, #tpu.memory_space<vmem_shared>> -> memref<10240x64xf32, #tpu.memory_space<vmem_shared>>
        tpu.wait_indirect_dma semaphore(%arg52 : memref<!tpu.dma_semaphore, #tpu.memory_space<semaphore_mem>>) src(%arg29 : memref<80x64xf32, #tpu.memory_space<vmem>>) dst(%dma_wait3A_396 : memref<10240x64xf32, #tpu.memory_space<vmem_shared>>)
        %dma_wait3A_397 = arith.constant 0 : i32
        %dma_wait3A_398 = arith.constant 0 : i32
        %dma_wait3A_399 = tpu.memref_slice %arg39[%dma_wait3A_397, %dma_wait3A_398] : memref<10240x64xf32, #tpu.memory_space<vmem_shared>> -> memref<10240x64xf32, #tpu.memory_space<vmem_shared>>
        tpu.wait_indirect_dma semaphore(%arg52 : memref<!tpu.dma_semaphore, #tpu.memory_space<semaphore_mem>>) src(%arg30 : memref<80x64xf32, #tpu.memory_space<vmem>>) dst(%dma_wait3A_399 : memref<10240x64xf32, #tpu.memory_space<vmem_shared>>)
        %dma_wait3A_400 = arith.constant 0 : i32
        %dma_wait3A_401 = arith.constant 0 : i32
        %dma_wait3A_402 = tpu.memref_slice %arg39[%dma_wait3A_400, %dma_wait3A_401] : memref<10240x64xf32, #tpu.memory_space<vmem_shared>> -> memref<10240x64xf32, #tpu.memory_space<vmem_shared>>
        tpu.wait_indirect_dma semaphore(%arg52 : memref<!tpu.dma_semaphore, #tpu.memory_space<semaphore_mem>>) src(%arg31 : memref<80x64xf32, #tpu.memory_space<vmem>>) dst(%dma_wait3A_402 : memref<10240x64xf32, #tpu.memory_space<vmem_shared>>)
        %dma_wait3A_403 = arith.constant 0 : i32
        %dma_wait3A_404 = arith.constant 0 : i32
        %dma_wait3A_405 = tpu.memref_slice %arg39[%dma_wait3A_403, %dma_wait3A_404] : memref<10240x64xf32, #tpu.memory_space<vmem_shared>> -> memref<10240x64xf32, #tpu.memory_space<vmem_shared>>
        tpu.wait_indirect_dma semaphore(%arg52 : memref<!tpu.dma_semaphore, #tpu.memory_space<semaphore_mem>>) src(%arg32 : memref<80x64xf32, #tpu.memory_space<vmem>>) dst(%dma_wait3A_405 : memref<10240x64xf32, #tpu.memory_space<vmem_shared>>)
        %dma_wait3A_406 = arith.constant 0 : i32
        %dma_wait3A_407 = arith.constant 0 : i32
        %dma_wait3A_408 = tpu.memref_slice %arg39[%dma_wait3A_406, %dma_wait3A_407] : memref<10240x64xf32, #tpu.memory_space<vmem_shared>> -> memref<10240x64xf32, #tpu.memory_space<vmem_shared>>
        tpu.wait_indirect_dma semaphore(%arg52 : memref<!tpu.dma_semaphore, #tpu.memory_space<semaphore_mem>>) src(%arg33 : memref<80x64xf32, #tpu.memory_space<vmem>>) dst(%dma_wait3A_408 : memref<10240x64xf32, #tpu.memory_space<vmem_shared>>)
      } else {
      }
      %mul3A_56 = arith.constant 10 : i32
      %mul3A_57 = arith.muli %add3A_51, %mul3A_56 : i32
      %add3A_58 = arith.constant 0 : i32
      %add3A_59 = arith.addi %mul3A_57, %add3A_58 : i32
      %mul3A_60 = arith.constant 80 : i32
      %mul3A_61 = arith.muli %add3A_59, %mul3A_60 : i32
      %add3A_62 = arith.addi %multiple_of3A, %mul3A_61 : i32
      %add3A_63 = arith.constant 0 : i32
      %add3A_64 = arith.addi %add3A_62, %add3A_63 : i32
      %multiple_of3A_65 = tpu.assume_multiple %add3A_64, 8 : i32
      %dma_start3A = tpu.memref_slice %arg4[%multiple_of3A_65] : memref<320000xi32, #tpu.memory_space<hbm>> -> memref<80xi32, #tpu.memory_space<hbm>>
      %dma_start3A_66 = tpu.memref_slice %arg4[%multiple_of3A_65] : memref<320000xi32, #tpu.memory_space<hbm>> -> memref<80xi32, #tpu.memory_space<hbm>>
      tpu.enqueue_dma source(%dma_start3A_66 : memref<80xi32, #tpu.memory_space<hbm>>) target(%arg9 : memref<80xi32, #tpu.memory_space<vmem>>) target_semaphore(%arg40 : memref<!tpu.dma_semaphore, #tpu.memory_space<semaphore_mem>>)
      %dma_start3A_67 = tpu.memref_slice %arg5[%multiple_of3A_65] : memref<320000xi32, #tpu.memory_space<hbm>> -> memref<80xi32, #tpu.memory_space<hbm>>
      %dma_start3A_68 = tpu.memref_slice %arg5[%multiple_of3A_65] : memref<320000xi32, #tpu.memory_space<hbm>> -> memref<80xi32, #tpu.memory_space<hbm>>
      tpu.enqueue_dma source(%dma_start3A_68 : memref<80xi32, #tpu.memory_space<hbm>>) target(%arg19 : memref<80xi32, #tpu.memory_space<vmem>>) target_semaphore(%arg40 : memref<!tpu.dma_semaphore, #tpu.memory_space<semaphore_mem>>)
      %add3A_69 = arith.constant 80 : i32
      %add3A_70 = arith.addi %add3A_62, %add3A_69 : i32
      %multiple_of3A_71 = tpu.assume_multiple %add3A_70, 8 : i32
      %dma_start3A_72 = tpu.memref_slice %arg4[%multiple_of3A_71] : memref<320000xi32, #tpu.memory_space<hbm>> -> memref<80xi32, #tpu.memory_space<hbm>>
      %dma_start3A_73 = tpu.memref_slice %arg4[%multiple_of3A_71] : memref<320000xi32, #tpu.memory_space<hbm>> -> memref<80xi32, #tpu.memory_space<hbm>>
      tpu.enqueue_dma source(%dma_start3A_73 : memref<80xi32, #tpu.memory_space<hbm>>) target(%arg10 : memref<80xi32, #tpu.memory_space<vmem>>) target_semaphore(%arg40 : memref<!tpu.dma_semaphore, #tpu.memory_space<semaphore_mem>>)
      %dma_start3A_74 = tpu.memref_slice %arg5[%multiple_of3A_71] : memref<320000xi32, #tpu.memory_space<hbm>> -> memref<80xi32, #tpu.memory_space<hbm>>
      %dma_start3A_75 = tpu.memref_slice %arg5[%multiple_of3A_71] : memref<320000xi32, #tpu.memory_space<hbm>> -> memref<80xi32, #tpu.memory_space<hbm>>
      tpu.enqueue_dma source(%dma_start3A_75 : memref<80xi32, #tpu.memory_space<hbm>>) target(%arg20 : memref<80xi32, #tpu.memory_space<vmem>>) target_semaphore(%arg40 : memref<!tpu.dma_semaphore, #tpu.memory_space<semaphore_mem>>)
      %add3A_76 = arith.constant 160 : i32
      %add3A_77 = arith.addi %add3A_62, %add3A_76 : i32
      %multiple_of3A_78 = tpu.assume_multiple %add3A_77, 8 : i32
      %dma_start3A_79 = tpu.memref_slice %arg4[%multiple_of3A_78] : memref<320000xi32, #tpu.memory_space<hbm>> -> memref<80xi32, #tpu.memory_space<hbm>>
      %dma_start3A_80 = tpu.memref_slice %arg4[%multiple_of3A_78] : memref<320000xi32, #tpu.memory_space<hbm>> -> memref<80xi32, #tpu.memory_space<hbm>>
      tpu.enqueue_dma source(%dma_start3A_80 : memref<80xi32, #tpu.memory_space<hbm>>) target(%arg11 : memref<80xi32, #tpu.memory_space<vmem>>) target_semaphore(%arg40 : memref<!tpu.dma_semaphore, #tpu.memory_space<semaphore_mem>>)
      %dma_start3A_81 = tpu.memref_slice %arg5[%multiple_of3A_78] : memref<320000xi32, #tpu.memory_space<hbm>> -> memref<80xi32, #tpu.memory_space<hbm>>
      %dma_start3A_82 = tpu.memref_slice %arg5[%multiple_of3A_78] : memref<320000xi32, #tpu.memory_space<hbm>> -> memref<80xi32, #tpu.memory_space<hbm>>
      tpu.enqueue_dma source(%dma_start3A_82 : memref<80xi32, #tpu.memory_space<hbm>>) target(%arg21 : memref<80xi32, #tpu.memory_space<vmem>>) target_semaphore(%arg40 : memref<!tpu.dma_semaphore, #tpu.memory_space<semaphore_mem>>)
      %add3A_83 = arith.constant 240 : i32
      %add3A_84 = arith.addi %add3A_62, %add3A_83 : i32
      %multiple_of3A_85 = tpu.assume_multiple %add3A_84, 8 : i32
      %dma_start3A_86 = tpu.memref_slice %arg4[%multiple_of3A_85] : memref<320000xi32, #tpu.memory_space<hbm>> -> memref<80xi32, #tpu.memory_space<hbm>>
      %dma_start3A_87 = tpu.memref_slice %arg4[%multiple_of3A_85] : memref<320000xi32, #tpu.memory_space<hbm>> -> memref<80xi32, #tpu.memory_space<hbm>>
      tpu.enqueue_dma source(%dma_start3A_87 : memref<80xi32, #tpu.memory_space<hbm>>) target(%arg12 : memref<80xi32, #tpu.memory_space<vmem>>) target_semaphore(%arg40 : memref<!tpu.dma_semaphore, #tpu.memory_space<semaphore_mem>>)
      %dma_start3A_88 = tpu.memref_slice %arg5[%multiple_of3A_85] : memref<320000xi32, #tpu.memory_space<hbm>> -> memref<80xi32, #tpu.memory_space<hbm>>
      %dma_start3A_89 = tpu.memref_slice %arg5[%multiple_of3A_85] : memref<320000xi32, #tpu.memory_space<hbm>> -> memref<80xi32, #tpu.memory_space<hbm>>
      tpu.enqueue_dma source(%dma_start3A_89 : memref<80xi32, #tpu.memory_space<hbm>>) target(%arg22 : memref<80xi32, #tpu.memory_space<vmem>>) target_semaphore(%arg40 : memref<!tpu.dma_semaphore, #tpu.memory_space<semaphore_mem>>)
      %add3A_90 = arith.constant 320 : i32
      %add3A_91 = arith.addi %add3A_62, %add3A_90 : i32
      %multiple_of3A_92 = tpu.assume_multiple %add3A_91, 8 : i32
      %dma_start3A_93 = tpu.memref_slice %arg4[%multiple_of3A_92] : memref<320000xi32, #tpu.memory_space<hbm>> -> memref<80xi32, #tpu.memory_space<hbm>>
      %dma_start3A_94 = tpu.memref_slice %arg4[%multiple_of3A_92] : memref<320000xi32, #tpu.memory_space<hbm>> -> memref<80xi32, #tpu.memory_space<hbm>>
      tpu.enqueue_dma source(%dma_start3A_94 : memref<80xi32, #tpu.memory_space<hbm>>) target(%arg13 : memref<80xi32, #tpu.memory_space<vmem>>) target_semaphore(%arg40 : memref<!tpu.dma_semaphore, #tpu.memory_space<semaphore_mem>>)
      %dma_start3A_95 = tpu.memref_slice %arg5[%multiple_of3A_92] : memref<320000xi32, #tpu.memory_space<hbm>> -> memref<80xi32, #tpu.memory_space<hbm>>
      %dma_start3A_96 = tpu.memref_slice %arg5[%multiple_of3A_92] : memref<320000xi32, #tpu.memory_space<hbm>> -> memref<80xi32, #tpu.memory_space<hbm>>
      tpu.enqueue_dma source(%dma_start3A_96 : memref<80xi32, #tpu.memory_space<hbm>>) target(%arg23 : memref<80xi32, #tpu.memory_space<vmem>>) target_semaphore(%arg40 : memref<!tpu.dma_semaphore, #tpu.memory_space<semaphore_mem>>)
      %dma_wait3A_97 = tpu.memref_slice %arg4[%multiple_of3A_65] : memref<320000xi32, #tpu.memory_space<hbm>> -> memref<80xi32, #tpu.memory_space<hbm>>
      %dma_wait3A_98 = tpu.memref_slice %arg4[%multiple_of3A_65] : memref<320000xi32, #tpu.memory_space<hbm>> -> memref<80xi32, #tpu.memory_space<hbm>>
      tpu.wait_dma2 semaphore(%arg40 : memref<!tpu.dma_semaphore, #tpu.memory_space<semaphore_mem>>) src(%dma_wait3A_98 : memref<80xi32, #tpu.memory_space<hbm>>) dst(%arg9 : memref<80xi32, #tpu.memory_space<vmem>>)
      %dma_wait3A_99 = tpu.memref_slice %arg5[%multiple_of3A_65] : memref<320000xi32, #tpu.memory_space<hbm>> -> memref<80xi32, #tpu.memory_space<hbm>>
      %dma_wait3A_100 = tpu.memref_slice %arg5[%multiple_of3A_65] : memref<320000xi32, #tpu.memory_space<hbm>> -> memref<80xi32, #tpu.memory_space<hbm>>
      tpu.wait_dma2 semaphore(%arg40 : memref<!tpu.dma_semaphore, #tpu.memory_space<semaphore_mem>>) src(%dma_wait3A_100 : memref<80xi32, #tpu.memory_space<hbm>>) dst(%arg19 : memref<80xi32, #tpu.memory_space<vmem>>)
      %eq3A_101 = arith.constant 0 : i32
      %eq3A_102 = arith.cmpi eq, %arg0, %eq3A_101 : i32
      %convert_element_type3A_103 = arith.extui %eq3A_102 : i1 to i32
      %cond3A_104 = arith.constant 0 : i32
      %cond3A_105 = arith.cmpi ne, %convert_element_type3A_103, %cond3A_104 : i32
      scf.if %cond3A_105 {
        %dma_start3A_394 = arith.constant 0 : i32
        %dma_start3A_395 = arith.constant 0 : i32
        %dma_start3A_396 = tpu.memref_slice %arg2[%dma_start3A_394, %dma_start3A_395] : memref<10000x64xf32, #tpu.memory_space<hbm>> -> memref<10000x64xf32, #tpu.memory_space<hbm>>
        tpu.enqueue_indirect_dma source(%dma_start3A_396 : memref<10000x64xf32, #tpu.memory_space<hbm>>) target(%arg29 : memref<80x64xf32, #tpu.memory_space<vmem>>) offsets(%arg9 : memref<80xi32, #tpu.memory_space<vmem>>) semaphore(%arg42 : memref<!tpu.dma_semaphore, #tpu.memory_space<semaphore_mem>>)
      } else {
      }
      %eq3A_106 = arith.constant 1 : i32
      %eq3A_107 = arith.cmpi eq, %arg0, %eq3A_106 : i32
      %convert_element_type3A_108 = arith.extui %eq3A_107 : i1 to i32
      %cond3A_109 = arith.constant 0 : i32
      %cond3A_110 = arith.cmpi ne, %convert_element_type3A_108, %cond3A_109 : i32
      scf.if %cond3A_110 {
        %dma_start3A_394 = arith.constant 0 : i32
        %dma_start3A_395 = arith.constant 0 : i32
        %dma_start3A_396 = tpu.memref_slice %arg3[%dma_start3A_394, %dma_start3A_395] : memref<10000x64xf32, #tpu.memory_space<hbm>> -> memref<10000x64xf32, #tpu.memory_space<hbm>>
        tpu.enqueue_indirect_dma source(%dma_start3A_396 : memref<10000x64xf32, #tpu.memory_space<hbm>>) target(%arg29 : memref<80x64xf32, #tpu.memory_space<vmem>>) offsets(%arg9 : memref<80xi32, #tpu.memory_space<vmem>>) semaphore(%arg42 : memref<!tpu.dma_semaphore, #tpu.memory_space<semaphore_mem>>)
      } else {
      }
      %dma_wait3A_111 = tpu.memref_slice %arg4[%multiple_of3A_71] : memref<320000xi32, #tpu.memory_space<hbm>> -> memref<80xi32, #tpu.memory_space<hbm>>
      %dma_wait3A_112 = tpu.memref_slice %arg4[%multiple_of3A_71] : memref<320000xi32, #tpu.memory_space<hbm>> -> memref<80xi32, #tpu.memory_space<hbm>>
      tpu.wait_dma2 semaphore(%arg40 : memref<!tpu.dma_semaphore, #tpu.memory_space<semaphore_mem>>) src(%dma_wait3A_112 : memref<80xi32, #tpu.memory_space<hbm>>) dst(%arg10 : memref<80xi32, #tpu.memory_space<vmem>>)
      %dma_wait3A_113 = tpu.memref_slice %arg5[%multiple_of3A_71] : memref<320000xi32, #tpu.memory_space<hbm>> -> memref<80xi32, #tpu.memory_space<hbm>>
      %dma_wait3A_114 = tpu.memref_slice %arg5[%multiple_of3A_71] : memref<320000xi32, #tpu.memory_space<hbm>> -> memref<80xi32, #tpu.memory_space<hbm>>
      tpu.wait_dma2 semaphore(%arg40 : memref<!tpu.dma_semaphore, #tpu.memory_space<semaphore_mem>>) src(%dma_wait3A_114 : memref<80xi32, #tpu.memory_space<hbm>>) dst(%arg20 : memref<80xi32, #tpu.memory_space<vmem>>)
      %eq3A_115 = arith.constant 0 : i32
      %eq3A_116 = arith.cmpi eq, %arg0, %eq3A_115 : i32
      %convert_element_type3A_117 = arith.extui %eq3A_116 : i1 to i32
      %cond3A_118 = arith.constant 0 : i32
      %cond3A_119 = arith.cmpi ne, %convert_element_type3A_117, %cond3A_118 : i32
      scf.if %cond3A_119 {
        %dma_start3A_394 = arith.constant 0 : i32
        %dma_start3A_395 = arith.constant 0 : i32
        %dma_start3A_396 = tpu.memref_slice %arg2[%dma_start3A_394, %dma_start3A_395] : memref<10000x64xf32, #tpu.memory_space<hbm>> -> memref<10000x64xf32, #tpu.memory_space<hbm>>
        tpu.enqueue_indirect_dma source(%dma_start3A_396 : memref<10000x64xf32, #tpu.memory_space<hbm>>) target(%arg30 : memref<80x64xf32, #tpu.memory_space<vmem>>) offsets(%arg10 : memref<80xi32, #tpu.memory_space<vmem>>) semaphore(%arg43 : memref<!tpu.dma_semaphore, #tpu.memory_space<semaphore_mem>>)
      } else {
      }
      %eq3A_120 = arith.constant 1 : i32
      %eq3A_121 = arith.cmpi eq, %arg0, %eq3A_120 : i32
      %convert_element_type3A_122 = arith.extui %eq3A_121 : i1 to i32
      %cond3A_123 = arith.constant 0 : i32
      %cond3A_124 = arith.cmpi ne, %convert_element_type3A_122, %cond3A_123 : i32
      scf.if %cond3A_124 {
        %dma_start3A_394 = arith.constant 0 : i32
        %dma_start3A_395 = arith.constant 0 : i32
        %dma_start3A_396 = tpu.memref_slice %arg3[%dma_start3A_394, %dma_start3A_395] : memref<10000x64xf32, #tpu.memory_space<hbm>> -> memref<10000x64xf32, #tpu.memory_space<hbm>>
        tpu.enqueue_indirect_dma source(%dma_start3A_396 : memref<10000x64xf32, #tpu.memory_space<hbm>>) target(%arg30 : memref<80x64xf32, #tpu.memory_space<vmem>>) offsets(%arg10 : memref<80xi32, #tpu.memory_space<vmem>>) semaphore(%arg43 : memref<!tpu.dma_semaphore, #tpu.memory_space<semaphore_mem>>)
      } else {
      }
      %dma_wait3A_125 = tpu.memref_slice %arg4[%multiple_of3A_78] : memref<320000xi32, #tpu.memory_space<hbm>> -> memref<80xi32, #tpu.memory_space<hbm>>
      %dma_wait3A_126 = tpu.memref_slice %arg4[%multiple_of3A_78] : memref<320000xi32, #tpu.memory_space<hbm>> -> memref<80xi32, #tpu.memory_space<hbm>>
      tpu.wait_dma2 semaphore(%arg40 : memref<!tpu.dma_semaphore, #tpu.memory_space<semaphore_mem>>) src(%dma_wait3A_126 : memref<80xi32, #tpu.memory_space<hbm>>) dst(%arg11 : memref<80xi32, #tpu.memory_space<vmem>>)
      %dma_wait3A_127 = tpu.memref_slice %arg5[%multiple_of3A_78] : memref<320000xi32, #tpu.memory_space<hbm>> -> memref<80xi32, #tpu.memory_space<hbm>>
      %dma_wait3A_128 = tpu.memref_slice %arg5[%multiple_of3A_78] : memref<320000xi32, #tpu.memory_space<hbm>> -> memref<80xi32, #tpu.memory_space<hbm>>
      tpu.wait_dma2 semaphore(%arg40 : memref<!tpu.dma_semaphore, #tpu.memory_space<semaphore_mem>>) src(%dma_wait3A_128 : memref<80xi32, #tpu.memory_space<hbm>>) dst(%arg21 : memref<80xi32, #tpu.memory_space<vmem>>)
      %eq3A_129 = arith.constant 0 : i32
      %eq3A_130 = arith.cmpi eq, %arg0, %eq3A_129 : i32
      %convert_element_type3A_131 = arith.extui %eq3A_130 : i1 to i32
      %cond3A_132 = arith.constant 0 : i32
      %cond3A_133 = arith.cmpi ne, %convert_element_type3A_131, %cond3A_132 : i32
      scf.if %cond3A_133 {
        %dma_start3A_394 = arith.constant 0 : i32
        %dma_start3A_395 = arith.constant 0 : i32
        %dma_start3A_396 = tpu.memref_slice %arg2[%dma_start3A_394, %dma_start3A_395] : memref<10000x64xf32, #tpu.memory_space<hbm>> -> memref<10000x64xf32, #tpu.memory_space<hbm>>
        tpu.enqueue_indirect_dma source(%dma_start3A_396 : memref<10000x64xf32, #tpu.memory_space<hbm>>) target(%arg31 : memref<80x64xf32, #tpu.memory_space<vmem>>) offsets(%arg11 : memref<80xi32, #tpu.memory_space<vmem>>) semaphore(%arg44 : memref<!tpu.dma_semaphore, #tpu.memory_space<semaphore_mem>>)
      } else {
      }
      %eq3A_134 = arith.constant 1 : i32
      %eq3A_135 = arith.cmpi eq, %arg0, %eq3A_134 : i32
      %convert_element_type3A_136 = arith.extui %eq3A_135 : i1 to i32
      %cond3A_137 = arith.constant 0 : i32
      %cond3A_138 = arith.cmpi ne, %convert_element_type3A_136, %cond3A_137 : i32
      scf.if %cond3A_138 {
        %dma_start3A_394 = arith.constant 0 : i32
        %dma_start3A_395 = arith.constant 0 : i32
        %dma_start3A_396 = tpu.memref_slice %arg3[%dma_start3A_394, %dma_start3A_395] : memref<10000x64xf32, #tpu.memory_space<hbm>> -> memref<10000x64xf32, #tpu.memory_space<hbm>>
        tpu.enqueue_indirect_dma source(%dma_start3A_396 : memref<10000x64xf32, #tpu.memory_space<hbm>>) target(%arg31 : memref<80x64xf32, #tpu.memory_space<vmem>>) offsets(%arg11 : memref<80xi32, #tpu.memory_space<vmem>>) semaphore(%arg44 : memref<!tpu.dma_semaphore, #tpu.memory_space<semaphore_mem>>)
      } else {
      }
      %dma_wait3A_139 = tpu.memref_slice %arg4[%multiple_of3A_85] : memref<320000xi32, #tpu.memory_space<hbm>> -> memref<80xi32, #tpu.memory_space<hbm>>
      %dma_wait3A_140 = tpu.memref_slice %arg4[%multiple_of3A_85] : memref<320000xi32, #tpu.memory_space<hbm>> -> memref<80xi32, #tpu.memory_space<hbm>>
      tpu.wait_dma2 semaphore(%arg40 : memref<!tpu.dma_semaphore, #tpu.memory_space<semaphore_mem>>) src(%dma_wait3A_140 : memref<80xi32, #tpu.memory_space<hbm>>) dst(%arg12 : memref<80xi32, #tpu.memory_space<vmem>>)
      %dma_wait3A_141 = tpu.memref_slice %arg5[%multiple_of3A_85] : memref<320000xi32, #tpu.memory_space<hbm>> -> memref<80xi32, #tpu.memory_space<hbm>>
      %dma_wait3A_142 = tpu.memref_slice %arg5[%multiple_of3A_85] : memref<320000xi32, #tpu.memory_space<hbm>> -> memref<80xi32, #tpu.memory_space<hbm>>
      tpu.wait_dma2 semaphore(%arg40 : memref<!tpu.dma_semaphore, #tpu.memory_space<semaphore_mem>>) src(%dma_wait3A_142 : memref<80xi32, #tpu.memory_space<hbm>>) dst(%arg22 : memref<80xi32, #tpu.memory_space<vmem>>)
      %eq3A_143 = arith.constant 0 : i32
      %eq3A_144 = arith.cmpi eq, %arg0, %eq3A_143 : i32
      %convert_element_type3A_145 = arith.extui %eq3A_144 : i1 to i32
      %cond3A_146 = arith.constant 0 : i32
      %cond3A_147 = arith.cmpi ne, %convert_element_type3A_145, %cond3A_146 : i32
      scf.if %cond3A_147 {
        %dma_start3A_394 = arith.constant 0 : i32
        %dma_start3A_395 = arith.constant 0 : i32
        %dma_start3A_396 = tpu.memref_slice %arg2[%dma_start3A_394, %dma_start3A_395] : memref<10000x64xf32, #tpu.memory_space<hbm>> -> memref<10000x64xf32, #tpu.memory_space<hbm>>
        tpu.enqueue_indirect_dma source(%dma_start3A_396 : memref<10000x64xf32, #tpu.memory_space<hbm>>) target(%arg32 : memref<80x64xf32, #tpu.memory_space<vmem>>) offsets(%arg12 : memref<80xi32, #tpu.memory_space<vmem>>) semaphore(%arg45 : memref<!tpu.dma_semaphore, #tpu.memory_space<semaphore_mem>>)
      } else {
      }
      %eq3A_148 = arith.constant 1 : i32
      %eq3A_149 = arith.cmpi eq, %arg0, %eq3A_148 : i32
      %convert_element_type3A_150 = arith.extui %eq3A_149 : i1 to i32
      %cond3A_151 = arith.constant 0 : i32
      %cond3A_152 = arith.cmpi ne, %convert_element_type3A_150, %cond3A_151 : i32
      scf.if %cond3A_152 {
        %dma_start3A_394 = arith.constant 0 : i32
        %dma_start3A_395 = arith.constant 0 : i32
        %dma_start3A_396 = tpu.memref_slice %arg3[%dma_start3A_394, %dma_start3A_395] : memref<10000x64xf32, #tpu.memory_space<hbm>> -> memref<10000x64xf32, #tpu.memory_space<hbm>>
        tpu.enqueue_indirect_dma source(%dma_start3A_396 : memref<10000x64xf32, #tpu.memory_space<hbm>>) target(%arg32 : memref<80x64xf32, #tpu.memory_space<vmem>>) offsets(%arg12 : memref<80xi32, #tpu.memory_space<vmem>>) semaphore(%arg45 : memref<!tpu.dma_semaphore, #tpu.memory_space<semaphore_mem>>)
      } else {
      }
      %dma_wait3A_153 = tpu.memref_slice %arg4[%multiple_of3A_92] : memref<320000xi32, #tpu.memory_space<hbm>> -> memref<80xi32, #tpu.memory_space<hbm>>
      %dma_wait3A_154 = tpu.memref_slice %arg4[%multiple_of3A_92] : memref<320000xi32, #tpu.memory_space<hbm>> -> memref<80xi32, #tpu.memory_space<hbm>>
      tpu.wait_dma2 semaphore(%arg40 : memref<!tpu.dma_semaphore, #tpu.memory_space<semaphore_mem>>) src(%dma_wait3A_154 : memref<80xi32, #tpu.memory_space<hbm>>) dst(%arg13 : memref<80xi32, #tpu.memory_space<vmem>>)
      %dma_wait3A_155 = tpu.memref_slice %arg5[%multiple_of3A_92] : memref<320000xi32, #tpu.memory_space<hbm>> -> memref<80xi32, #tpu.memory_space<hbm>>
      %dma_wait3A_156 = tpu.memref_slice %arg5[%multiple_of3A_92] : memref<320000xi32, #tpu.memory_space<hbm>> -> memref<80xi32, #tpu.memory_space<hbm>>
      tpu.wait_dma2 semaphore(%arg40 : memref<!tpu.dma_semaphore, #tpu.memory_space<semaphore_mem>>) src(%dma_wait3A_156 : memref<80xi32, #tpu.memory_space<hbm>>) dst(%arg23 : memref<80xi32, #tpu.memory_space<vmem>>)
      %eq3A_157 = arith.constant 0 : i32
      %eq3A_158 = arith.cmpi eq, %arg0, %eq3A_157 : i32
      %convert_element_type3A_159 = arith.extui %eq3A_158 : i1 to i32
      %cond3A_160 = arith.constant 0 : i32
      %cond3A_161 = arith.cmpi ne, %convert_element_type3A_159, %cond3A_160 : i32
      scf.if %cond3A_161 {
        %dma_start3A_394 = arith.constant 0 : i32
        %dma_start3A_395 = arith.constant 0 : i32
        %dma_start3A_396 = tpu.memref_slice %arg2[%dma_start3A_394, %dma_start3A_395] : memref<10000x64xf32, #tpu.memory_space<hbm>> -> memref<10000x64xf32, #tpu.memory_space<hbm>>
        tpu.enqueue_indirect_dma source(%dma_start3A_396 : memref<10000x64xf32, #tpu.memory_space<hbm>>) target(%arg33 : memref<80x64xf32, #tpu.memory_space<vmem>>) offsets(%arg13 : memref<80xi32, #tpu.memory_space<vmem>>) semaphore(%arg46 : memref<!tpu.dma_semaphore, #tpu.memory_space<semaphore_mem>>)
      } else {
      }
      %eq3A_162 = arith.constant 1 : i32
      %eq3A_163 = arith.cmpi eq, %arg0, %eq3A_162 : i32
      %convert_element_type3A_164 = arith.extui %eq3A_163 : i1 to i32
      %cond3A_165 = arith.constant 0 : i32
      %cond3A_166 = arith.cmpi ne, %convert_element_type3A_164, %cond3A_165 : i32
      scf.if %cond3A_166 {
        %dma_start3A_394 = arith.constant 0 : i32
        %dma_start3A_395 = arith.constant 0 : i32
        %dma_start3A_396 = tpu.memref_slice %arg3[%dma_start3A_394, %dma_start3A_395] : memref<10000x64xf32, #tpu.memory_space<hbm>> -> memref<10000x64xf32, #tpu.memory_space<hbm>>
        tpu.enqueue_indirect_dma source(%dma_start3A_396 : memref<10000x64xf32, #tpu.memory_space<hbm>>) target(%arg33 : memref<80x64xf32, #tpu.memory_space<vmem>>) offsets(%arg13 : memref<80xi32, #tpu.memory_space<vmem>>) semaphore(%arg46 : memref<!tpu.dma_semaphore, #tpu.memory_space<semaphore_mem>>)
      } else {
      }
      %dma_wait3A_167 = arith.constant 0 : i32
      %dma_wait3A_168 = arith.constant 0 : i32
      %dma_wait3A_169 = tpu.memref_slice %arg2[%dma_wait3A_167, %dma_wait3A_168] : memref<10000x64xf32, #tpu.memory_space<hbm>> -> memref<10000x64xf32, #tpu.memory_space<hbm>>
      tpu.wait_indirect_dma semaphore(%arg42 : memref<!tpu.dma_semaphore, #tpu.memory_space<semaphore_mem>>) src(%dma_wait3A_169 : memref<10000x64xf32, #tpu.memory_space<hbm>>) dst(%arg29 : memref<80x64xf32, #tpu.memory_space<vmem>>)
      %eq3A_170 = arith.constant 0 : i32
      %eq3A_171 = arith.cmpi eq, %arg0, %eq3A_170 : i32
      %convert_element_type3A_172 = arith.extui %eq3A_171 : i1 to i32
      %cond3A_173 = arith.constant 0 : i32
      %cond3A_174 = arith.cmpi ne, %convert_element_type3A_172, %cond3A_173 : i32
      scf.if %cond3A_174 {
        %broadcast_in_dim3A = arith.constant 1.000000e+00 : f32
        %broadcast_in_dim3A_394 = vector.broadcast %broadcast_in_dim3A : f32 to vector<16xf32>
        %get3A = arith.constant 0 : index
        %get3A_395 = tpu.vector_load %arg19[%get3A] {strides = array<i32>} : memref<80xi32, #tpu.memory_space<vmem>>, vector<16xi32>,
        tpu.vector_store_idx %arg54[%get3A_395], %broadcast_in_dim3A_394 {add = true} : memref<10240xf32, #tpu.memory_space<vmem>>[vector<16xi32>], vector<16xf32>,
        %get3A_396 = arith.constant 16 : index
        %get3A_397 = tpu.vector_load %arg19[%get3A_396] {strides = array<i32>} : memref<80xi32, #tpu.memory_space<vmem>>, vector<16xi32>,
        tpu.vector_store_idx %arg54[%get3A_397], %broadcast_in_dim3A_394 {add = true} : memref<10240xf32, #tpu.memory_space<vmem>>[vector<16xi32>], vector<16xf32>,
        %get3A_398 = arith.constant 32 : index
        %get3A_399 = tpu.vector_load %arg19[%get3A_398] {strides = array<i32>} : memref<80xi32, #tpu.memory_space<vmem>>, vector<16xi32>,
        tpu.vector_store_idx %arg54[%get3A_399], %broadcast_in_dim3A_394 {add = true} : memref<10240xf32, #tpu.memory_space<vmem>>[vector<16xi32>], vector<16xf32>,
        %get3A_400 = arith.constant 48 : index
        %get3A_401 = tpu.vector_load %arg19[%get3A_400] {strides = array<i32>} : memref<80xi32, #tpu.memory_space<vmem>>, vector<16xi32>,
        tpu.vector_store_idx %arg54[%get3A_401], %broadcast_in_dim3A_394 {add = true} : memref<10240xf32, #tpu.memory_space<vmem>>[vector<16xi32>], vector<16xf32>,
        %get3A_402 = arith.constant 64 : index
        %get3A_403 = tpu.vector_load %arg19[%get3A_402] {strides = array<i32>} : memref<80xi32, #tpu.memory_space<vmem>>, vector<16xi32>,
        tpu.vector_store_idx %arg54[%get3A_403], %broadcast_in_dim3A_394 {add = true} : memref<10240xf32, #tpu.memory_space<vmem>>[vector<16xi32>], vector<16xf32>,
      } else {
      }
      %dma_start3A_175 = arith.constant 0 : i32
      %dma_start3A_176 = arith.constant 0 : i32
      %dma_start3A_177 = tpu.memref_slice %arg39[%dma_start3A_175, %dma_start3A_176] : memref<10240x64xf32, #tpu.memory_space<vmem_shared>> -> memref<10240x64xf32, #tpu.memory_space<vmem_shared>>
      tpu.enqueue_indirect_dma source(%arg29 : memref<80x64xf32, #tpu.memory_space<vmem>>) target(%dma_start3A_177 : memref<10240x64xf32, #tpu.memory_space<vmem_shared>>) offsets(%arg19 : memref<80xi32, #tpu.memory_space<vmem>>) semaphore(%arg52 : memref<!tpu.dma_semaphore, #tpu.memory_space<semaphore_mem>>) {add = true}
      %dma_wait3A_178 = arith.constant 0 : i32
      %dma_wait3A_179 = arith.constant 0 : i32
      %dma_wait3A_180 = tpu.memref_slice %arg2[%dma_wait3A_178, %dma_wait3A_179] : memref<10000x64xf32, #tpu.memory_space<hbm>> -> memref<10000x64xf32, #tpu.memory_space<hbm>>
      tpu.wait_indirect_dma semaphore(%arg43 : memref<!tpu.dma_semaphore, #tpu.memory_space<semaphore_mem>>) src(%dma_wait3A_180 : memref<10000x64xf32, #tpu.memory_space<hbm>>) dst(%arg30 : memref<80x64xf32, #tpu.memory_space<vmem>>)
      %eq3A_181 = arith.constant 0 : i32
      %eq3A_182 = arith.cmpi eq, %arg0, %eq3A_181 : i32
      %convert_element_type3A_183 = arith.extui %eq3A_182 : i1 to i32
      %cond3A_184 = arith.constant 0 : i32
      %cond3A_185 = arith.cmpi ne, %convert_element_type3A_183, %cond3A_184 : i32
      scf.if %cond3A_185 {
        %broadcast_in_dim3A = arith.constant 1.000000e+00 : f32
        %broadcast_in_dim3A_394 = vector.broadcast %broadcast_in_dim3A : f32 to vector<16xf32>
        %get3A = arith.constant 0 : index
        %get3A_395 = tpu.vector_load %arg20[%get3A] {strides = array<i32>} : memref<80xi32, #tpu.memory_space<vmem>>, vector<16xi32>,
        tpu.vector_store_idx %arg54[%get3A_395], %broadcast_in_dim3A_394 {add = true} : memref<10240xf32, #tpu.memory_space<vmem>>[vector<16xi32>], vector<16xf32>,
        %get3A_396 = arith.constant 16 : index
        %get3A_397 = tpu.vector_load %arg20[%get3A_396] {strides = array<i32>} : memref<80xi32, #tpu.memory_space<vmem>>, vector<16xi32>,
        tpu.vector_store_idx %arg54[%get3A_397], %broadcast_in_dim3A_394 {add = true} : memref<10240xf32, #tpu.memory_space<vmem>>[vector<16xi32>], vector<16xf32>,
        %get3A_398 = arith.constant 32 : index
        %get3A_399 = tpu.vector_load %arg20[%get3A_398] {strides = array<i32>} : memref<80xi32, #tpu.memory_space<vmem>>, vector<16xi32>,
        tpu.vector_store_idx %arg54[%get3A_399], %broadcast_in_dim3A_394 {add = true} : memref<10240xf32, #tpu.memory_space<vmem>>[vector<16xi32>], vector<16xf32>,
        %get3A_400 = arith.constant 48 : index
        %get3A_401 = tpu.vector_load %arg20[%get3A_400] {strides = array<i32>} : memref<80xi32, #tpu.memory_space<vmem>>, vector<16xi32>,
        tpu.vector_store_idx %arg54[%get3A_401], %broadcast_in_dim3A_394 {add = true} : memref<10240xf32, #tpu.memory_space<vmem>>[vector<16xi32>], vector<16xf32>,
        %get3A_402 = arith.constant 64 : index
        %get3A_403 = tpu.vector_load %arg20[%get3A_402] {strides = array<i32>} : memref<80xi32, #tpu.memory_space<vmem>>, vector<16xi32>,
        tpu.vector_store_idx %arg54[%get3A_403], %broadcast_in_dim3A_394 {add = true} : memref<10240xf32, #tpu.memory_space<vmem>>[vector<16xi32>], vector<16xf32>,
      } else {
      }
      %dma_start3A_186 = arith.constant 0 : i32
      %dma_start3A_187 = arith.constant 0 : i32
      %dma_start3A_188 = tpu.memref_slice %arg39[%dma_start3A_186, %dma_start3A_187] : memref<10240x64xf32, #tpu.memory_space<vmem_shared>> -> memref<10240x64xf32, #tpu.memory_space<vmem_shared>>
      tpu.enqueue_indirect_dma source(%arg30 : memref<80x64xf32, #tpu.memory_space<vmem>>) target(%dma_start3A_188 : memref<10240x64xf32, #tpu.memory_space<vmem_shared>>) offsets(%arg20 : memref<80xi32, #tpu.memory_space<vmem>>) semaphore(%arg52 : memref<!tpu.dma_semaphore, #tpu.memory_space<semaphore_mem>>) {add = true}
      %dma_wait3A_189 = arith.constant 0 : i32
      %dma_wait3A_190 = arith.constant 0 : i32
      %dma_wait3A_191 = tpu.memref_slice %arg2[%dma_wait3A_189, %dma_wait3A_190] : memref<10000x64xf32, #tpu.memory_space<hbm>> -> memref<10000x64xf32, #tpu.memory_space<hbm>>
      tpu.wait_indirect_dma semaphore(%arg44 : memref<!tpu.dma_semaphore, #tpu.memory_space<semaphore_mem>>) src(%dma_wait3A_191 : memref<10000x64xf32, #tpu.memory_space<hbm>>) dst(%arg31 : memref<80x64xf32, #tpu.memory_space<vmem>>)
      %eq3A_192 = arith.constant 0 : i32
      %eq3A_193 = arith.cmpi eq, %arg0, %eq3A_192 : i32
      %convert_element_type3A_194 = arith.extui %eq3A_193 : i1 to i32
      %cond3A_195 = arith.constant 0 : i32
      %cond3A_196 = arith.cmpi ne, %convert_element_type3A_194, %cond3A_195 : i32
      scf.if %cond3A_196 {
        %broadcast_in_dim3A = arith.constant 1.000000e+00 : f32
        %broadcast_in_dim3A_394 = vector.broadcast %broadcast_in_dim3A : f32 to vector<16xf32>
        %get3A = arith.constant 0 : index
        %get3A_395 = tpu.vector_load %arg21[%get3A] {strides = array<i32>} : memref<80xi32, #tpu.memory_space<vmem>>, vector<16xi32>,
        tpu.vector_store_idx %arg54[%get3A_395], %broadcast_in_dim3A_394 {add = true} : memref<10240xf32, #tpu.memory_space<vmem>>[vector<16xi32>], vector<16xf32>,
        %get3A_396 = arith.constant 16 : index
        %get3A_397 = tpu.vector_load %arg21[%get3A_396] {strides = array<i32>} : memref<80xi32, #tpu.memory_space<vmem>>, vector<16xi32>,
        tpu.vector_store_idx %arg54[%get3A_397], %broadcast_in_dim3A_394 {add = true} : memref<10240xf32, #tpu.memory_space<vmem>>[vector<16xi32>], vector<16xf32>,
        %get3A_398 = arith.constant 32 : index
        %get3A_399 = tpu.vector_load %arg21[%get3A_398] {strides = array<i32>} : memref<80xi32, #tpu.memory_space<vmem>>, vector<16xi32>,
        tpu.vector_store_idx %arg54[%get3A_399], %broadcast_in_dim3A_394 {add = true} : memref<10240xf32, #tpu.memory_space<vmem>>[vector<16xi32>], vector<16xf32>,
        %get3A_400 = arith.constant 48 : index
        %get3A_401 = tpu.vector_load %arg21[%get3A_400] {strides = array<i32>} : memref<80xi32, #tpu.memory_space<vmem>>, vector<16xi32>,
        tpu.vector_store_idx %arg54[%get3A_401], %broadcast_in_dim3A_394 {add = true} : memref<10240xf32, #tpu.memory_space<vmem>>[vector<16xi32>], vector<16xf32>,
        %get3A_402 = arith.constant 64 : index
        %get3A_403 = tpu.vector_load %arg21[%get3A_402] {strides = array<i32>} : memref<80xi32, #tpu.memory_space<vmem>>, vector<16xi32>,
        tpu.vector_store_idx %arg54[%get3A_403], %broadcast_in_dim3A_394 {add = true} : memref<10240xf32, #tpu.memory_space<vmem>>[vector<16xi32>], vector<16xf32>,
      } else {
      }
      %dma_start3A_197 = arith.constant 0 : i32
      %dma_start3A_198 = arith.constant 0 : i32
      %dma_start3A_199 = tpu.memref_slice %arg39[%dma_start3A_197, %dma_start3A_198] : memref<10240x64xf32, #tpu.memory_space<vmem_shared>> -> memref<10240x64xf32, #tpu.memory_space<vmem_shared>>
      tpu.enqueue_indirect_dma source(%arg31 : memref<80x64xf32, #tpu.memory_space<vmem>>) target(%dma_start3A_199 : memref<10240x64xf32, #tpu.memory_space<vmem_shared>>) offsets(%arg21 : memref<80xi32, #tpu.memory_space<vmem>>) semaphore(%arg52 : memref<!tpu.dma_semaphore, #tpu.memory_space<semaphore_mem>>) {add = true}
      %dma_wait3A_200 = arith.constant 0 : i32
      %dma_wait3A_201 = arith.constant 0 : i32
      %dma_wait3A_202 = tpu.memref_slice %arg2[%dma_wait3A_200, %dma_wait3A_201] : memref<10000x64xf32, #tpu.memory_space<hbm>> -> memref<10000x64xf32, #tpu.memory_space<hbm>>
      tpu.wait_indirect_dma semaphore(%arg45 : memref<!tpu.dma_semaphore, #tpu.memory_space<semaphore_mem>>) src(%dma_wait3A_202 : memref<10000x64xf32, #tpu.memory_space<hbm>>) dst(%arg32 : memref<80x64xf32, #tpu.memory_space<vmem>>)
      %eq3A_203 = arith.constant 0 : i32
      %eq3A_204 = arith.cmpi eq, %arg0, %eq3A_203 : i32
      %convert_element_type3A_205 = arith.extui %eq3A_204 : i1 to i32
      %cond3A_206 = arith.constant 0 : i32
      %cond3A_207 = arith.cmpi ne, %convert_element_type3A_205, %cond3A_206 : i32
      scf.if %cond3A_207 {
        %broadcast_in_dim3A = arith.constant 1.000000e+00 : f32
        %broadcast_in_dim3A_394 = vector.broadcast %broadcast_in_dim3A : f32 to vector<16xf32>
        %get3A = arith.constant 0 : index
        %get3A_395 = tpu.vector_load %arg22[%get3A] {strides = array<i32>} : memref<80xi32, #tpu.memory_space<vmem>>, vector<16xi32>,
        tpu.vector_store_idx %arg54[%get3A_395], %broadcast_in_dim3A_394 {add = true} : memref<10240xf32, #tpu.memory_space<vmem>>[vector<16xi32>], vector<16xf32>,
        %get3A_396 = arith.constant 16 : index
        %get3A_397 = tpu.vector_load %arg22[%get3A_396] {strides = array<i32>} : memref<80xi32, #tpu.memory_space<vmem>>, vector<16xi32>,
        tpu.vector_store_idx %arg54[%get3A_397], %broadcast_in_dim3A_394 {add = true} : memref<10240xf32, #tpu.memory_space<vmem>>[vector<16xi32>], vector<16xf32>,
        %get3A_398 = arith.constant 32 : index
        %get3A_399 = tpu.vector_load %arg22[%get3A_398] {strides = array<i32>} : memref<80xi32, #tpu.memory_space<vmem>>, vector<16xi32>,
        tpu.vector_store_idx %arg54[%get3A_399], %broadcast_in_dim3A_394 {add = true} : memref<10240xf32, #tpu.memory_space<vmem>>[vector<16xi32>], vector<16xf32>,
        %get3A_400 = arith.constant 48 : index
        %get3A_401 = tpu.vector_load %arg22[%get3A_400] {strides = array<i32>} : memref<80xi32, #tpu.memory_space<vmem>>, vector<16xi32>,
        tpu.vector_store_idx %arg54[%get3A_401], %broadcast_in_dim3A_394 {add = true} : memref<10240xf32, #tpu.memory_space<vmem>>[vector<16xi32>], vector<16xf32>,
        %get3A_402 = arith.constant 64 : index
        %get3A_403 = tpu.vector_load %arg22[%get3A_402] {strides = array<i32>} : memref<80xi32, #tpu.memory_space<vmem>>, vector<16xi32>,
        tpu.vector_store_idx %arg54[%get3A_403], %broadcast_in_dim3A_394 {add = true} : memref<10240xf32, #tpu.memory_space<vmem>>[vector<16xi32>], vector<16xf32>,
      } else {
      }
      %dma_start3A_208 = arith.constant 0 : i32
      %dma_start3A_209 = arith.constant 0 : i32
      %dma_start3A_210 = tpu.memref_slice %arg39[%dma_start3A_208, %dma_start3A_209] : memref<10240x64xf32, #tpu.memory_space<vmem_shared>> -> memref<10240x64xf32, #tpu.memory_space<vmem_shared>>
      tpu.enqueue_indirect_dma source(%arg32 : memref<80x64xf32, #tpu.memory_space<vmem>>) target(%dma_start3A_210 : memref<10240x64xf32, #tpu.memory_space<vmem_shared>>) offsets(%arg22 : memref<80xi32, #tpu.memory_space<vmem>>) semaphore(%arg52 : memref<!tpu.dma_semaphore, #tpu.memory_space<semaphore_mem>>) {add = true}
      %dma_wait3A_211 = arith.constant 0 : i32
      %dma_wait3A_212 = arith.constant 0 : i32
      %dma_wait3A_213 = tpu.memref_slice %arg2[%dma_wait3A_211, %dma_wait3A_212] : memref<10000x64xf32, #tpu.memory_space<hbm>> -> memref<10000x64xf32, #tpu.memory_space<hbm>>
      tpu.wait_indirect_dma semaphore(%arg46 : memref<!tpu.dma_semaphore, #tpu.memory_space<semaphore_mem>>) src(%dma_wait3A_213 : memref<10000x64xf32, #tpu.memory_space<hbm>>) dst(%arg33 : memref<80x64xf32, #tpu.memory_space<vmem>>)
      %eq3A_214 = arith.constant 0 : i32
      %eq3A_215 = arith.cmpi eq, %arg0, %eq3A_214 : i32
      %convert_element_type3A_216 = arith.extui %eq3A_215 : i1 to i32
      %cond3A_217 = arith.constant 0 : i32
      %cond3A_218 = arith.cmpi ne, %convert_element_type3A_216, %cond3A_217 : i32
      scf.if %cond3A_218 {
        %broadcast_in_dim3A = arith.constant 1.000000e+00 : f32
        %broadcast_in_dim3A_394 = vector.broadcast %broadcast_in_dim3A : f32 to vector<16xf32>
        %get3A = arith.constant 0 : index
        %get3A_395 = tpu.vector_load %arg23[%get3A] {strides = array<i32>} : memref<80xi32, #tpu.memory_space<vmem>>, vector<16xi32>,
        tpu.vector_store_idx %arg54[%get3A_395], %broadcast_in_dim3A_394 {add = true} : memref<10240xf32, #tpu.memory_space<vmem>>[vector<16xi32>], vector<16xf32>,
        %get3A_396 = arith.constant 16 : index
        %get3A_397 = tpu.vector_load %arg23[%get3A_396] {strides = array<i32>} : memref<80xi32, #tpu.memory_space<vmem>>, vector<16xi32>,
        tpu.vector_store_idx %arg54[%get3A_397], %broadcast_in_dim3A_394 {add = true} : memref<10240xf32, #tpu.memory_space<vmem>>[vector<16xi32>], vector<16xf32>,
        %get3A_398 = arith.constant 32 : index
        %get3A_399 = tpu.vector_load %arg23[%get3A_398] {strides = array<i32>} : memref<80xi32, #tpu.memory_space<vmem>>, vector<16xi32>,
        tpu.vector_store_idx %arg54[%get3A_399], %broadcast_in_dim3A_394 {add = true} : memref<10240xf32, #tpu.memory_space<vmem>>[vector<16xi32>], vector<16xf32>,
        %get3A_400 = arith.constant 48 : index
        %get3A_401 = tpu.vector_load %arg23[%get3A_400] {strides = array<i32>} : memref<80xi32, #tpu.memory_space<vmem>>, vector<16xi32>,
        tpu.vector_store_idx %arg54[%get3A_401], %broadcast_in_dim3A_394 {add = true} : memref<10240xf32, #tpu.memory_space<vmem>>[vector<16xi32>], vector<16xf32>,
        %get3A_402 = arith.constant 64 : index
        %get3A_403 = tpu.vector_load %arg23[%get3A_402] {strides = array<i32>} : memref<80xi32, #tpu.memory_space<vmem>>, vector<16xi32>,
        tpu.vector_store_idx %arg54[%get3A_403], %broadcast_in_dim3A_394 {add = true} : memref<10240xf32, #tpu.memory_space<vmem>>[vector<16xi32>], vector<16xf32>,
      } else {
      }
      %dma_start3A_219 = arith.constant 0 : i32
      %dma_start3A_220 = arith.constant 0 : i32
      %dma_start3A_221 = tpu.memref_slice %arg39[%dma_start3A_219, %dma_start3A_220] : memref<10240x64xf32, #tpu.memory_space<vmem_shared>> -> memref<10240x64xf32, #tpu.memory_space<vmem_shared>>
      tpu.enqueue_indirect_dma source(%arg33 : memref<80x64xf32, #tpu.memory_space<vmem>>) target(%dma_start3A_221 : memref<10240x64xf32, #tpu.memory_space<vmem_shared>>) offsets(%arg23 : memref<80xi32, #tpu.memory_space<vmem>>) semaphore(%arg52 : memref<!tpu.dma_semaphore, #tpu.memory_space<semaphore_mem>>) {add = true}
      %gt3A_222 = arith.constant 0 : i32
      %gt3A_223 = arith.cmpi sgt, %add3A_51, %gt3A_222 : i32
      %convert_element_type3A_224 = arith.extui %gt3A_223 : i1 to i32
      %cond3A_225 = arith.constant 0 : i32
      %cond3A_226 = arith.cmpi ne, %convert_element_type3A_224, %cond3A_225 : i32
      scf.if %cond3A_226 {
        %dma_wait3A_394 = arith.constant 0 : i32
        %dma_wait3A_395 = arith.constant 0 : i32
        %dma_wait3A_396 = tpu.memref_slice %arg39[%dma_wait3A_394, %dma_wait3A_395] : memref<10240x64xf32, #tpu.memory_space<vmem_shared>> -> memref<10240x64xf32, #tpu.memory_space<vmem_shared>>
        tpu.wait_indirect_dma semaphore(%arg53 : memref<!tpu.dma_semaphore, #tpu.memory_space<semaphore_mem>>) src(%arg34 : memref<80x64xf32, #tpu.memory_space<vmem>>) dst(%dma_wait3A_396 : memref<10240x64xf32, #tpu.memory_space<vmem_shared>>)
        %dma_wait3A_397 = arith.constant 0 : i32
        %dma_wait3A_398 = arith.constant 0 : i32
        %dma_wait3A_399 = tpu.memref_slice %arg39[%dma_wait3A_397, %dma_wait3A_398] : memref<10240x64xf32, #tpu.memory_space<vmem_shared>> -> memref<10240x64xf32, #tpu.memory_space<vmem_shared>>
        tpu.wait_indirect_dma semaphore(%arg53 : memref<!tpu.dma_semaphore, #tpu.memory_space<semaphore_mem>>) src(%arg35 : memref<80x64xf32, #tpu.memory_space<vmem>>) dst(%dma_wait3A_399 : memref<10240x64xf32, #tpu.memory_space<vmem_shared>>)
        %dma_wait3A_400 = arith.constant 0 : i32
        %dma_wait3A_401 = arith.constant 0 : i32
        %dma_wait3A_402 = tpu.memref_slice %arg39[%dma_wait3A_400, %dma_wait3A_401] : memref<10240x64xf32, #tpu.memory_space<vmem_shared>> -> memref<10240x64xf32, #tpu.memory_space<vmem_shared>>
        tpu.wait_indirect_dma semaphore(%arg53 : memref<!tpu.dma_semaphore, #tpu.memory_space<semaphore_mem>>) src(%arg36 : memref<80x64xf32, #tpu.memory_space<vmem>>) dst(%dma_wait3A_402 : memref<10240x64xf32, #tpu.memory_space<vmem_shared>>)
        %dma_wait3A_403 = arith.constant 0 : i32
        %dma_wait3A_404 = arith.constant 0 : i32
        %dma_wait3A_405 = tpu.memref_slice %arg39[%dma_wait3A_403, %dma_wait3A_404] : memref<10240x64xf32, #tpu.memory_space<vmem_shared>> -> memref<10240x64xf32, #tpu.memory_space<vmem_shared>>
        tpu.wait_indirect_dma semaphore(%arg53 : memref<!tpu.dma_semaphore, #tpu.memory_space<semaphore_mem>>) src(%arg37 : memref<80x64xf32, #tpu.memory_space<vmem>>) dst(%dma_wait3A_405 : memref<10240x64xf32, #tpu.memory_space<vmem_shared>>)
        %dma_wait3A_406 = arith.constant 0 : i32
        %dma_wait3A_407 = arith.constant 0 : i32
        %dma_wait3A_408 = tpu.memref_slice %arg39[%dma_wait3A_406, %dma_wait3A_407] : memref<10240x64xf32, #tpu.memory_space<vmem_shared>> -> memref<10240x64xf32, #tpu.memory_space<vmem_shared>>
        tpu.wait_indirect_dma semaphore(%arg53 : memref<!tpu.dma_semaphore, #tpu.memory_space<semaphore_mem>>) src(%arg38 : memref<80x64xf32, #tpu.memory_space<vmem>>) dst(%dma_wait3A_408 : memref<10240x64xf32, #tpu.memory_space<vmem_shared>>)
      } else {
      }
      %mul3A_227 = arith.constant 10 : i32
      %mul3A_228 = arith.muli %add3A_51, %mul3A_227 : i32
      %add3A_229 = arith.constant 5 : i32
      %add3A_230 = arith.addi %mul3A_228, %add3A_229 : i32
      %mul3A_231 = arith.constant 80 : i32
      %mul3A_232 = arith.muli %add3A_230, %mul3A_231 : i32
      %add3A_233 = arith.addi %multiple_of3A, %mul3A_232 : i32
      %add3A_234 = arith.constant 0 : i32
      %add3A_235 = arith.addi %add3A_233, %add3A_234 : i32
      %multiple_of3A_236 = tpu.assume_multiple %add3A_235, 8 : i32
      %dma_start3A_237 = tpu.memref_slice %arg4[%multiple_of3A_236] : memref<320000xi32, #tpu.memory_space<hbm>> -> memref<80xi32, #tpu.memory_space<hbm>>
      %dma_start3A_238 = tpu.memref_slice %arg4[%multiple_of3A_236] : memref<320000xi32, #tpu.memory_space<hbm>> -> memref<80xi32, #tpu.memory_space<hbm>>
      tpu.enqueue_dma source(%dma_start3A_238 : memref<80xi32, #tpu.memory_space<hbm>>) target(%arg14 : memref<80xi32, #tpu.memory_space<vmem>>) target_semaphore(%arg41 : memref<!tpu.dma_semaphore, #tpu.memory_space<semaphore_mem>>)
      %dma_start3A_239 = tpu.memref_slice %arg5[%multiple_of3A_236] : memref<320000xi32, #tpu.memory_space<hbm>> -> memref<80xi32, #tpu.memory_space<hbm>>
      %dma_start3A_240 = tpu.memref_slice %arg5[%multiple_of3A_236] : memref<320000xi32, #tpu.memory_space<hbm>> -> memref<80xi32, #tpu.memory_space<hbm>>
      tpu.enqueue_dma source(%dma_start3A_240 : memref<80xi32, #tpu.memory_space<hbm>>) target(%arg24 : memref<80xi32, #tpu.memory_space<vmem>>) target_semaphore(%arg41 : memref<!tpu.dma_semaphore, #tpu.memory_space<semaphore_mem>>)
      %add3A_241 = arith.constant 80 : i32
      %add3A_242 = arith.addi %add3A_233, %add3A_241 : i32
      %multiple_of3A_243 = tpu.assume_multiple %add3A_242, 8 : i32
      %dma_start3A_244 = tpu.memref_slice %arg4[%multiple_of3A_243] : memref<320000xi32, #tpu.memory_space<hbm>> -> memref<80xi32, #tpu.memory_space<hbm>>
      %dma_start3A_245 = tpu.memref_slice %arg4[%multiple_of3A_243] : memref<320000xi32, #tpu.memory_space<hbm>> -> memref<80xi32, #tpu.memory_space<hbm>>
      tpu.enqueue_dma source(%dma_start3A_245 : memref<80xi32, #tpu.memory_space<hbm>>) target(%arg15 : memref<80xi32, #tpu.memory_space<vmem>>) target_semaphore(%arg41 : memref<!tpu.dma_semaphore, #tpu.memory_space<semaphore_mem>>)
      %dma_start3A_246 = tpu.memref_slice %arg5[%multiple_of3A_243] : memref<320000xi32, #tpu.memory_space<hbm>> -> memref<80xi32, #tpu.memory_space<hbm>>
      %dma_start3A_247 = tpu.memref_slice %arg5[%multiple_of3A_243] : memref<320000xi32, #tpu.memory_space<hbm>> -> memref<80xi32, #tpu.memory_space<hbm>>
      tpu.enqueue_dma source(%dma_start3A_247 : memref<80xi32, #tpu.memory_space<hbm>>) target(%arg25 : memref<80xi32, #tpu.memory_space<vmem>>) target_semaphore(%arg41 : memref<!tpu.dma_semaphore, #tpu.memory_space<semaphore_mem>>)
      %add3A_248 = arith.constant 160 : i32
      %add3A_249 = arith.addi %add3A_233, %add3A_248 : i32
      %multiple_of3A_250 = tpu.assume_multiple %add3A_249, 8 : i32
      %dma_start3A_251 = tpu.memref_slice %arg4[%multiple_of3A_250] : memref<320000xi32, #tpu.memory_space<hbm>> -> memref<80xi32, #tpu.memory_space<hbm>>
      %dma_start3A_252 = tpu.memref_slice %arg4[%multiple_of3A_250] : memref<320000xi32, #tpu.memory_space<hbm>> -> memref<80xi32, #tpu.memory_space<hbm>>
      tpu.enqueue_dma source(%dma_start3A_252 : memref<80xi32, #tpu.memory_space<hbm>>) target(%arg16 : memref<80xi32, #tpu.memory_space<vmem>>) target_semaphore(%arg41 : memref<!tpu.dma_semaphore, #tpu.memory_space<semaphore_mem>>)
      %dma_start3A_253 = tpu.memref_slice %arg5[%multiple_of3A_250] : memref<320000xi32, #tpu.memory_space<hbm>> -> memref<80xi32, #tpu.memory_space<hbm>>
      %dma_start3A_254 = tpu.memref_slice %arg5[%multiple_of3A_250] : memref<320000xi32, #tpu.memory_space<hbm>> -> memref<80xi32, #tpu.memory_space<hbm>>
      tpu.enqueue_dma source(%dma_start3A_254 : memref<80xi32, #tpu.memory_space<hbm>>) target(%arg26 : memref<80xi32, #tpu.memory_space<vmem>>) target_semaphore(%arg41 : memref<!tpu.dma_semaphore, #tpu.memory_space<semaphore_mem>>)
      %add3A_255 = arith.constant 240 : i32
      %add3A_256 = arith.addi %add3A_233, %add3A_255 : i32
      %multiple_of3A_257 = tpu.assume_multiple %add3A_256, 8 : i32
      %dma_start3A_258 = tpu.memref_slice %arg4[%multiple_of3A_257] : memref<320000xi32, #tpu.memory_space<hbm>> -> memref<80xi32, #tpu.memory_space<hbm>>
      %dma_start3A_259 = tpu.memref_slice %arg4[%multiple_of3A_257] : memref<320000xi32, #tpu.memory_space<hbm>> -> memref<80xi32, #tpu.memory_space<hbm>>
      tpu.enqueue_dma source(%dma_start3A_259 : memref<80xi32, #tpu.memory_space<hbm>>) target(%arg17 : memref<80xi32, #tpu.memory_space<vmem>>) target_semaphore(%arg41 : memref<!tpu.dma_semaphore, #tpu.memory_space<semaphore_mem>>)
      %dma_start3A_260 = tpu.memref_slice %arg5[%multiple_of3A_257] : memref<320000xi32, #tpu.memory_space<hbm>> -> memref<80xi32, #tpu.memory_space<hbm>>
      %dma_start3A_261 = tpu.memref_slice %arg5[%multiple_of3A_257] : memref<320000xi32, #tpu.memory_space<hbm>> -> memref<80xi32, #tpu.memory_space<hbm>>
      tpu.enqueue_dma source(%dma_start3A_261 : memref<80xi32, #tpu.memory_space<hbm>>) target(%arg27 : memref<80xi32, #tpu.memory_space<vmem>>) target_semaphore(%arg41 : memref<!tpu.dma_semaphore, #tpu.memory_space<semaphore_mem>>)
      %add3A_262 = arith.constant 320 : i32
      %add3A_263 = arith.addi %add3A_233, %add3A_262 : i32
      %multiple_of3A_264 = tpu.assume_multiple %add3A_263, 8 : i32
      %dma_start3A_265 = tpu.memref_slice %arg4[%multiple_of3A_264] : memref<320000xi32, #tpu.memory_space<hbm>> -> memref<80xi32, #tpu.memory_space<hbm>>
      %dma_start3A_266 = tpu.memref_slice %arg4[%multiple_of3A_264] : memref<320000xi32, #tpu.memory_space<hbm>> -> memref<80xi32, #tpu.memory_space<hbm>>
      tpu.enqueue_dma source(%dma_start3A_266 : memref<80xi32, #tpu.memory_space<hbm>>) target(%arg18 : memref<80xi32, #tpu.memory_space<vmem>>) target_semaphore(%arg41 : memref<!tpu.dma_semaphore, #tpu.memory_space<semaphore_mem>>)
      %dma_start3A_267 = tpu.memref_slice %arg5[%multiple_of3A_264] : memref<320000xi32, #tpu.memory_space<hbm>> -> memref<80xi32, #tpu.memory_space<hbm>>
      %dma_start3A_268 = tpu.memref_slice %arg5[%multiple_of3A_264] : memref<320000xi32, #tpu.memory_space<hbm>> -> memref<80xi32, #tpu.memory_space<hbm>>
      tpu.enqueue_dma source(%dma_start3A_268 : memref<80xi32, #tpu.memory_space<hbm>>) target(%arg28 : memref<80xi32, #tpu.memory_space<vmem>>) target_semaphore(%arg41 : memref<!tpu.dma_semaphore, #tpu.memory_space<semaphore_mem>>)
      %dma_wait3A_269 = tpu.memref_slice %arg4[%multiple_of3A_236] : memref<320000xi32, #tpu.memory_space<hbm>> -> memref<80xi32, #tpu.memory_space<hbm>>
      %dma_wait3A_270 = tpu.memref_slice %arg4[%multiple_of3A_236] : memref<320000xi32, #tpu.memory_space<hbm>> -> memref<80xi32, #tpu.memory_space<hbm>>
      tpu.wait_dma2 semaphore(%arg41 : memref<!tpu.dma_semaphore, #tpu.memory_space<semaphore_mem>>) src(%dma_wait3A_270 : memref<80xi32, #tpu.memory_space<hbm>>) dst(%arg14 : memref<80xi32, #tpu.memory_space<vmem>>)
      %dma_wait3A_271 = tpu.memref_slice %arg5[%multiple_of3A_236] : memref<320000xi32, #tpu.memory_space<hbm>> -> memref<80xi32, #tpu.memory_space<hbm>>
      %dma_wait3A_272 = tpu.memref_slice %arg5[%multiple_of3A_236] : memref<320000xi32, #tpu.memory_space<hbm>> -> memref<80xi32, #tpu.memory_space<hbm>>
      tpu.wait_dma2 semaphore(%arg41 : memref<!tpu.dma_semaphore, #tpu.memory_space<semaphore_mem>>) src(%dma_wait3A_272 : memref<80xi32, #tpu.memory_space<hbm>>) dst(%arg24 : memref<80xi32, #tpu.memory_space<vmem>>)
      %eq3A_273 = arith.constant 0 : i32
      %eq3A_274 = arith.cmpi eq, %arg0, %eq3A_273 : i32
      %convert_element_type3A_275 = arith.extui %eq3A_274 : i1 to i32
      %cond3A_276 = arith.constant 0 : i32
      %cond3A_277 = arith.cmpi ne, %convert_element_type3A_275, %cond3A_276 : i32
      scf.if %cond3A_277 {
        %dma_start3A_394 = arith.constant 0 : i32
        %dma_start3A_395 = arith.constant 0 : i32
        %dma_start3A_396 = tpu.memref_slice %arg2[%dma_start3A_394, %dma_start3A_395] : memref<10000x64xf32, #tpu.memory_space<hbm>> -> memref<10000x64xf32, #tpu.memory_space<hbm>>
        tpu.enqueue_indirect_dma source(%dma_start3A_396 : memref<10000x64xf32, #tpu.memory_space<hbm>>) target(%arg34 : memref<80x64xf32, #tpu.memory_space<vmem>>) offsets(%arg14 : memref<80xi32, #tpu.memory_space<vmem>>) semaphore(%arg47 : memref<!tpu.dma_semaphore, #tpu.memory_space<semaphore_mem>>)
      } else {
      }
      %eq3A_278 = arith.constant 1 : i32
      %eq3A_279 = arith.cmpi eq, %arg0, %eq3A_278 : i32
      %convert_element_type3A_280 = arith.extui %eq3A_279 : i1 to i32
      %cond3A_281 = arith.constant 0 : i32
      %cond3A_282 = arith.cmpi ne, %convert_element_type3A_280, %cond3A_281 : i32
      scf.if %cond3A_282 {
        %dma_start3A_394 = arith.constant 0 : i32
        %dma_start3A_395 = arith.constant 0 : i32
        %dma_start3A_396 = tpu.memref_slice %arg3[%dma_start3A_394, %dma_start3A_395] : memref<10000x64xf32, #tpu.memory_space<hbm>> -> memref<10000x64xf32, #tpu.memory_space<hbm>>
        tpu.enqueue_indirect_dma source(%dma_start3A_396 : memref<10000x64xf32, #tpu.memory_space<hbm>>) target(%arg34 : memref<80x64xf32, #tpu.memory_space<vmem>>) offsets(%arg14 : memref<80xi32, #tpu.memory_space<vmem>>) semaphore(%arg47 : memref<!tpu.dma_semaphore, #tpu.memory_space<semaphore_mem>>)
      } else {
      }
      %dma_wait3A_283 = tpu.memref_slice %arg4[%multiple_of3A_243] : memref<320000xi32, #tpu.memory_space<hbm>> -> memref<80xi32, #tpu.memory_space<hbm>>
      %dma_wait3A_284 = tpu.memref_slice %arg4[%multiple_of3A_243] : memref<320000xi32, #tpu.memory_space<hbm>> -> memref<80xi32, #tpu.memory_space<hbm>>
      tpu.wait_dma2 semaphore(%arg41 : memref<!tpu.dma_semaphore, #tpu.memory_space<semaphore_mem>>) src(%dma_wait3A_284 : memref<80xi32, #tpu.memory_space<hbm>>) dst(%arg15 : memref<80xi32, #tpu.memory_space<vmem>>)
      %dma_wait3A_285 = tpu.memref_slice %arg5[%multiple_of3A_243] : memref<320000xi32, #tpu.memory_space<hbm>> -> memref<80xi32, #tpu.memory_space<hbm>>
      %dma_wait3A_286 = tpu.memref_slice %arg5[%multiple_of3A_243] : memref<320000xi32, #tpu.memory_space<hbm>> -> memref<80xi32, #tpu.memory_space<hbm>>
      tpu.wait_dma2 semaphore(%arg41 : memref<!tpu.dma_semaphore, #tpu.memory_space<semaphore_mem>>) src(%dma_wait3A_286 : memref<80xi32, #tpu.memory_space<hbm>>) dst(%arg25 : memref<80xi32, #tpu.memory_space<vmem>>)
      %eq3A_287 = arith.constant 0 : i32
      %eq3A_288 = arith.cmpi eq, %arg0, %eq3A_287 : i32
      %convert_element_type3A_289 = arith.extui %eq3A_288 : i1 to i32
      %cond3A_290 = arith.constant 0 : i32
      %cond3A_291 = arith.cmpi ne, %convert_element_type3A_289, %cond3A_290 : i32
      scf.if %cond3A_291 {
        %dma_start3A_394 = arith.constant 0 : i32
        %dma_start3A_395 = arith.constant 0 : i32
        %dma_start3A_396 = tpu.memref_slice %arg2[%dma_start3A_394, %dma_start3A_395] : memref<10000x64xf32, #tpu.memory_space<hbm>> -> memref<10000x64xf32, #tpu.memory_space<hbm>>
        tpu.enqueue_indirect_dma source(%dma_start3A_396 : memref<10000x64xf32, #tpu.memory_space<hbm>>) target(%arg35 : memref<80x64xf32, #tpu.memory_space<vmem>>) offsets(%arg15 : memref<80xi32, #tpu.memory_space<vmem>>) semaphore(%arg48 : memref<!tpu.dma_semaphore, #tpu.memory_space<semaphore_mem>>)
      } else {
      }
      %eq3A_292 = arith.constant 1 : i32
      %eq3A_293 = arith.cmpi eq, %arg0, %eq3A_292 : i32
      %convert_element_type3A_294 = arith.extui %eq3A_293 : i1 to i32
      %cond3A_295 = arith.constant 0 : i32
      %cond3A_296 = arith.cmpi ne, %convert_element_type3A_294, %cond3A_295 : i32
      scf.if %cond3A_296 {
        %dma_start3A_394 = arith.constant 0 : i32
        %dma_start3A_395 = arith.constant 0 : i32
        %dma_start3A_396 = tpu.memref_slice %arg3[%dma_start3A_394, %dma_start3A_395] : memref<10000x64xf32, #tpu.memory_space<hbm>> -> memref<10000x64xf32, #tpu.memory_space<hbm>>
        tpu.enqueue_indirect_dma source(%dma_start3A_396 : memref<10000x64xf32, #tpu.memory_space<hbm>>) target(%arg35 : memref<80x64xf32, #tpu.memory_space<vmem>>) offsets(%arg15 : memref<80xi32, #tpu.memory_space<vmem>>) semaphore(%arg48 : memref<!tpu.dma_semaphore, #tpu.memory_space<semaphore_mem>>)
      } else {
      }
      %dma_wait3A_297 = tpu.memref_slice %arg4[%multiple_of3A_250] : memref<320000xi32, #tpu.memory_space<hbm>> -> memref<80xi32, #tpu.memory_space<hbm>>
      %dma_wait3A_298 = tpu.memref_slice %arg4[%multiple_of3A_250] : memref<320000xi32, #tpu.memory_space<hbm>> -> memref<80xi32, #tpu.memory_space<hbm>>
      tpu.wait_dma2 semaphore(%arg41 : memref<!tpu.dma_semaphore, #tpu.memory_space<semaphore_mem>>) src(%dma_wait3A_298 : memref<80xi32, #tpu.memory_space<hbm>>) dst(%arg16 : memref<80xi32, #tpu.memory_space<vmem>>)
      %dma_wait3A_299 = tpu.memref_slice %arg5[%multiple_of3A_250] : memref<320000xi32, #tpu.memory_space<hbm>> -> memref<80xi32, #tpu.memory_space<hbm>>
      %dma_wait3A_300 = tpu.memref_slice %arg5[%multiple_of3A_250] : memref<320000xi32, #tpu.memory_space<hbm>> -> memref<80xi32, #tpu.memory_space<hbm>>
      tpu.wait_dma2 semaphore(%arg41 : memref<!tpu.dma_semaphore, #tpu.memory_space<semaphore_mem>>) src(%dma_wait3A_300 : memref<80xi32, #tpu.memory_space<hbm>>) dst(%arg26 : memref<80xi32, #tpu.memory_space<vmem>>)
      %eq3A_301 = arith.constant 0 : i32
      %eq3A_302 = arith.cmpi eq, %arg0, %eq3A_301 : i32
      %convert_element_type3A_303 = arith.extui %eq3A_302 : i1 to i32
      %cond3A_304 = arith.constant 0 : i32
      %cond3A_305 = arith.cmpi ne, %convert_element_type3A_303, %cond3A_304 : i32
      scf.if %cond3A_305 {
        %dma_start3A_394 = arith.constant 0 : i32
        %dma_start3A_395 = arith.constant 0 : i32
        %dma_start3A_396 = tpu.memref_slice %arg2[%dma_start3A_394, %dma_start3A_395] : memref<10000x64xf32, #tpu.memory_space<hbm>> -> memref<10000x64xf32, #tpu.memory_space<hbm>>
        tpu.enqueue_indirect_dma source(%dma_start3A_396 : memref<10000x64xf32, #tpu.memory_space<hbm>>) target(%arg36 : memref<80x64xf32, #tpu.memory_space<vmem>>) offsets(%arg16 : memref<80xi32, #tpu.memory_space<vmem>>) semaphore(%arg49 : memref<!tpu.dma_semaphore, #tpu.memory_space<semaphore_mem>>)
      } else {
      }
      %eq3A_306 = arith.constant 1 : i32
      %eq3A_307 = arith.cmpi eq, %arg0, %eq3A_306 : i32
      %convert_element_type3A_308 = arith.extui %eq3A_307 : i1 to i32
      %cond3A_309 = arith.constant 0 : i32
      %cond3A_310 = arith.cmpi ne, %convert_element_type3A_308, %cond3A_309 : i32
      scf.if %cond3A_310 {
        %dma_start3A_394 = arith.constant 0 : i32
        %dma_start3A_395 = arith.constant 0 : i32
        %dma_start3A_396 = tpu.memref_slice %arg3[%dma_start3A_394, %dma_start3A_395] : memref<10000x64xf32, #tpu.memory_space<hbm>> -> memref<10000x64xf32, #tpu.memory_space<hbm>>
        tpu.enqueue_indirect_dma source(%dma_start3A_396 : memref<10000x64xf32, #tpu.memory_space<hbm>>) target(%arg36 : memref<80x64xf32, #tpu.memory_space<vmem>>) offsets(%arg16 : memref<80xi32, #tpu.memory_space<vmem>>) semaphore(%arg49 : memref<!tpu.dma_semaphore, #tpu.memory_space<semaphore_mem>>)
      } else {
      }
      %dma_wait3A_311 = tpu.memref_slice %arg4[%multiple_of3A_257] : memref<320000xi32, #tpu.memory_space<hbm>> -> memref<80xi32, #tpu.memory_space<hbm>>
      %dma_wait3A_312 = tpu.memref_slice %arg4[%multiple_of3A_257] : memref<320000xi32, #tpu.memory_space<hbm>> -> memref<80xi32, #tpu.memory_space<hbm>>
      tpu.wait_dma2 semaphore(%arg41 : memref<!tpu.dma_semaphore, #tpu.memory_space<semaphore_mem>>) src(%dma_wait3A_312 : memref<80xi32, #tpu.memory_space<hbm>>) dst(%arg17 : memref<80xi32, #tpu.memory_space<vmem>>)
      %dma_wait3A_313 = tpu.memref_slice %arg5[%multiple_of3A_257] : memref<320000xi32, #tpu.memory_space<hbm>> -> memref<80xi32, #tpu.memory_space<hbm>>
      %dma_wait3A_314 = tpu.memref_slice %arg5[%multiple_of3A_257] : memref<320000xi32, #tpu.memory_space<hbm>> -> memref<80xi32, #tpu.memory_space<hbm>>
      tpu.wait_dma2 semaphore(%arg41 : memref<!tpu.dma_semaphore, #tpu.memory_space<semaphore_mem>>) src(%dma_wait3A_314 : memref<80xi32, #tpu.memory_space<hbm>>) dst(%arg27 : memref<80xi32, #tpu.memory_space<vmem>>)
      %eq3A_315 = arith.constant 0 : i32
      %eq3A_316 = arith.cmpi eq, %arg0, %eq3A_315 : i32
      %convert_element_type3A_317 = arith.extui %eq3A_316 : i1 to i32
      %cond3A_318 = arith.constant 0 : i32
      %cond3A_319 = arith.cmpi ne, %convert_element_type3A_317, %cond3A_318 : i32
      scf.if %cond3A_319 {
        %dma_start3A_394 = arith.constant 0 : i32
        %dma_start3A_395 = arith.constant 0 : i32
        %dma_start3A_396 = tpu.memref_slice %arg2[%dma_start3A_394, %dma_start3A_395] : memref<10000x64xf32, #tpu.memory_space<hbm>> -> memref<10000x64xf32, #tpu.memory_space<hbm>>
        tpu.enqueue_indirect_dma source(%dma_start3A_396 : memref<10000x64xf32, #tpu.memory_space<hbm>>) target(%arg37 : memref<80x64xf32, #tpu.memory_space<vmem>>) offsets(%arg17 : memref<80xi32, #tpu.memory_space<vmem>>) semaphore(%arg50 : memref<!tpu.dma_semaphore, #tpu.memory_space<semaphore_mem>>)
      } else {
      }
      %eq3A_320 = arith.constant 1 : i32
      %eq3A_321 = arith.cmpi eq, %arg0, %eq3A_320 : i32
      %convert_element_type3A_322 = arith.extui %eq3A_321 : i1 to i32
      %cond3A_323 = arith.constant 0 : i32
      %cond3A_324 = arith.cmpi ne, %convert_element_type3A_322, %cond3A_323 : i32
      scf.if %cond3A_324 {
        %dma_start3A_394 = arith.constant 0 : i32
        %dma_start3A_395 = arith.constant 0 : i32
        %dma_start3A_396 = tpu.memref_slice %arg3[%dma_start3A_394, %dma_start3A_395] : memref<10000x64xf32, #tpu.memory_space<hbm>> -> memref<10000x64xf32, #tpu.memory_space<hbm>>
        tpu.enqueue_indirect_dma source(%dma_start3A_396 : memref<10000x64xf32, #tpu.memory_space<hbm>>) target(%arg37 : memref<80x64xf32, #tpu.memory_space<vmem>>) offsets(%arg17 : memref<80xi32, #tpu.memory_space<vmem>>) semaphore(%arg50 : memref<!tpu.dma_semaphore, #tpu.memory_space<semaphore_mem>>)
      } else {
      }
      %dma_wait3A_325 = tpu.memref_slice %arg4[%multiple_of3A_264] : memref<320000xi32, #tpu.memory_space<hbm>> -> memref<80xi32, #tpu.memory_space<hbm>>
      %dma_wait3A_326 = tpu.memref_slice %arg4[%multiple_of3A_264] : memref<320000xi32, #tpu.memory_space<hbm>> -> memref<80xi32, #tpu.memory_space<hbm>>
      tpu.wait_dma2 semaphore(%arg41 : memref<!tpu.dma_semaphore, #tpu.memory_space<semaphore_mem>>) src(%dma_wait3A_326 : memref<80xi32, #tpu.memory_space<hbm>>) dst(%arg18 : memref<80xi32, #tpu.memory_space<vmem>>)
      %dma_wait3A_327 = tpu.memref_slice %arg5[%multiple_of3A_264] : memref<320000xi32, #tpu.memory_space<hbm>> -> memref<80xi32, #tpu.memory_space<hbm>>
      %dma_wait3A_328 = tpu.memref_slice %arg5[%multiple_of3A_264] : memref<320000xi32, #tpu.memory_space<hbm>> -> memref<80xi32, #tpu.memory_space<hbm>>
      tpu.wait_dma2 semaphore(%arg41 : memref<!tpu.dma_semaphore, #tpu.memory_space<semaphore_mem>>) src(%dma_wait3A_328 : memref<80xi32, #tpu.memory_space<hbm>>) dst(%arg28 : memref<80xi32, #tpu.memory_space<vmem>>)
      %eq3A_329 = arith.constant 0 : i32
      %eq3A_330 = arith.cmpi eq, %arg0, %eq3A_329 : i32
      %convert_element_type3A_331 = arith.extui %eq3A_330 : i1 to i32
      %cond3A_332 = arith.constant 0 : i32
      %cond3A_333 = arith.cmpi ne, %convert_element_type3A_331, %cond3A_332 : i32
      scf.if %cond3A_333 {
        %dma_start3A_394 = arith.constant 0 : i32
        %dma_start3A_395 = arith.constant 0 : i32
        %dma_start3A_396 = tpu.memref_slice %arg2[%dma_start3A_394, %dma_start3A_395] : memref<10000x64xf32, #tpu.memory_space<hbm>> -> memref<10000x64xf32, #tpu.memory_space<hbm>>
        tpu.enqueue_indirect_dma source(%dma_start3A_396 : memref<10000x64xf32, #tpu.memory_space<hbm>>) target(%arg38 : memref<80x64xf32, #tpu.memory_space<vmem>>) offsets(%arg18 : memref<80xi32, #tpu.memory_space<vmem>>) semaphore(%arg51 : memref<!tpu.dma_semaphore, #tpu.memory_space<semaphore_mem>>)
      } else {
      }
      %eq3A_334 = arith.constant 1 : i32
      %eq3A_335 = arith.cmpi eq, %arg0, %eq3A_334 : i32
      %convert_element_type3A_336 = arith.extui %eq3A_335 : i1 to i32
      %cond3A_337 = arith.constant 0 : i32
      %cond3A_338 = arith.cmpi ne, %convert_element_type3A_336, %cond3A_337 : i32
      scf.if %cond3A_338 {
        %dma_start3A_394 = arith.constant 0 : i32
        %dma_start3A_395 = arith.constant 0 : i32
        %dma_start3A_396 = tpu.memref_slice %arg3[%dma_start3A_394, %dma_start3A_395] : memref<10000x64xf32, #tpu.memory_space<hbm>> -> memref<10000x64xf32, #tpu.memory_space<hbm>>
        tpu.enqueue_indirect_dma source(%dma_start3A_396 : memref<10000x64xf32, #tpu.memory_space<hbm>>) target(%arg38 : memref<80x64xf32, #tpu.memory_space<vmem>>) offsets(%arg18 : memref<80xi32, #tpu.memory_space<vmem>>) semaphore(%arg51 : memref<!tpu.dma_semaphore, #tpu.memory_space<semaphore_mem>>)
      } else {
      }
      %dma_wait3A_339 = arith.constant 0 : i32
      %dma_wait3A_340 = arith.constant 0 : i32
      %dma_wait3A_341 = tpu.memref_slice %arg2[%dma_wait3A_339, %dma_wait3A_340] : memref<10000x64xf32, #tpu.memory_space<hbm>> -> memref<10000x64xf32, #tpu.memory_space<hbm>>
      tpu.wait_indirect_dma semaphore(%arg47 : memref<!tpu.dma_semaphore, #tpu.memory_space<semaphore_mem>>) src(%dma_wait3A_341 : memref<10000x64xf32, #tpu.memory_space<hbm>>) dst(%arg34 : memref<80x64xf32, #tpu.memory_space<vmem>>)
      %eq3A_342 = arith.constant 0 : i32
      %eq3A_343 = arith.cmpi eq, %arg0, %eq3A_342 : i32
      %convert_element_type3A_344 = arith.extui %eq3A_343 : i1 to i32
      %cond3A_345 = arith.constant 0 : i32
      %cond3A_346 = arith.cmpi ne, %convert_element_type3A_344, %cond3A_345 : i32
      scf.if %cond3A_346 {
        %broadcast_in_dim3A = arith.constant 1.000000e+00 : f32
        %broadcast_in_dim3A_394 = vector.broadcast %broadcast_in_dim3A : f32 to vector<16xf32>
        %get3A = arith.constant 0 : index
        %get3A_395 = tpu.vector_load %arg24[%get3A] {strides = array<i32>} : memref<80xi32, #tpu.memory_space<vmem>>, vector<16xi32>,
        tpu.vector_store_idx %arg54[%get3A_395], %broadcast_in_dim3A_394 {add = true} : memref<10240xf32, #tpu.memory_space<vmem>>[vector<16xi32>], vector<16xf32>,
        %get3A_396 = arith.constant 16 : index
        %get3A_397 = tpu.vector_load %arg24[%get3A_396] {strides = array<i32>} : memref<80xi32, #tpu.memory_space<vmem>>, vector<16xi32>,
        tpu.vector_store_idx %arg54[%get3A_397], %broadcast_in_dim3A_394 {add = true} : memref<10240xf32, #tpu.memory_space<vmem>>[vector<16xi32>], vector<16xf32>,
        %get3A_398 = arith.constant 32 : index
        %get3A_399 = tpu.vector_load %arg24[%get3A_398] {strides = array<i32>} : memref<80xi32, #tpu.memory_space<vmem>>, vector<16xi32>,
        tpu.vector_store_idx %arg54[%get3A_399], %broadcast_in_dim3A_394 {add = true} : memref<10240xf32, #tpu.memory_space<vmem>>[vector<16xi32>], vector<16xf32>,
        %get3A_400 = arith.constant 48 : index
        %get3A_401 = tpu.vector_load %arg24[%get3A_400] {strides = array<i32>} : memref<80xi32, #tpu.memory_space<vmem>>, vector<16xi32>,
        tpu.vector_store_idx %arg54[%get3A_401], %broadcast_in_dim3A_394 {add = true} : memref<10240xf32, #tpu.memory_space<vmem>>[vector<16xi32>], vector<16xf32>,
        %get3A_402 = arith.constant 64 : index
        %get3A_403 = tpu.vector_load %arg24[%get3A_402] {strides = array<i32>} : memref<80xi32, #tpu.memory_space<vmem>>, vector<16xi32>,
        tpu.vector_store_idx %arg54[%get3A_403], %broadcast_in_dim3A_394 {add = true} : memref<10240xf32, #tpu.memory_space<vmem>>[vector<16xi32>], vector<16xf32>,
      } else {
      }
      %dma_start3A_347 = arith.constant 0 : i32
      %dma_start3A_348 = arith.constant 0 : i32
      %dma_start3A_349 = tpu.memref_slice %arg39[%dma_start3A_347, %dma_start3A_348] : memref<10240x64xf32, #tpu.memory_space<vmem_shared>> -> memref<10240x64xf32, #tpu.memory_space<vmem_shared>>
      tpu.enqueue_indirect_dma source(%arg34 : memref<80x64xf32, #tpu.memory_space<vmem>>) target(%dma_start3A_349 : memref<10240x64xf32, #tpu.memory_space<vmem_shared>>) offsets(%arg24 : memref<80xi32, #tpu.memory_space<vmem>>) semaphore(%arg53 : memref<!tpu.dma_semaphore, #tpu.memory_space<semaphore_mem>>) {add = true}
      %dma_wait3A_350 = arith.constant 0 : i32
      %dma_wait3A_351 = arith.constant 0 : i32
      %dma_wait3A_352 = tpu.memref_slice %arg2[%dma_wait3A_350, %dma_wait3A_351] : memref<10000x64xf32, #tpu.memory_space<hbm>> -> memref<10000x64xf32, #tpu.memory_space<hbm>>
      tpu.wait_indirect_dma semaphore(%arg48 : memref<!tpu.dma_semaphore, #tpu.memory_space<semaphore_mem>>) src(%dma_wait3A_352 : memref<10000x64xf32, #tpu.memory_space<hbm>>) dst(%arg35 : memref<80x64xf32, #tpu.memory_space<vmem>>)
      %eq3A_353 = arith.constant 0 : i32
      %eq3A_354 = arith.cmpi eq, %arg0, %eq3A_353 : i32
      %convert_element_type3A_355 = arith.extui %eq3A_354 : i1 to i32
      %cond3A_356 = arith.constant 0 : i32
      %cond3A_357 = arith.cmpi ne, %convert_element_type3A_355, %cond3A_356 : i32
      scf.if %cond3A_357 {
        %broadcast_in_dim3A = arith.constant 1.000000e+00 : f32
        %broadcast_in_dim3A_394 = vector.broadcast %broadcast_in_dim3A : f32 to vector<16xf32>
        %get3A = arith.constant 0 : index
        %get3A_395 = tpu.vector_load %arg25[%get3A] {strides = array<i32>} : memref<80xi32, #tpu.memory_space<vmem>>, vector<16xi32>,
        tpu.vector_store_idx %arg54[%get3A_395], %broadcast_in_dim3A_394 {add = true} : memref<10240xf32, #tpu.memory_space<vmem>>[vector<16xi32>], vector<16xf32>,
        %get3A_396 = arith.constant 16 : index
        %get3A_397 = tpu.vector_load %arg25[%get3A_396] {strides = array<i32>} : memref<80xi32, #tpu.memory_space<vmem>>, vector<16xi32>,
        tpu.vector_store_idx %arg54[%get3A_397], %broadcast_in_dim3A_394 {add = true} : memref<10240xf32, #tpu.memory_space<vmem>>[vector<16xi32>], vector<16xf32>,
        %get3A_398 = arith.constant 32 : index
        %get3A_399 = tpu.vector_load %arg25[%get3A_398] {strides = array<i32>} : memref<80xi32, #tpu.memory_space<vmem>>, vector<16xi32>,
        tpu.vector_store_idx %arg54[%get3A_399], %broadcast_in_dim3A_394 {add = true} : memref<10240xf32, #tpu.memory_space<vmem>>[vector<16xi32>], vector<16xf32>,
        %get3A_400 = arith.constant 48 : index
        %get3A_401 = tpu.vector_load %arg25[%get3A_400] {strides = array<i32>} : memref<80xi32, #tpu.memory_space<vmem>>, vector<16xi32>,
        tpu.vector_store_idx %arg54[%get3A_401], %broadcast_in_dim3A_394 {add = true} : memref<10240xf32, #tpu.memory_space<vmem>>[vector<16xi32>], vector<16xf32>,
        %get3A_402 = arith.constant 64 : index
        %get3A_403 = tpu.vector_load %arg25[%get3A_402] {strides = array<i32>} : memref<80xi32, #tpu.memory_space<vmem>>, vector<16xi32>,
        tpu.vector_store_idx %arg54[%get3A_403], %broadcast_in_dim3A_394 {add = true} : memref<10240xf32, #tpu.memory_space<vmem>>[vector<16xi32>], vector<16xf32>,
      } else {
      }
      %dma_start3A_358 = arith.constant 0 : i32
      %dma_start3A_359 = arith.constant 0 : i32
      %dma_start3A_360 = tpu.memref_slice %arg39[%dma_start3A_358, %dma_start3A_359] : memref<10240x64xf32, #tpu.memory_space<vmem_shared>> -> memref<10240x64xf32, #tpu.memory_space<vmem_shared>>
      tpu.enqueue_indirect_dma source(%arg35 : memref<80x64xf32, #tpu.memory_space<vmem>>) target(%dma_start3A_360 : memref<10240x64xf32, #tpu.memory_space<vmem_shared>>) offsets(%arg25 : memref<80xi32, #tpu.memory_space<vmem>>) semaphore(%arg53 : memref<!tpu.dma_semaphore, #tpu.memory_space<semaphore_mem>>) {add = true}
      %dma_wait3A_361 = arith.constant 0 : i32
      %dma_wait3A_362 = arith.constant 0 : i32
      %dma_wait3A_363 = tpu.memref_slice %arg2[%dma_wait3A_361, %dma_wait3A_362] : memref<10000x64xf32, #tpu.memory_space<hbm>> -> memref<10000x64xf32, #tpu.memory_space<hbm>>
      tpu.wait_indirect_dma semaphore(%arg49 : memref<!tpu.dma_semaphore, #tpu.memory_space<semaphore_mem>>) src(%dma_wait3A_363 : memref<10000x64xf32, #tpu.memory_space<hbm>>) dst(%arg36 : memref<80x64xf32, #tpu.memory_space<vmem>>)
      %eq3A_364 = arith.constant 0 : i32
      %eq3A_365 = arith.cmpi eq, %arg0, %eq3A_364 : i32
      %convert_element_type3A_366 = arith.extui %eq3A_365 : i1 to i32
      %cond3A_367 = arith.constant 0 : i32
      %cond3A_368 = arith.cmpi ne, %convert_element_type3A_366, %cond3A_367 : i32
      scf.if %cond3A_368 {
        %broadcast_in_dim3A = arith.constant 1.000000e+00 : f32
        %broadcast_in_dim3A_394 = vector.broadcast %broadcast_in_dim3A : f32 to vector<16xf32>
        %get3A = arith.constant 0 : index
        %get3A_395 = tpu.vector_load %arg26[%get3A] {strides = array<i32>} : memref<80xi32, #tpu.memory_space<vmem>>, vector<16xi32>,
        tpu.vector_store_idx %arg54[%get3A_395], %broadcast_in_dim3A_394 {add = true} : memref<10240xf32, #tpu.memory_space<vmem>>[vector<16xi32>], vector<16xf32>,
        %get3A_396 = arith.constant 16 : index
        %get3A_397 = tpu.vector_load %arg26[%get3A_396] {strides = array<i32>} : memref<80xi32, #tpu.memory_space<vmem>>, vector<16xi32>,
        tpu.vector_store_idx %arg54[%get3A_397], %broadcast_in_dim3A_394 {add = true} : memref<10240xf32, #tpu.memory_space<vmem>>[vector<16xi32>], vector<16xf32>,
        %get3A_398 = arith.constant 32 : index
        %get3A_399 = tpu.vector_load %arg26[%get3A_398] {strides = array<i32>} : memref<80xi32, #tpu.memory_space<vmem>>, vector<16xi32>,
        tpu.vector_store_idx %arg54[%get3A_399], %broadcast_in_dim3A_394 {add = true} : memref<10240xf32, #tpu.memory_space<vmem>>[vector<16xi32>], vector<16xf32>,
        %get3A_400 = arith.constant 48 : index
        %get3A_401 = tpu.vector_load %arg26[%get3A_400] {strides = array<i32>} : memref<80xi32, #tpu.memory_space<vmem>>, vector<16xi32>,
        tpu.vector_store_idx %arg54[%get3A_401], %broadcast_in_dim3A_394 {add = true} : memref<10240xf32, #tpu.memory_space<vmem>>[vector<16xi32>], vector<16xf32>,
        %get3A_402 = arith.constant 64 : index
        %get3A_403 = tpu.vector_load %arg26[%get3A_402] {strides = array<i32>} : memref<80xi32, #tpu.memory_space<vmem>>, vector<16xi32>,
        tpu.vector_store_idx %arg54[%get3A_403], %broadcast_in_dim3A_394 {add = true} : memref<10240xf32, #tpu.memory_space<vmem>>[vector<16xi32>], vector<16xf32>,
      } else {
      }
      %dma_start3A_369 = arith.constant 0 : i32
      %dma_start3A_370 = arith.constant 0 : i32
      %dma_start3A_371 = tpu.memref_slice %arg39[%dma_start3A_369, %dma_start3A_370] : memref<10240x64xf32, #tpu.memory_space<vmem_shared>> -> memref<10240x64xf32, #tpu.memory_space<vmem_shared>>
      tpu.enqueue_indirect_dma source(%arg36 : memref<80x64xf32, #tpu.memory_space<vmem>>) target(%dma_start3A_371 : memref<10240x64xf32, #tpu.memory_space<vmem_shared>>) offsets(%arg26 : memref<80xi32, #tpu.memory_space<vmem>>) semaphore(%arg53 : memref<!tpu.dma_semaphore, #tpu.memory_space<semaphore_mem>>) {add = true}
      %dma_wait3A_372 = arith.constant 0 : i32
      %dma_wait3A_373 = arith.constant 0 : i32
      %dma_wait3A_374 = tpu.memref_slice %arg2[%dma_wait3A_372, %dma_wait3A_373] : memref<10000x64xf32, #tpu.memory_space<hbm>> -> memref<10000x64xf32, #tpu.memory_space<hbm>>
      tpu.wait_indirect_dma semaphore(%arg50 : memref<!tpu.dma_semaphore, #tpu.memory_space<semaphore_mem>>) src(%dma_wait3A_374 : memref<10000x64xf32, #tpu.memory_space<hbm>>) dst(%arg37 : memref<80x64xf32, #tpu.memory_space<vmem>>)
      %eq3A_375 = arith.constant 0 : i32
      %eq3A_376 = arith.cmpi eq, %arg0, %eq3A_375 : i32
      %convert_element_type3A_377 = arith.extui %eq3A_376 : i1 to i32
      %cond3A_378 = arith.constant 0 : i32
      %cond3A_379 = arith.cmpi ne, %convert_element_type3A_377, %cond3A_378 : i32
      scf.if %cond3A_379 {
        %broadcast_in_dim3A = arith.constant 1.000000e+00 : f32
        %broadcast_in_dim3A_394 = vector.broadcast %broadcast_in_dim3A : f32 to vector<16xf32>
        %get3A = arith.constant 0 : index
        %get3A_395 = tpu.vector_load %arg27[%get3A] {strides = array<i32>} : memref<80xi32, #tpu.memory_space<vmem>>, vector<16xi32>,
        tpu.vector_store_idx %arg54[%get3A_395], %broadcast_in_dim3A_394 {add = true} : memref<10240xf32, #tpu.memory_space<vmem>>[vector<16xi32>], vector<16xf32>,
        %get3A_396 = arith.constant 16 : index
        %get3A_397 = tpu.vector_load %arg27[%get3A_396] {strides = array<i32>} : memref<80xi32, #tpu.memory_space<vmem>>, vector<16xi32>,
        tpu.vector_store_idx %arg54[%get3A_397], %broadcast_in_dim3A_394 {add = true} : memref<10240xf32, #tpu.memory_space<vmem>>[vector<16xi32>], vector<16xf32>,
        %get3A_398 = arith.constant 32 : index
        %get3A_399 = tpu.vector_load %arg27[%get3A_398] {strides = array<i32>} : memref<80xi32, #tpu.memory_space<vmem>>, vector<16xi32>,
        tpu.vector_store_idx %arg54[%get3A_399], %broadcast_in_dim3A_394 {add = true} : memref<10240xf32, #tpu.memory_space<vmem>>[vector<16xi32>], vector<16xf32>,
        %get3A_400 = arith.constant 48 : index
        %get3A_401 = tpu.vector_load %arg27[%get3A_400] {strides = array<i32>} : memref<80xi32, #tpu.memory_space<vmem>>, vector<16xi32>,
        tpu.vector_store_idx %arg54[%get3A_401], %broadcast_in_dim3A_394 {add = true} : memref<10240xf32, #tpu.memory_space<vmem>>[vector<16xi32>], vector<16xf32>,
        %get3A_402 = arith.constant 64 : index
        %get3A_403 = tpu.vector_load %arg27[%get3A_402] {strides = array<i32>} : memref<80xi32, #tpu.memory_space<vmem>>, vector<16xi32>,
        tpu.vector_store_idx %arg54[%get3A_403], %broadcast_in_dim3A_394 {add = true} : memref<10240xf32, #tpu.memory_space<vmem>>[vector<16xi32>], vector<16xf32>,
      } else {
      }
      %dma_start3A_380 = arith.constant 0 : i32
      %dma_start3A_381 = arith.constant 0 : i32
      %dma_start3A_382 = tpu.memref_slice %arg39[%dma_start3A_380, %dma_start3A_381] : memref<10240x64xf32, #tpu.memory_space<vmem_shared>> -> memref<10240x64xf32, #tpu.memory_space<vmem_shared>>
      tpu.enqueue_indirect_dma source(%arg37 : memref<80x64xf32, #tpu.memory_space<vmem>>) target(%dma_start3A_382 : memref<10240x64xf32, #tpu.memory_space<vmem_shared>>) offsets(%arg27 : memref<80xi32, #tpu.memory_space<vmem>>) semaphore(%arg53 : memref<!tpu.dma_semaphore, #tpu.memory_space<semaphore_mem>>) {add = true}
      %dma_wait3A_383 = arith.constant 0 : i32
      %dma_wait3A_384 = arith.constant 0 : i32
      %dma_wait3A_385 = tpu.memref_slice %arg2[%dma_wait3A_383, %dma_wait3A_384] : memref<10000x64xf32, #tpu.memory_space<hbm>> -> memref<10000x64xf32, #tpu.memory_space<hbm>>
      tpu.wait_indirect_dma semaphore(%arg51 : memref<!tpu.dma_semaphore, #tpu.memory_space<semaphore_mem>>) src(%dma_wait3A_385 : memref<10000x64xf32, #tpu.memory_space<hbm>>) dst(%arg38 : memref<80x64xf32, #tpu.memory_space<vmem>>)
      %eq3A_386 = arith.constant 0 : i32
      %eq3A_387 = arith.cmpi eq, %arg0, %eq3A_386 : i32
      %convert_element_type3A_388 = arith.extui %eq3A_387 : i1 to i32
      %cond3A_389 = arith.constant 0 : i32
      %cond3A_390 = arith.cmpi ne, %convert_element_type3A_388, %cond3A_389 : i32
      scf.if %cond3A_390 {
        %broadcast_in_dim3A = arith.constant 1.000000e+00 : f32
        %broadcast_in_dim3A_394 = vector.broadcast %broadcast_in_dim3A : f32 to vector<16xf32>
        %get3A = arith.constant 0 : index
        %get3A_395 = tpu.vector_load %arg28[%get3A] {strides = array<i32>} : memref<80xi32, #tpu.memory_space<vmem>>, vector<16xi32>,
        tpu.vector_store_idx %arg54[%get3A_395], %broadcast_in_dim3A_394 {add = true} : memref<10240xf32, #tpu.memory_space<vmem>>[vector<16xi32>], vector<16xf32>,
        %get3A_396 = arith.constant 16 : index
        %get3A_397 = tpu.vector_load %arg28[%get3A_396] {strides = array<i32>} : memref<80xi32, #tpu.memory_space<vmem>>, vector<16xi32>,
        tpu.vector_store_idx %arg54[%get3A_397], %broadcast_in_dim3A_394 {add = true} : memref<10240xf32, #tpu.memory_space<vmem>>[vector<16xi32>], vector<16xf32>,
        %get3A_398 = arith.constant 32 : index
        %get3A_399 = tpu.vector_load %arg28[%get3A_398] {strides = array<i32>} : memref<80xi32, #tpu.memory_space<vmem>>, vector<16xi32>,
        tpu.vector_store_idx %arg54[%get3A_399], %broadcast_in_dim3A_394 {add = true} : memref<10240xf32, #tpu.memory_space<vmem>>[vector<16xi32>], vector<16xf32>,
        %get3A_400 = arith.constant 48 : index
        %get3A_401 = tpu.vector_load %arg28[%get3A_400] {strides = array<i32>} : memref<80xi32, #tpu.memory_space<vmem>>, vector<16xi32>,
        tpu.vector_store_idx %arg54[%get3A_401], %broadcast_in_dim3A_394 {add = true} : memref<10240xf32, #tpu.memory_space<vmem>>[vector<16xi32>], vector<16xf32>,
        %get3A_402 = arith.constant 64 : index
        %get3A_403 = tpu.vector_load %arg28[%get3A_402] {strides = array<i32>} : memref<80xi32, #tpu.memory_space<vmem>>, vector<16xi32>,
        tpu.vector_store_idx %arg54[%get3A_403], %broadcast_in_dim3A_394 {add = true} : memref<10240xf32, #tpu.memory_space<vmem>>[vector<16xi32>], vector<16xf32>,
      } else {
      }
      %dma_start3A_391 = arith.constant 0 : i32
      %dma_start3A_392 = arith.constant 0 : i32
      %dma_start3A_393 = tpu.memref_slice %arg39[%dma_start3A_391, %dma_start3A_392] : memref<10240x64xf32, #tpu.memory_space<vmem_shared>> -> memref<10240x64xf32, #tpu.memory_space<vmem_shared>>
      tpu.enqueue_indirect_dma source(%arg38 : memref<80x64xf32, #tpu.memory_space<vmem>>) target(%dma_start3A_393 : memref<10240x64xf32, #tpu.memory_space<vmem_shared>>) offsets(%arg28 : memref<80xi32, #tpu.memory_space<vmem>>) semaphore(%arg53 : memref<!tpu.dma_semaphore, #tpu.memory_space<semaphore_mem>>) {add = true}
    }
    %scan3A_11 = arith.constant 25 : i32
    %dma_wait3A = arith.constant 0 : i32
    %dma_wait3A_12 = arith.constant 0 : i32
    %dma_wait3A_13 = tpu.memref_slice %arg39[%dma_wait3A, %dma_wait3A_12] : memref<10240x64xf32, #tpu.memory_space<vmem_shared>> -> memref<10240x64xf32, #tpu.memory_space<vmem_shared>>
    tpu.wait_indirect_dma semaphore(%arg52 : memref<!tpu.dma_semaphore, #tpu.memory_space<semaphore_mem>>) src(%arg29 : memref<80x64xf32, #tpu.memory_space<vmem>>) dst(%dma_wait3A_13 : memref<10240x64xf32, #tpu.memory_space<vmem_shared>>)
    %dma_wait3A_14 = arith.constant 0 : i32
    %dma_wait3A_15 = arith.constant 0 : i32
    %dma_wait3A_16 = tpu.memref_slice %arg39[%dma_wait3A_14, %dma_wait3A_15] : memref<10240x64xf32, #tpu.memory_space<vmem_shared>> -> memref<10240x64xf32, #tpu.memory_space<vmem_shared>>
    tpu.wait_indirect_dma semaphore(%arg52 : memref<!tpu.dma_semaphore, #tpu.memory_space<semaphore_mem>>) src(%arg30 : memref<80x64xf32, #tpu.memory_space<vmem>>) dst(%dma_wait3A_16 : memref<10240x64xf32, #tpu.memory_space<vmem_shared>>)
    %dma_wait3A_17 = arith.constant 0 : i32
    %dma_wait3A_18 = arith.constant 0 : i32
    %dma_wait3A_19 = tpu.memref_slice %arg39[%dma_wait3A_17, %dma_wait3A_18] : memref<10240x64xf32, #tpu.memory_space<vmem_shared>> -> memref<10240x64xf32, #tpu.memory_space<vmem_shared>>
    tpu.wait_indirect_dma semaphore(%arg52 : memref<!tpu.dma_semaphore, #tpu.memory_space<semaphore_mem>>) src(%arg31 : memref<80x64xf32, #tpu.memory_space<vmem>>) dst(%dma_wait3A_19 : memref<10240x64xf32, #tpu.memory_space<vmem_shared>>)
    %dma_wait3A_20 = arith.constant 0 : i32
    %dma_wait3A_21 = arith.constant 0 : i32
    %dma_wait3A_22 = tpu.memref_slice %arg39[%dma_wait3A_20, %dma_wait3A_21] : memref<10240x64xf32, #tpu.memory_space<vmem_shared>> -> memref<10240x64xf32, #tpu.memory_space<vmem_shared>>
    tpu.wait_indirect_dma semaphore(%arg52 : memref<!tpu.dma_semaphore, #tpu.memory_space<semaphore_mem>>) src(%arg32 : memref<80x64xf32, #tpu.memory_space<vmem>>) dst(%dma_wait3A_22 : memref<10240x64xf32, #tpu.memory_space<vmem_shared>>)
    %dma_wait3A_23 = arith.constant 0 : i32
    %dma_wait3A_24 = arith.constant 0 : i32
    %dma_wait3A_25 = tpu.memref_slice %arg39[%dma_wait3A_23, %dma_wait3A_24] : memref<10240x64xf32, #tpu.memory_space<vmem_shared>> -> memref<10240x64xf32, #tpu.memory_space<vmem_shared>>
    tpu.wait_indirect_dma semaphore(%arg52 : memref<!tpu.dma_semaphore, #tpu.memory_space<semaphore_mem>>) src(%arg33 : memref<80x64xf32, #tpu.memory_space<vmem>>) dst(%dma_wait3A_25 : memref<10240x64xf32, #tpu.memory_space<vmem_shared>>)
    %dma_wait3A_26 = arith.constant 0 : i32
    %dma_wait3A_27 = arith.constant 0 : i32
    %dma_wait3A_28 = tpu.memref_slice %arg39[%dma_wait3A_26, %dma_wait3A_27] : memref<10240x64xf32, #tpu.memory_space<vmem_shared>> -> memref<10240x64xf32, #tpu.memory_space<vmem_shared>>
    tpu.wait_indirect_dma semaphore(%arg53 : memref<!tpu.dma_semaphore, #tpu.memory_space<semaphore_mem>>) src(%arg34 : memref<80x64xf32, #tpu.memory_space<vmem>>) dst(%dma_wait3A_28 : memref<10240x64xf32, #tpu.memory_space<vmem_shared>>)
    %dma_wait3A_29 = arith.constant 0 : i32
    %dma_wait3A_30 = arith.constant 0 : i32
    %dma_wait3A_31 = tpu.memref_slice %arg39[%dma_wait3A_29, %dma_wait3A_30] : memref<10240x64xf32, #tpu.memory_space<vmem_shared>> -> memref<10240x64xf32, #tpu.memory_space<vmem_shared>>
    tpu.wait_indirect_dma semaphore(%arg53 : memref<!tpu.dma_semaphore, #tpu.memory_space<semaphore_mem>>) src(%arg35 : memref<80x64xf32, #tpu.memory_space<vmem>>) dst(%dma_wait3A_31 : memref<10240x64xf32, #tpu.memory_space<vmem_shared>>)
    %dma_wait3A_32 = arith.constant 0 : i32
    %dma_wait3A_33 = arith.constant 0 : i32
    %dma_wait3A_34 = tpu.memref_slice %arg39[%dma_wait3A_32, %dma_wait3A_33] : memref<10240x64xf32, #tpu.memory_space<vmem_shared>> -> memref<10240x64xf32, #tpu.memory_space<vmem_shared>>
    tpu.wait_indirect_dma semaphore(%arg53 : memref<!tpu.dma_semaphore, #tpu.memory_space<semaphore_mem>>) src(%arg36 : memref<80x64xf32, #tpu.memory_space<vmem>>) dst(%dma_wait3A_34 : memref<10240x64xf32, #tpu.memory_space<vmem_shared>>)
    %dma_wait3A_35 = arith.constant 0 : i32
    %dma_wait3A_36 = arith.constant 0 : i32
    %dma_wait3A_37 = tpu.memref_slice %arg39[%dma_wait3A_35, %dma_wait3A_36] : memref<10240x64xf32, #tpu.memory_space<vmem_shared>> -> memref<10240x64xf32, #tpu.memory_space<vmem_shared>>
    tpu.wait_indirect_dma semaphore(%arg53 : memref<!tpu.dma_semaphore, #tpu.memory_space<semaphore_mem>>) src(%arg37 : memref<80x64xf32, #tpu.memory_space<vmem>>) dst(%dma_wait3A_37 : memref<10240x64xf32, #tpu.memory_space<vmem_shared>>)
    %dma_wait3A_38 = arith.constant 0 : i32
    %dma_wait3A_39 = arith.constant 0 : i32
    %dma_wait3A_40 = tpu.memref_slice %arg39[%dma_wait3A_38, %dma_wait3A_39] : memref<10240x64xf32, #tpu.memory_space<vmem_shared>> -> memref<10240x64xf32, #tpu.memory_space<vmem_shared>>
    tpu.wait_indirect_dma semaphore(%arg53 : memref<!tpu.dma_semaphore, #tpu.memory_space<semaphore_mem>>) src(%arg38 : memref<80x64xf32, #tpu.memory_space<vmem>>) dst(%dma_wait3A_40 : memref<10240x64xf32, #tpu.memory_space<vmem_shared>>)
    %barrier3A_41 = arith.constant 0 : index
    tpu.barrier barrier_id(%barrier3A_41)
    %mul3A_42 = arith.constant 640 : i32
    %mul3A_43 = arith.muli %arg1, %mul3A_42 : i32
    %mul3A_44 = arith.constant 640 : i32
    %mul3A_45 = arith.muli %arg1, %mul3A_44 : i32
    "tpu.region"() ({
      %run_scoped3A = tpu.sem_alloc : memref<!tpu.dma_semaphore, #tpu.memory_space<semaphore_mem>>
      %dma_start3A = arith.constant 0 : i32
      %dma_start3A_48 = tpu.memref_slice %arg7[%arg0, %mul3A_45, %dma_start3A] : memref<2x10240x64xf32, #tpu.memory_space<hbm>> -> memref<1x640x64xf32, #tpu.memory_space<hbm>>
      %dma_start3A_49 = tpu.memref_squeeze %dma_start3A_48 : memref<1x640x64xf32, #tpu.memory_space<hbm>> -> memref<640x64xf32, #tpu.memory_space<hbm>>
      %dma_start3A_50 = arith.constant 0 : i32
      %dma_start3A_51 = tpu.memref_slice %arg39[%mul3A_43, %dma_start3A_50] : memref<10240x64xf32, #tpu.memory_space<vmem_shared>> -> memref<640x64xf32, #tpu.memory_space<vmem_shared>>
      tpu.enqueue_dma source(%dma_start3A_51 : memref<640x64xf32, #tpu.memory_space<vmem_shared>>) target(%dma_start3A_49 : memref<640x64xf32, #tpu.memory_space<hbm>>) target_semaphore(%run_scoped3A : memref<!tpu.dma_semaphore, #tpu.memory_space<semaphore_mem>>)
      %dma_wait3A_52 = arith.constant 0 : i32
      %dma_wait3A_53 = tpu.memref_slice %arg7[%arg0, %mul3A_45, %dma_wait3A_52] : memref<2x10240x64xf32, #tpu.memory_space<hbm>> -> memref<1x640x64xf32, #tpu.memory_space<hbm>>
      %dma_wait3A_54 = tpu.memref_squeeze %dma_wait3A_53 : memref<1x640x64xf32, #tpu.memory_space<hbm>> -> memref<640x64xf32, #tpu.memory_space<hbm>>
      %dma_wait3A_55 = arith.constant 0 : i32
      %dma_wait3A_56 = tpu.memref_slice %arg39[%mul3A_43, %dma_wait3A_55] : memref<10240x64xf32, #tpu.memory_space<vmem_shared>> -> memref<640x64xf32, #tpu.memory_space<vmem_shared>>
      tpu.wait_dma2 semaphore(%run_scoped3A : memref<!tpu.dma_semaphore, #tpu.memory_space<semaphore_mem>>) src(%dma_wait3A_56 : memref<640x64xf32, #tpu.memory_space<vmem_shared>>) dst(%dma_wait3A_54 : memref<640x64xf32, #tpu.memory_space<hbm>>)
      tpu.yield
    }) : () -> ()
    %eq3A = arith.constant 0 : i32
    %eq3A_46 = arith.cmpi eq, %arg0, %eq3A : i32
    %convert_element_type3A = arith.extui %eq3A_46 : i1 to i32
    %cond3A = arith.constant 0 : i32
    %cond3A_47 = arith.cmpi ne, %convert_element_type3A, %cond3A : i32
    scf.if %cond3A_47 {
      %run_scoped3A = arith.constant 0 : i32
      "tpu.region"() ({
        %run_scoped3A_48 = tpu.sem_alloc : memref<!tpu.dma_semaphore, #tpu.memory_space<semaphore_mem>>
        %dma_start3A = arith.constant 0 : i32
        %dma_start3A_49 = tpu.memref_slice %arg8[%arg1, %run_scoped3A, %dma_start3A] : memref<16x1x10240xf32, #tpu.memory_space<hbm>> -> memref<1x1x10240xf32, #tpu.memory_space<hbm>>
        %dma_start3A_50 = tpu.memref_squeeze %dma_start3A_49 : memref<1x1x10240xf32, #tpu.memory_space<hbm>> -> memref<10240xf32, #tpu.memory_space<hbm>>
        %dma_start3A_51 = arith.constant 0 : i32
        %dma_start3A_52 = tpu.memref_slice %arg8[%arg1, %run_scoped3A, %dma_start3A_51] : memref<16x1x10240xf32, #tpu.memory_space<hbm>> -> memref<1x1x10240xf32, #tpu.memory_space<hbm>>
        %dma_start3A_53 = tpu.memref_squeeze %dma_start3A_52 : memref<1x1x10240xf32, #tpu.memory_space<hbm>> -> memref<10240xf32, #tpu.memory_space<hbm>>
        tpu.enqueue_dma source(%arg54 : memref<10240xf32, #tpu.memory_space<vmem>>) target(%dma_start3A_53 : memref<10240xf32, #tpu.memory_space<hbm>>) target_semaphore(%run_scoped3A_48 : memref<!tpu.dma_semaphore, #tpu.memory_space<semaphore_mem>>)
        %dma_wait3A_54 = arith.constant 0 : i32
        %dma_wait3A_55 = tpu.memref_slice %arg8[%arg1, %run_scoped3A, %dma_wait3A_54] : memref<16x1x10240xf32, #tpu.memory_space<hbm>> -> memref<1x1x10240xf32, #tpu.memory_space<hbm>>
        %dma_wait3A_56 = tpu.memref_squeeze %dma_wait3A_55 : memref<1x1x10240xf32, #tpu.memory_space<hbm>> -> memref<10240xf32, #tpu.memory_space<hbm>>
        %dma_wait3A_57 = arith.constant 0 : i32
        %dma_wait3A_58 = tpu.memref_slice %arg8[%arg1, %run_scoped3A, %dma_wait3A_57] : memref<16x1x10240xf32, #tpu.memory_space<hbm>> -> memref<1x1x10240xf32, #tpu.memory_space<hbm>>
        %dma_wait3A_59 = tpu.memref_squeeze %dma_wait3A_58 : memref<1x1x10240xf32, #tpu.memory_space<hbm>> -> memref<10240xf32, #tpu.memory_space<hbm>>
        tpu.wait_dma2 semaphore(%run_scoped3A_48 : memref<!tpu.dma_semaphore, #tpu.memory_space<semaphore_mem>>) src(%arg54 : memref<10240xf32, #tpu.memory_space<vmem>>) dst(%dma_wait3A_59 : memref<10240xf32, #tpu.memory_space<hbm>>)
        tpu.yield
      }) : () -> ()
    } else {
    }
    return
  }
}

#map = affine_map<(d0, d1) -> (0, 0)>
#map1 = affine_map<(d0, d1) -> (0)>
#map2 = affine_map<(d0, d1) -> (0, 0, 0)>
module attributes {stable_mosaic.version = 14 : i64} {
  func.func @body(%arg0: i32, %arg1: i32, %arg2: memref<10000x64xf32, #tpu.memory_space<hbm>>, %arg3: memref<10000x64xf32, #tpu.memory_space<hbm>>, %arg4: memref<320000xi32, #tpu.memory_space<hbm>>, %arg5: memref<320000xi32, #tpu.memory_space<hbm>>, %arg6: memref<640x64xf32, #tpu.memory_space<hbm>>, %arg7: memref<2x10240x64xf32, #tpu.memory_space<hbm>>, %arg8: memref<80xi32, #tpu.memory_space<vmem>>, %arg9: memref<80xi32, #tpu.memory_space<vmem>>, %arg10: memref<80xi32, #tpu.memory_space<vmem>>, %arg11: memref<80xi32, #tpu.memory_space<vmem>>, %arg12: memref<80xi32, #tpu.memory_space<vmem>>, %arg13: memref<80xi32, #tpu.memory_space<vmem>>, %arg14: memref<80xi32, #tpu.memory_space<vmem>>, %arg15: memref<80xi32, #tpu.memory_space<vmem>>, %arg16: memref<80xi32, #tpu.memory_space<vmem>>, %arg17: memref<80xi32, #tpu.memory_space<vmem>>, %arg18: memref<80xi32, #tpu.memory_space<vmem>>, %arg19: memref<80xi32, #tpu.memory_space<vmem>>, %arg20: memref<80xi32, #tpu.memory_space<vmem>>, %arg21: memref<80xi32, #tpu.memory_space<vmem>>, %arg22: memref<80xi32, #tpu.memory_space<vmem>>, %arg23: memref<80xi32, #tpu.memory_space<vmem>>, %arg24: memref<80xi32, #tpu.memory_space<vmem>>, %arg25: memref<80xi32, #tpu.memory_space<vmem>>, %arg26: memref<80xi32, #tpu.memory_space<vmem>>, %arg27: memref<80xi32, #tpu.memory_space<vmem>>, %arg28: memref<80x64xf32, #tpu.memory_space<vmem>>, %arg29: memref<80x64xf32, #tpu.memory_space<vmem>>, %arg30: memref<80x64xf32, #tpu.memory_space<vmem>>, %arg31: memref<80x64xf32, #tpu.memory_space<vmem>>, %arg32: memref<80x64xf32, #tpu.memory_space<vmem>>, %arg33: memref<80x64xf32, #tpu.memory_space<vmem>>, %arg34: memref<80x64xf32, #tpu.memory_space<vmem>>, %arg35: memref<80x64xf32, #tpu.memory_space<vmem>>, %arg36: memref<80x64xf32, #tpu.memory_space<vmem>>, %arg37: memref<80x64xf32, #tpu.memory_space<vmem>>, %arg38: memref<10240x64xf32, #tpu.memory_space<vmem_shared>>, %arg39: memref<!tpu.dma_semaphore, #tpu.memory_space<semaphore_mem>>, %arg40: memref<!tpu.dma_semaphore, #tpu.memory_space<semaphore_mem>>, %arg41: memref<!tpu.dma_semaphore, #tpu.memory_space<semaphore_mem>>, %arg42: memref<!tpu.dma_semaphore, #tpu.memory_space<semaphore_mem>>, %arg43: memref<!tpu.dma_semaphore, #tpu.memory_space<semaphore_mem>>, %arg44: memref<!tpu.dma_semaphore, #tpu.memory_space<semaphore_mem>>, %arg45: memref<!tpu.dma_semaphore, #tpu.memory_space<semaphore_mem>>, %arg46: memref<!tpu.dma_semaphore, #tpu.memory_space<semaphore_mem>>, %arg47: memref<!tpu.dma_semaphore, #tpu.memory_space<semaphore_mem>>, %arg48: memref<!tpu.dma_semaphore, #tpu.memory_space<semaphore_mem>>, %arg49: memref<!tpu.dma_semaphore, #tpu.memory_space<semaphore_mem>>, %arg50: memref<!tpu.dma_semaphore, #tpu.memory_space<semaphore_mem>>, %arg51: memref<!tpu.dma_semaphore, #tpu.memory_space<semaphore_mem>>, %arg52: memref<!tpu.dma_semaphore, #tpu.memory_space<semaphore_mem>>) attributes {dimension_semantics = [#tpu.dimension_semantics<core_parallel>, #tpu.dimension_semantics<subcore_parallel>], iteration_bounds = array<i64: 2, 16>, scalar_prefetch = 0 : i64, scratch_operands = 45 : i64, tpu.core_type = #tpu.core_type<sc_vector_subcore>, window_params = [{transform_indices = #map}, {transform_indices = #map}, {transform_indices = #map1}, {transform_indices = #map1}, {transform_indices = #map}, {transform_indices = #map2}]} {
    %mul3A = arith.constant 640 : i32
    %mul3A_0 = arith.muli %arg1, %mul3A : i32
    "tpu.region"() ({
      %run_scoped3A = tpu.sem_alloc : memref<!tpu.dma_semaphore, #tpu.memory_space<semaphore_mem>>
      %dma_start3A = arith.constant 0 : i32
      %dma_start3A_41 = tpu.memref_slice %arg38[%mul3A_0, %dma_start3A] : memref<10240x64xf32, #tpu.memory_space<vmem_shared>> -> memref<640x64xf32, #tpu.memory_space<vmem_shared>>
      tpu.enqueue_dma source(%arg6 : memref<640x64xf32, #tpu.memory_space<hbm>>) target(%dma_start3A_41 : memref<640x64xf32, #tpu.memory_space<vmem_shared>>) target_semaphore(%run_scoped3A : memref<!tpu.dma_semaphore, #tpu.memory_space<semaphore_mem>>)
      %dma_wait3A_42 = arith.constant 0 : i32
      %dma_wait3A_43 = tpu.memref_slice %arg38[%mul3A_0, %dma_wait3A_42] : memref<10240x64xf32, #tpu.memory_space<vmem_shared>> -> memref<640x64xf32, #tpu.memory_space<vmem_shared>>
      tpu.wait_dma2 semaphore(%run_scoped3A : memref<!tpu.dma_semaphore, #tpu.memory_space<semaphore_mem>>) src(%arg6 : memref<640x64xf32, #tpu.memory_space<hbm>>) dst(%dma_wait3A_43 : memref<640x64xf32, #tpu.memory_space<vmem_shared>>)
      tpu.yield
    }) : () -> ()
    %barrier3A = arith.constant 0 : index
    tpu.barrier barrier_id(%barrier3A)
    %mul3A_1 = arith.constant 20000 : i32
    %mul3A_2 = arith.muli %arg1, %mul3A_1 : i32
    %multiple_of3A = tpu.assume_multiple %mul3A_2, 8 : i32
    %scan3A = arith.constant 0 : i32
    %scan3A_3 = arith.constant 25 : i32
    %scan3A_4 = arith.addi %scan3A, %scan3A_3 : i32
    %scan3A_5 = arith.constant 1 : i32
    scf.for %scan3A_41 = %scan3A to %scan3A_4 step %scan3A_5  : i32 {
      %mul3A_42 = arith.constant 1 : i32
      %mul3A_43 = arith.muli %scan3A_41, %mul3A_42 : i32
      %add3A = arith.constant 0 : i32
      %add3A_44 = arith.addi %add3A, %mul3A_43 : i32
      %gt3A = arith.constant 0 : i32
      %gt3A_45 = arith.cmpi sgt, %add3A_44, %gt3A : i32
      %convert_element_type3A = arith.extui %gt3A_45 : i1 to i32
      %cond3A = arith.constant 0 : i32
      %cond3A_46 = arith.cmpi ne, %convert_element_type3A, %cond3A : i32
      scf.if %cond3A_46 {
        %dma_wait3A_334 = arith.constant 0 : i32
        %dma_wait3A_335 = arith.constant 0 : i32
        %dma_wait3A_336 = tpu.memref_slice %arg38[%dma_wait3A_334, %dma_wait3A_335] : memref<10240x64xf32, #tpu.memory_space<vmem_shared>> -> memref<10240x64xf32, #tpu.memory_space<vmem_shared>>
        tpu.wait_indirect_dma semaphore(%arg51 : memref<!tpu.dma_semaphore, #tpu.memory_space<semaphore_mem>>) src(%arg28 : memref<80x64xf32, #tpu.memory_space<vmem>>) dst(%dma_wait3A_336 : memref<10240x64xf32, #tpu.memory_space<vmem_shared>>)
        %dma_wait3A_337 = arith.constant 0 : i32
        %dma_wait3A_338 = arith.constant 0 : i32
        %dma_wait3A_339 = tpu.memref_slice %arg38[%dma_wait3A_337, %dma_wait3A_338] : memref<10240x64xf32, #tpu.memory_space<vmem_shared>> -> memref<10240x64xf32, #tpu.memory_space<vmem_shared>>
        tpu.wait_indirect_dma semaphore(%arg51 : memref<!tpu.dma_semaphore, #tpu.memory_space<semaphore_mem>>) src(%arg29 : memref<80x64xf32, #tpu.memory_space<vmem>>) dst(%dma_wait3A_339 : memref<10240x64xf32, #tpu.memory_space<vmem_shared>>)
        %dma_wait3A_340 = arith.constant 0 : i32
        %dma_wait3A_341 = arith.constant 0 : i32
        %dma_wait3A_342 = tpu.memref_slice %arg38[%dma_wait3A_340, %dma_wait3A_341] : memref<10240x64xf32, #tpu.memory_space<vmem_shared>> -> memref<10240x64xf32, #tpu.memory_space<vmem_shared>>
        tpu.wait_indirect_dma semaphore(%arg51 : memref<!tpu.dma_semaphore, #tpu.memory_space<semaphore_mem>>) src(%arg30 : memref<80x64xf32, #tpu.memory_space<vmem>>) dst(%dma_wait3A_342 : memref<10240x64xf32, #tpu.memory_space<vmem_shared>>)
        %dma_wait3A_343 = arith.constant 0 : i32
        %dma_wait3A_344 = arith.constant 0 : i32
        %dma_wait3A_345 = tpu.memref_slice %arg38[%dma_wait3A_343, %dma_wait3A_344] : memref<10240x64xf32, #tpu.memory_space<vmem_shared>> -> memref<10240x64xf32, #tpu.memory_space<vmem_shared>>
        tpu.wait_indirect_dma semaphore(%arg51 : memref<!tpu.dma_semaphore, #tpu.memory_space<semaphore_mem>>) src(%arg31 : memref<80x64xf32, #tpu.memory_space<vmem>>) dst(%dma_wait3A_345 : memref<10240x64xf32, #tpu.memory_space<vmem_shared>>)
        %dma_wait3A_346 = arith.constant 0 : i32
        %dma_wait3A_347 = arith.constant 0 : i32
        %dma_wait3A_348 = tpu.memref_slice %arg38[%dma_wait3A_346, %dma_wait3A_347] : memref<10240x64xf32, #tpu.memory_space<vmem_shared>> -> memref<10240x64xf32, #tpu.memory_space<vmem_shared>>
        tpu.wait_indirect_dma semaphore(%arg51 : memref<!tpu.dma_semaphore, #tpu.memory_space<semaphore_mem>>) src(%arg32 : memref<80x64xf32, #tpu.memory_space<vmem>>) dst(%dma_wait3A_348 : memref<10240x64xf32, #tpu.memory_space<vmem_shared>>)
      } else {
      }
      %mul3A_47 = arith.constant 10 : i32
      %mul3A_48 = arith.muli %add3A_44, %mul3A_47 : i32
      %add3A_49 = arith.constant 0 : i32
      %add3A_50 = arith.addi %mul3A_48, %add3A_49 : i32
      %mul3A_51 = arith.constant 80 : i32
      %mul3A_52 = arith.muli %add3A_50, %mul3A_51 : i32
      %add3A_53 = arith.addi %multiple_of3A, %mul3A_52 : i32
      %add3A_54 = arith.constant 0 : i32
      %add3A_55 = arith.addi %add3A_53, %add3A_54 : i32
      %multiple_of3A_56 = tpu.assume_multiple %add3A_55, 8 : i32
      %dma_start3A = tpu.memref_slice %arg4[%multiple_of3A_56] : memref<320000xi32, #tpu.memory_space<hbm>> -> memref<80xi32, #tpu.memory_space<hbm>>
      %dma_start3A_57 = tpu.memref_slice %arg4[%multiple_of3A_56] : memref<320000xi32, #tpu.memory_space<hbm>> -> memref<80xi32, #tpu.memory_space<hbm>>
      tpu.enqueue_dma source(%dma_start3A_57 : memref<80xi32, #tpu.memory_space<hbm>>) target(%arg8 : memref<80xi32, #tpu.memory_space<vmem>>) target_semaphore(%arg39 : memref<!tpu.dma_semaphore, #tpu.memory_space<semaphore_mem>>)
      %dma_start3A_58 = tpu.memref_slice %arg5[%multiple_of3A_56] : memref<320000xi32, #tpu.memory_space<hbm>> -> memref<80xi32, #tpu.memory_space<hbm>>
      %dma_start3A_59 = tpu.memref_slice %arg5[%multiple_of3A_56] : memref<320000xi32, #tpu.memory_space<hbm>> -> memref<80xi32, #tpu.memory_space<hbm>>
      tpu.enqueue_dma source(%dma_start3A_59 : memref<80xi32, #tpu.memory_space<hbm>>) target(%arg18 : memref<80xi32, #tpu.memory_space<vmem>>) target_semaphore(%arg39 : memref<!tpu.dma_semaphore, #tpu.memory_space<semaphore_mem>>)
      %add3A_60 = arith.constant 80 : i32
      %add3A_61 = arith.addi %add3A_53, %add3A_60 : i32
      %multiple_of3A_62 = tpu.assume_multiple %add3A_61, 8 : i32
      %dma_start3A_63 = tpu.memref_slice %arg4[%multiple_of3A_62] : memref<320000xi32, #tpu.memory_space<hbm>> -> memref<80xi32, #tpu.memory_space<hbm>>
      %dma_start3A_64 = tpu.memref_slice %arg4[%multiple_of3A_62] : memref<320000xi32, #tpu.memory_space<hbm>> -> memref<80xi32, #tpu.memory_space<hbm>>
      tpu.enqueue_dma source(%dma_start3A_64 : memref<80xi32, #tpu.memory_space<hbm>>) target(%arg9 : memref<80xi32, #tpu.memory_space<vmem>>) target_semaphore(%arg39 : memref<!tpu.dma_semaphore, #tpu.memory_space<semaphore_mem>>)
      %dma_start3A_65 = tpu.memref_slice %arg5[%multiple_of3A_62] : memref<320000xi32, #tpu.memory_space<hbm>> -> memref<80xi32, #tpu.memory_space<hbm>>
      %dma_start3A_66 = tpu.memref_slice %arg5[%multiple_of3A_62] : memref<320000xi32, #tpu.memory_space<hbm>> -> memref<80xi32, #tpu.memory_space<hbm>>
      tpu.enqueue_dma source(%dma_start3A_66 : memref<80xi32, #tpu.memory_space<hbm>>) target(%arg19 : memref<80xi32, #tpu.memory_space<vmem>>) target_semaphore(%arg39 : memref<!tpu.dma_semaphore, #tpu.memory_space<semaphore_mem>>)
      %add3A_67 = arith.constant 160 : i32
      %add3A_68 = arith.addi %add3A_53, %add3A_67 : i32
      %multiple_of3A_69 = tpu.assume_multiple %add3A_68, 8 : i32
      %dma_start3A_70 = tpu.memref_slice %arg4[%multiple_of3A_69] : memref<320000xi32, #tpu.memory_space<hbm>> -> memref<80xi32, #tpu.memory_space<hbm>>
      %dma_start3A_71 = tpu.memref_slice %arg4[%multiple_of3A_69] : memref<320000xi32, #tpu.memory_space<hbm>> -> memref<80xi32, #tpu.memory_space<hbm>>
      tpu.enqueue_dma source(%dma_start3A_71 : memref<80xi32, #tpu.memory_space<hbm>>) target(%arg10 : memref<80xi32, #tpu.memory_space<vmem>>) target_semaphore(%arg39 : memref<!tpu.dma_semaphore, #tpu.memory_space<semaphore_mem>>)
      %dma_start3A_72 = tpu.memref_slice %arg5[%multiple_of3A_69] : memref<320000xi32, #tpu.memory_space<hbm>> -> memref<80xi32, #tpu.memory_space<hbm>>
      %dma_start3A_73 = tpu.memref_slice %arg5[%multiple_of3A_69] : memref<320000xi32, #tpu.memory_space<hbm>> -> memref<80xi32, #tpu.memory_space<hbm>>
      tpu.enqueue_dma source(%dma_start3A_73 : memref<80xi32, #tpu.memory_space<hbm>>) target(%arg20 : memref<80xi32, #tpu.memory_space<vmem>>) target_semaphore(%arg39 : memref<!tpu.dma_semaphore, #tpu.memory_space<semaphore_mem>>)
      %add3A_74 = arith.constant 240 : i32
      %add3A_75 = arith.addi %add3A_53, %add3A_74 : i32
      %multiple_of3A_76 = tpu.assume_multiple %add3A_75, 8 : i32
      %dma_start3A_77 = tpu.memref_slice %arg4[%multiple_of3A_76] : memref<320000xi32, #tpu.memory_space<hbm>> -> memref<80xi32, #tpu.memory_space<hbm>>
      %dma_start3A_78 = tpu.memref_slice %arg4[%multiple_of3A_76] : memref<320000xi32, #tpu.memory_space<hbm>> -> memref<80xi32, #tpu.memory_space<hbm>>
      tpu.enqueue_dma source(%dma_start3A_78 : memref<80xi32, #tpu.memory_space<hbm>>) target(%arg11 : memref<80xi32, #tpu.memory_space<vmem>>) target_semaphore(%arg39 : memref<!tpu.dma_semaphore, #tpu.memory_space<semaphore_mem>>)
      %dma_start3A_79 = tpu.memref_slice %arg5[%multiple_of3A_76] : memref<320000xi32, #tpu.memory_space<hbm>> -> memref<80xi32, #tpu.memory_space<hbm>>
      %dma_start3A_80 = tpu.memref_slice %arg5[%multiple_of3A_76] : memref<320000xi32, #tpu.memory_space<hbm>> -> memref<80xi32, #tpu.memory_space<hbm>>
      tpu.enqueue_dma source(%dma_start3A_80 : memref<80xi32, #tpu.memory_space<hbm>>) target(%arg21 : memref<80xi32, #tpu.memory_space<vmem>>) target_semaphore(%arg39 : memref<!tpu.dma_semaphore, #tpu.memory_space<semaphore_mem>>)
      %add3A_81 = arith.constant 320 : i32
      %add3A_82 = arith.addi %add3A_53, %add3A_81 : i32
      %multiple_of3A_83 = tpu.assume_multiple %add3A_82, 8 : i32
      %dma_start3A_84 = tpu.memref_slice %arg4[%multiple_of3A_83] : memref<320000xi32, #tpu.memory_space<hbm>> -> memref<80xi32, #tpu.memory_space<hbm>>
      %dma_start3A_85 = tpu.memref_slice %arg4[%multiple_of3A_83] : memref<320000xi32, #tpu.memory_space<hbm>> -> memref<80xi32, #tpu.memory_space<hbm>>
      tpu.enqueue_dma source(%dma_start3A_85 : memref<80xi32, #tpu.memory_space<hbm>>) target(%arg12 : memref<80xi32, #tpu.memory_space<vmem>>) target_semaphore(%arg39 : memref<!tpu.dma_semaphore, #tpu.memory_space<semaphore_mem>>)
      %dma_start3A_86 = tpu.memref_slice %arg5[%multiple_of3A_83] : memref<320000xi32, #tpu.memory_space<hbm>> -> memref<80xi32, #tpu.memory_space<hbm>>
      %dma_start3A_87 = tpu.memref_slice %arg5[%multiple_of3A_83] : memref<320000xi32, #tpu.memory_space<hbm>> -> memref<80xi32, #tpu.memory_space<hbm>>
      tpu.enqueue_dma source(%dma_start3A_87 : memref<80xi32, #tpu.memory_space<hbm>>) target(%arg22 : memref<80xi32, #tpu.memory_space<vmem>>) target_semaphore(%arg39 : memref<!tpu.dma_semaphore, #tpu.memory_space<semaphore_mem>>)
      %dma_wait3A_88 = tpu.memref_slice %arg4[%multiple_of3A_56] : memref<320000xi32, #tpu.memory_space<hbm>> -> memref<80xi32, #tpu.memory_space<hbm>>
      %dma_wait3A_89 = tpu.memref_slice %arg4[%multiple_of3A_56] : memref<320000xi32, #tpu.memory_space<hbm>> -> memref<80xi32, #tpu.memory_space<hbm>>
      tpu.wait_dma2 semaphore(%arg39 : memref<!tpu.dma_semaphore, #tpu.memory_space<semaphore_mem>>) src(%dma_wait3A_89 : memref<80xi32, #tpu.memory_space<hbm>>) dst(%arg8 : memref<80xi32, #tpu.memory_space<vmem>>)
      %dma_wait3A_90 = tpu.memref_slice %arg5[%multiple_of3A_56] : memref<320000xi32, #tpu.memory_space<hbm>> -> memref<80xi32, #tpu.memory_space<hbm>>
      %dma_wait3A_91 = tpu.memref_slice %arg5[%multiple_of3A_56] : memref<320000xi32, #tpu.memory_space<hbm>> -> memref<80xi32, #tpu.memory_space<hbm>>
      tpu.wait_dma2 semaphore(%arg39 : memref<!tpu.dma_semaphore, #tpu.memory_space<semaphore_mem>>) src(%dma_wait3A_91 : memref<80xi32, #tpu.memory_space<hbm>>) dst(%arg18 : memref<80xi32, #tpu.memory_space<vmem>>)
      %eq3A = arith.constant 0 : i32
      %eq3A_92 = arith.cmpi eq, %arg0, %eq3A : i32
      %convert_element_type3A_93 = arith.extui %eq3A_92 : i1 to i32
      %cond3A_94 = arith.constant 0 : i32
      %cond3A_95 = arith.cmpi ne, %convert_element_type3A_93, %cond3A_94 : i32
      scf.if %cond3A_95 {
        %dma_start3A_334 = arith.constant 0 : i32
        %dma_start3A_335 = arith.constant 0 : i32
        %dma_start3A_336 = tpu.memref_slice %arg2[%dma_start3A_334, %dma_start3A_335] : memref<10000x64xf32, #tpu.memory_space<hbm>> -> memref<10000x64xf32, #tpu.memory_space<hbm>>
        tpu.enqueue_indirect_dma source(%dma_start3A_336 : memref<10000x64xf32, #tpu.memory_space<hbm>>) target(%arg28 : memref<80x64xf32, #tpu.memory_space<vmem>>) offsets(%arg8 : memref<80xi32, #tpu.memory_space<vmem>>) semaphore(%arg41 : memref<!tpu.dma_semaphore, #tpu.memory_space<semaphore_mem>>)
      } else {
      }
      %eq3A_96 = arith.constant 1 : i32
      %eq3A_97 = arith.cmpi eq, %arg0, %eq3A_96 : i32
      %convert_element_type3A_98 = arith.extui %eq3A_97 : i1 to i32
      %cond3A_99 = arith.constant 0 : i32
      %cond3A_100 = arith.cmpi ne, %convert_element_type3A_98, %cond3A_99 : i32
      scf.if %cond3A_100 {
        %dma_start3A_334 = arith.constant 0 : i32
        %dma_start3A_335 = arith.constant 0 : i32
        %dma_start3A_336 = tpu.memref_slice %arg3[%dma_start3A_334, %dma_start3A_335] : memref<10000x64xf32, #tpu.memory_space<hbm>> -> memref<10000x64xf32, #tpu.memory_space<hbm>>
        tpu.enqueue_indirect_dma source(%dma_start3A_336 : memref<10000x64xf32, #tpu.memory_space<hbm>>) target(%arg28 : memref<80x64xf32, #tpu.memory_space<vmem>>) offsets(%arg8 : memref<80xi32, #tpu.memory_space<vmem>>) semaphore(%arg41 : memref<!tpu.dma_semaphore, #tpu.memory_space<semaphore_mem>>)
      } else {
      }
      %dma_wait3A_101 = tpu.memref_slice %arg4[%multiple_of3A_62] : memref<320000xi32, #tpu.memory_space<hbm>> -> memref<80xi32, #tpu.memory_space<hbm>>
      %dma_wait3A_102 = tpu.memref_slice %arg4[%multiple_of3A_62] : memref<320000xi32, #tpu.memory_space<hbm>> -> memref<80xi32, #tpu.memory_space<hbm>>
      tpu.wait_dma2 semaphore(%arg39 : memref<!tpu.dma_semaphore, #tpu.memory_space<semaphore_mem>>) src(%dma_wait3A_102 : memref<80xi32, #tpu.memory_space<hbm>>) dst(%arg9 : memref<80xi32, #tpu.memory_space<vmem>>)
      %dma_wait3A_103 = tpu.memref_slice %arg5[%multiple_of3A_62] : memref<320000xi32, #tpu.memory_space<hbm>> -> memref<80xi32, #tpu.memory_space<hbm>>
      %dma_wait3A_104 = tpu.memref_slice %arg5[%multiple_of3A_62] : memref<320000xi32, #tpu.memory_space<hbm>> -> memref<80xi32, #tpu.memory_space<hbm>>
      tpu.wait_dma2 semaphore(%arg39 : memref<!tpu.dma_semaphore, #tpu.memory_space<semaphore_mem>>) src(%dma_wait3A_104 : memref<80xi32, #tpu.memory_space<hbm>>) dst(%arg19 : memref<80xi32, #tpu.memory_space<vmem>>)
      %eq3A_105 = arith.constant 0 : i32
      %eq3A_106 = arith.cmpi eq, %arg0, %eq3A_105 : i32
      %convert_element_type3A_107 = arith.extui %eq3A_106 : i1 to i32
      %cond3A_108 = arith.constant 0 : i32
      %cond3A_109 = arith.cmpi ne, %convert_element_type3A_107, %cond3A_108 : i32
      scf.if %cond3A_109 {
        %dma_start3A_334 = arith.constant 0 : i32
        %dma_start3A_335 = arith.constant 0 : i32
        %dma_start3A_336 = tpu.memref_slice %arg2[%dma_start3A_334, %dma_start3A_335] : memref<10000x64xf32, #tpu.memory_space<hbm>> -> memref<10000x64xf32, #tpu.memory_space<hbm>>
        tpu.enqueue_indirect_dma source(%dma_start3A_336 : memref<10000x64xf32, #tpu.memory_space<hbm>>) target(%arg29 : memref<80x64xf32, #tpu.memory_space<vmem>>) offsets(%arg9 : memref<80xi32, #tpu.memory_space<vmem>>) semaphore(%arg42 : memref<!tpu.dma_semaphore, #tpu.memory_space<semaphore_mem>>)
      } else {
      }
      %eq3A_110 = arith.constant 1 : i32
      %eq3A_111 = arith.cmpi eq, %arg0, %eq3A_110 : i32
      %convert_element_type3A_112 = arith.extui %eq3A_111 : i1 to i32
      %cond3A_113 = arith.constant 0 : i32
      %cond3A_114 = arith.cmpi ne, %convert_element_type3A_112, %cond3A_113 : i32
      scf.if %cond3A_114 {
        %dma_start3A_334 = arith.constant 0 : i32
        %dma_start3A_335 = arith.constant 0 : i32
        %dma_start3A_336 = tpu.memref_slice %arg3[%dma_start3A_334, %dma_start3A_335] : memref<10000x64xf32, #tpu.memory_space<hbm>> -> memref<10000x64xf32, #tpu.memory_space<hbm>>
        tpu.enqueue_indirect_dma source(%dma_start3A_336 : memref<10000x64xf32, #tpu.memory_space<hbm>>) target(%arg29 : memref<80x64xf32, #tpu.memory_space<vmem>>) offsets(%arg9 : memref<80xi32, #tpu.memory_space<vmem>>) semaphore(%arg42 : memref<!tpu.dma_semaphore, #tpu.memory_space<semaphore_mem>>)
      } else {
      }
      %dma_wait3A_115 = tpu.memref_slice %arg4[%multiple_of3A_69] : memref<320000xi32, #tpu.memory_space<hbm>> -> memref<80xi32, #tpu.memory_space<hbm>>
      %dma_wait3A_116 = tpu.memref_slice %arg4[%multiple_of3A_69] : memref<320000xi32, #tpu.memory_space<hbm>> -> memref<80xi32, #tpu.memory_space<hbm>>
      tpu.wait_dma2 semaphore(%arg39 : memref<!tpu.dma_semaphore, #tpu.memory_space<semaphore_mem>>) src(%dma_wait3A_116 : memref<80xi32, #tpu.memory_space<hbm>>) dst(%arg10 : memref<80xi32, #tpu.memory_space<vmem>>)
      %dma_wait3A_117 = tpu.memref_slice %arg5[%multiple_of3A_69] : memref<320000xi32, #tpu.memory_space<hbm>> -> memref<80xi32, #tpu.memory_space<hbm>>
      %dma_wait3A_118 = tpu.memref_slice %arg5[%multiple_of3A_69] : memref<320000xi32, #tpu.memory_space<hbm>> -> memref<80xi32, #tpu.memory_space<hbm>>
      tpu.wait_dma2 semaphore(%arg39 : memref<!tpu.dma_semaphore, #tpu.memory_space<semaphore_mem>>) src(%dma_wait3A_118 : memref<80xi32, #tpu.memory_space<hbm>>) dst(%arg20 : memref<80xi32, #tpu.memory_space<vmem>>)
      %eq3A_119 = arith.constant 0 : i32
      %eq3A_120 = arith.cmpi eq, %arg0, %eq3A_119 : i32
      %convert_element_type3A_121 = arith.extui %eq3A_120 : i1 to i32
      %cond3A_122 = arith.constant 0 : i32
      %cond3A_123 = arith.cmpi ne, %convert_element_type3A_121, %cond3A_122 : i32
      scf.if %cond3A_123 {
        %dma_start3A_334 = arith.constant 0 : i32
        %dma_start3A_335 = arith.constant 0 : i32
        %dma_start3A_336 = tpu.memref_slice %arg2[%dma_start3A_334, %dma_start3A_335] : memref<10000x64xf32, #tpu.memory_space<hbm>> -> memref<10000x64xf32, #tpu.memory_space<hbm>>
        tpu.enqueue_indirect_dma source(%dma_start3A_336 : memref<10000x64xf32, #tpu.memory_space<hbm>>) target(%arg30 : memref<80x64xf32, #tpu.memory_space<vmem>>) offsets(%arg10 : memref<80xi32, #tpu.memory_space<vmem>>) semaphore(%arg43 : memref<!tpu.dma_semaphore, #tpu.memory_space<semaphore_mem>>)
      } else {
      }
      %eq3A_124 = arith.constant 1 : i32
      %eq3A_125 = arith.cmpi eq, %arg0, %eq3A_124 : i32
      %convert_element_type3A_126 = arith.extui %eq3A_125 : i1 to i32
      %cond3A_127 = arith.constant 0 : i32
      %cond3A_128 = arith.cmpi ne, %convert_element_type3A_126, %cond3A_127 : i32
      scf.if %cond3A_128 {
        %dma_start3A_334 = arith.constant 0 : i32
        %dma_start3A_335 = arith.constant 0 : i32
        %dma_start3A_336 = tpu.memref_slice %arg3[%dma_start3A_334, %dma_start3A_335] : memref<10000x64xf32, #tpu.memory_space<hbm>> -> memref<10000x64xf32, #tpu.memory_space<hbm>>
        tpu.enqueue_indirect_dma source(%dma_start3A_336 : memref<10000x64xf32, #tpu.memory_space<hbm>>) target(%arg30 : memref<80x64xf32, #tpu.memory_space<vmem>>) offsets(%arg10 : memref<80xi32, #tpu.memory_space<vmem>>) semaphore(%arg43 : memref<!tpu.dma_semaphore, #tpu.memory_space<semaphore_mem>>)
      } else {
      }
      %dma_wait3A_129 = tpu.memref_slice %arg4[%multiple_of3A_76] : memref<320000xi32, #tpu.memory_space<hbm>> -> memref<80xi32, #tpu.memory_space<hbm>>
      %dma_wait3A_130 = tpu.memref_slice %arg4[%multiple_of3A_76] : memref<320000xi32, #tpu.memory_space<hbm>> -> memref<80xi32, #tpu.memory_space<hbm>>
      tpu.wait_dma2 semaphore(%arg39 : memref<!tpu.dma_semaphore, #tpu.memory_space<semaphore_mem>>) src(%dma_wait3A_130 : memref<80xi32, #tpu.memory_space<hbm>>) dst(%arg11 : memref<80xi32, #tpu.memory_space<vmem>>)
      %dma_wait3A_131 = tpu.memref_slice %arg5[%multiple_of3A_76] : memref<320000xi32, #tpu.memory_space<hbm>> -> memref<80xi32, #tpu.memory_space<hbm>>
      %dma_wait3A_132 = tpu.memref_slice %arg5[%multiple_of3A_76] : memref<320000xi32, #tpu.memory_space<hbm>> -> memref<80xi32, #tpu.memory_space<hbm>>
      tpu.wait_dma2 semaphore(%arg39 : memref<!tpu.dma_semaphore, #tpu.memory_space<semaphore_mem>>) src(%dma_wait3A_132 : memref<80xi32, #tpu.memory_space<hbm>>) dst(%arg21 : memref<80xi32, #tpu.memory_space<vmem>>)
      %eq3A_133 = arith.constant 0 : i32
      %eq3A_134 = arith.cmpi eq, %arg0, %eq3A_133 : i32
      %convert_element_type3A_135 = arith.extui %eq3A_134 : i1 to i32
      %cond3A_136 = arith.constant 0 : i32
      %cond3A_137 = arith.cmpi ne, %convert_element_type3A_135, %cond3A_136 : i32
      scf.if %cond3A_137 {
        %dma_start3A_334 = arith.constant 0 : i32
        %dma_start3A_335 = arith.constant 0 : i32
        %dma_start3A_336 = tpu.memref_slice %arg2[%dma_start3A_334, %dma_start3A_335] : memref<10000x64xf32, #tpu.memory_space<hbm>> -> memref<10000x64xf32, #tpu.memory_space<hbm>>
        tpu.enqueue_indirect_dma source(%dma_start3A_336 : memref<10000x64xf32, #tpu.memory_space<hbm>>) target(%arg31 : memref<80x64xf32, #tpu.memory_space<vmem>>) offsets(%arg11 : memref<80xi32, #tpu.memory_space<vmem>>) semaphore(%arg44 : memref<!tpu.dma_semaphore, #tpu.memory_space<semaphore_mem>>)
      } else {
      }
      %eq3A_138 = arith.constant 1 : i32
      %eq3A_139 = arith.cmpi eq, %arg0, %eq3A_138 : i32
      %convert_element_type3A_140 = arith.extui %eq3A_139 : i1 to i32
      %cond3A_141 = arith.constant 0 : i32
      %cond3A_142 = arith.cmpi ne, %convert_element_type3A_140, %cond3A_141 : i32
      scf.if %cond3A_142 {
        %dma_start3A_334 = arith.constant 0 : i32
        %dma_start3A_335 = arith.constant 0 : i32
        %dma_start3A_336 = tpu.memref_slice %arg3[%dma_start3A_334, %dma_start3A_335] : memref<10000x64xf32, #tpu.memory_space<hbm>> -> memref<10000x64xf32, #tpu.memory_space<hbm>>
        tpu.enqueue_indirect_dma source(%dma_start3A_336 : memref<10000x64xf32, #tpu.memory_space<hbm>>) target(%arg31 : memref<80x64xf32, #tpu.memory_space<vmem>>) offsets(%arg11 : memref<80xi32, #tpu.memory_space<vmem>>) semaphore(%arg44 : memref<!tpu.dma_semaphore, #tpu.memory_space<semaphore_mem>>)
      } else {
      }
      %dma_wait3A_143 = tpu.memref_slice %arg4[%multiple_of3A_83] : memref<320000xi32, #tpu.memory_space<hbm>> -> memref<80xi32, #tpu.memory_space<hbm>>
      %dma_wait3A_144 = tpu.memref_slice %arg4[%multiple_of3A_83] : memref<320000xi32, #tpu.memory_space<hbm>> -> memref<80xi32, #tpu.memory_space<hbm>>
      tpu.wait_dma2 semaphore(%arg39 : memref<!tpu.dma_semaphore, #tpu.memory_space<semaphore_mem>>) src(%dma_wait3A_144 : memref<80xi32, #tpu.memory_space<hbm>>) dst(%arg12 : memref<80xi32, #tpu.memory_space<vmem>>)
      %dma_wait3A_145 = tpu.memref_slice %arg5[%multiple_of3A_83] : memref<320000xi32, #tpu.memory_space<hbm>> -> memref<80xi32, #tpu.memory_space<hbm>>
      %dma_wait3A_146 = tpu.memref_slice %arg5[%multiple_of3A_83] : memref<320000xi32, #tpu.memory_space<hbm>> -> memref<80xi32, #tpu.memory_space<hbm>>
      tpu.wait_dma2 semaphore(%arg39 : memref<!tpu.dma_semaphore, #tpu.memory_space<semaphore_mem>>) src(%dma_wait3A_146 : memref<80xi32, #tpu.memory_space<hbm>>) dst(%arg22 : memref<80xi32, #tpu.memory_space<vmem>>)
      %eq3A_147 = arith.constant 0 : i32
      %eq3A_148 = arith.cmpi eq, %arg0, %eq3A_147 : i32
      %convert_element_type3A_149 = arith.extui %eq3A_148 : i1 to i32
      %cond3A_150 = arith.constant 0 : i32
      %cond3A_151 = arith.cmpi ne, %convert_element_type3A_149, %cond3A_150 : i32
      scf.if %cond3A_151 {
        %dma_start3A_334 = arith.constant 0 : i32
        %dma_start3A_335 = arith.constant 0 : i32
        %dma_start3A_336 = tpu.memref_slice %arg2[%dma_start3A_334, %dma_start3A_335] : memref<10000x64xf32, #tpu.memory_space<hbm>> -> memref<10000x64xf32, #tpu.memory_space<hbm>>
        tpu.enqueue_indirect_dma source(%dma_start3A_336 : memref<10000x64xf32, #tpu.memory_space<hbm>>) target(%arg32 : memref<80x64xf32, #tpu.memory_space<vmem>>) offsets(%arg12 : memref<80xi32, #tpu.memory_space<vmem>>) semaphore(%arg45 : memref<!tpu.dma_semaphore, #tpu.memory_space<semaphore_mem>>)
      } else {
      }
      %eq3A_152 = arith.constant 1 : i32
      %eq3A_153 = arith.cmpi eq, %arg0, %eq3A_152 : i32
      %convert_element_type3A_154 = arith.extui %eq3A_153 : i1 to i32
      %cond3A_155 = arith.constant 0 : i32
      %cond3A_156 = arith.cmpi ne, %convert_element_type3A_154, %cond3A_155 : i32
      scf.if %cond3A_156 {
        %dma_start3A_334 = arith.constant 0 : i32
        %dma_start3A_335 = arith.constant 0 : i32
        %dma_start3A_336 = tpu.memref_slice %arg3[%dma_start3A_334, %dma_start3A_335] : memref<10000x64xf32, #tpu.memory_space<hbm>> -> memref<10000x64xf32, #tpu.memory_space<hbm>>
        tpu.enqueue_indirect_dma source(%dma_start3A_336 : memref<10000x64xf32, #tpu.memory_space<hbm>>) target(%arg32 : memref<80x64xf32, #tpu.memory_space<vmem>>) offsets(%arg12 : memref<80xi32, #tpu.memory_space<vmem>>) semaphore(%arg45 : memref<!tpu.dma_semaphore, #tpu.memory_space<semaphore_mem>>)
      } else {
      }
      %dma_wait3A_157 = arith.constant 0 : i32
      %dma_wait3A_158 = arith.constant 0 : i32
      %dma_wait3A_159 = tpu.memref_slice %arg2[%dma_wait3A_157, %dma_wait3A_158] : memref<10000x64xf32, #tpu.memory_space<hbm>> -> memref<10000x64xf32, #tpu.memory_space<hbm>>
      tpu.wait_indirect_dma semaphore(%arg41 : memref<!tpu.dma_semaphore, #tpu.memory_space<semaphore_mem>>) src(%dma_wait3A_159 : memref<10000x64xf32, #tpu.memory_space<hbm>>) dst(%arg28 : memref<80x64xf32, #tpu.memory_space<vmem>>)
      %dma_start3A_160 = arith.constant 0 : i32
      %dma_start3A_161 = arith.constant 0 : i32
      %dma_start3A_162 = tpu.memref_slice %arg38[%dma_start3A_160, %dma_start3A_161] : memref<10240x64xf32, #tpu.memory_space<vmem_shared>> -> memref<10240x64xf32, #tpu.memory_space<vmem_shared>>
      tpu.enqueue_indirect_dma source(%arg28 : memref<80x64xf32, #tpu.memory_space<vmem>>) target(%dma_start3A_162 : memref<10240x64xf32, #tpu.memory_space<vmem_shared>>) offsets(%arg18 : memref<80xi32, #tpu.memory_space<vmem>>) semaphore(%arg51 : memref<!tpu.dma_semaphore, #tpu.memory_space<semaphore_mem>>) {add = true}
      %dma_wait3A_163 = arith.constant 0 : i32
      %dma_wait3A_164 = arith.constant 0 : i32
      %dma_wait3A_165 = tpu.memref_slice %arg2[%dma_wait3A_163, %dma_wait3A_164] : memref<10000x64xf32, #tpu.memory_space<hbm>> -> memref<10000x64xf32, #tpu.memory_space<hbm>>
      tpu.wait_indirect_dma semaphore(%arg42 : memref<!tpu.dma_semaphore, #tpu.memory_space<semaphore_mem>>) src(%dma_wait3A_165 : memref<10000x64xf32, #tpu.memory_space<hbm>>) dst(%arg29 : memref<80x64xf32, #tpu.memory_space<vmem>>)
      %dma_start3A_166 = arith.constant 0 : i32
      %dma_start3A_167 = arith.constant 0 : i32
      %dma_start3A_168 = tpu.memref_slice %arg38[%dma_start3A_166, %dma_start3A_167] : memref<10240x64xf32, #tpu.memory_space<vmem_shared>> -> memref<10240x64xf32, #tpu.memory_space<vmem_shared>>
      tpu.enqueue_indirect_dma source(%arg29 : memref<80x64xf32, #tpu.memory_space<vmem>>) target(%dma_start3A_168 : memref<10240x64xf32, #tpu.memory_space<vmem_shared>>) offsets(%arg19 : memref<80xi32, #tpu.memory_space<vmem>>) semaphore(%arg51 : memref<!tpu.dma_semaphore, #tpu.memory_space<semaphore_mem>>) {add = true}
      %dma_wait3A_169 = arith.constant 0 : i32
      %dma_wait3A_170 = arith.constant 0 : i32
      %dma_wait3A_171 = tpu.memref_slice %arg2[%dma_wait3A_169, %dma_wait3A_170] : memref<10000x64xf32, #tpu.memory_space<hbm>> -> memref<10000x64xf32, #tpu.memory_space<hbm>>
      tpu.wait_indirect_dma semaphore(%arg43 : memref<!tpu.dma_semaphore, #tpu.memory_space<semaphore_mem>>) src(%dma_wait3A_171 : memref<10000x64xf32, #tpu.memory_space<hbm>>) dst(%arg30 : memref<80x64xf32, #tpu.memory_space<vmem>>)
      %dma_start3A_172 = arith.constant 0 : i32
      %dma_start3A_173 = arith.constant 0 : i32
      %dma_start3A_174 = tpu.memref_slice %arg38[%dma_start3A_172, %dma_start3A_173] : memref<10240x64xf32, #tpu.memory_space<vmem_shared>> -> memref<10240x64xf32, #tpu.memory_space<vmem_shared>>
      tpu.enqueue_indirect_dma source(%arg30 : memref<80x64xf32, #tpu.memory_space<vmem>>) target(%dma_start3A_174 : memref<10240x64xf32, #tpu.memory_space<vmem_shared>>) offsets(%arg20 : memref<80xi32, #tpu.memory_space<vmem>>) semaphore(%arg51 : memref<!tpu.dma_semaphore, #tpu.memory_space<semaphore_mem>>) {add = true}
      %dma_wait3A_175 = arith.constant 0 : i32
      %dma_wait3A_176 = arith.constant 0 : i32
      %dma_wait3A_177 = tpu.memref_slice %arg2[%dma_wait3A_175, %dma_wait3A_176] : memref<10000x64xf32, #tpu.memory_space<hbm>> -> memref<10000x64xf32, #tpu.memory_space<hbm>>
      tpu.wait_indirect_dma semaphore(%arg44 : memref<!tpu.dma_semaphore, #tpu.memory_space<semaphore_mem>>) src(%dma_wait3A_177 : memref<10000x64xf32, #tpu.memory_space<hbm>>) dst(%arg31 : memref<80x64xf32, #tpu.memory_space<vmem>>)
      %dma_start3A_178 = arith.constant 0 : i32
      %dma_start3A_179 = arith.constant 0 : i32
      %dma_start3A_180 = tpu.memref_slice %arg38[%dma_start3A_178, %dma_start3A_179] : memref<10240x64xf32, #tpu.memory_space<vmem_shared>> -> memref<10240x64xf32, #tpu.memory_space<vmem_shared>>
      tpu.enqueue_indirect_dma source(%arg31 : memref<80x64xf32, #tpu.memory_space<vmem>>) target(%dma_start3A_180 : memref<10240x64xf32, #tpu.memory_space<vmem_shared>>) offsets(%arg21 : memref<80xi32, #tpu.memory_space<vmem>>) semaphore(%arg51 : memref<!tpu.dma_semaphore, #tpu.memory_space<semaphore_mem>>) {add = true}
      %dma_wait3A_181 = arith.constant 0 : i32
      %dma_wait3A_182 = arith.constant 0 : i32
      %dma_wait3A_183 = tpu.memref_slice %arg2[%dma_wait3A_181, %dma_wait3A_182] : memref<10000x64xf32, #tpu.memory_space<hbm>> -> memref<10000x64xf32, #tpu.memory_space<hbm>>
      tpu.wait_indirect_dma semaphore(%arg45 : memref<!tpu.dma_semaphore, #tpu.memory_space<semaphore_mem>>) src(%dma_wait3A_183 : memref<10000x64xf32, #tpu.memory_space<hbm>>) dst(%arg32 : memref<80x64xf32, #tpu.memory_space<vmem>>)
      %dma_start3A_184 = arith.constant 0 : i32
      %dma_start3A_185 = arith.constant 0 : i32
      %dma_start3A_186 = tpu.memref_slice %arg38[%dma_start3A_184, %dma_start3A_185] : memref<10240x64xf32, #tpu.memory_space<vmem_shared>> -> memref<10240x64xf32, #tpu.memory_space<vmem_shared>>
      tpu.enqueue_indirect_dma source(%arg32 : memref<80x64xf32, #tpu.memory_space<vmem>>) target(%dma_start3A_186 : memref<10240x64xf32, #tpu.memory_space<vmem_shared>>) offsets(%arg22 : memref<80xi32, #tpu.memory_space<vmem>>) semaphore(%arg51 : memref<!tpu.dma_semaphore, #tpu.memory_space<semaphore_mem>>) {add = true}
      %gt3A_187 = arith.constant 0 : i32
      %gt3A_188 = arith.cmpi sgt, %add3A_44, %gt3A_187 : i32
      %convert_element_type3A_189 = arith.extui %gt3A_188 : i1 to i32
      %cond3A_190 = arith.constant 0 : i32
      %cond3A_191 = arith.cmpi ne, %convert_element_type3A_189, %cond3A_190 : i32
      scf.if %cond3A_191 {
        %dma_wait3A_334 = arith.constant 0 : i32
        %dma_wait3A_335 = arith.constant 0 : i32
        %dma_wait3A_336 = tpu.memref_slice %arg38[%dma_wait3A_334, %dma_wait3A_335] : memref<10240x64xf32, #tpu.memory_space<vmem_shared>> -> memref<10240x64xf32, #tpu.memory_space<vmem_shared>>
        tpu.wait_indirect_dma semaphore(%arg52 : memref<!tpu.dma_semaphore, #tpu.memory_space<semaphore_mem>>) src(%arg33 : memref<80x64xf32, #tpu.memory_space<vmem>>) dst(%dma_wait3A_336 : memref<10240x64xf32, #tpu.memory_space<vmem_shared>>)
        %dma_wait3A_337 = arith.constant 0 : i32
        %dma_wait3A_338 = arith.constant 0 : i32
        %dma_wait3A_339 = tpu.memref_slice %arg38[%dma_wait3A_337, %dma_wait3A_338] : memref<10240x64xf32, #tpu.memory_space<vmem_shared>> -> memref<10240x64xf32, #tpu.memory_space<vmem_shared>>
        tpu.wait_indirect_dma semaphore(%arg52 : memref<!tpu.dma_semaphore, #tpu.memory_space<semaphore_mem>>) src(%arg34 : memref<80x64xf32, #tpu.memory_space<vmem>>) dst(%dma_wait3A_339 : memref<10240x64xf32, #tpu.memory_space<vmem_shared>>)
        %dma_wait3A_340 = arith.constant 0 : i32
        %dma_wait3A_341 = arith.constant 0 : i32
        %dma_wait3A_342 = tpu.memref_slice %arg38[%dma_wait3A_340, %dma_wait3A_341] : memref<10240x64xf32, #tpu.memory_space<vmem_shared>> -> memref<10240x64xf32, #tpu.memory_space<vmem_shared>>
        tpu.wait_indirect_dma semaphore(%arg52 : memref<!tpu.dma_semaphore, #tpu.memory_space<semaphore_mem>>) src(%arg35 : memref<80x64xf32, #tpu.memory_space<vmem>>) dst(%dma_wait3A_342 : memref<10240x64xf32, #tpu.memory_space<vmem_shared>>)
        %dma_wait3A_343 = arith.constant 0 : i32
        %dma_wait3A_344 = arith.constant 0 : i32
        %dma_wait3A_345 = tpu.memref_slice %arg38[%dma_wait3A_343, %dma_wait3A_344] : memref<10240x64xf32, #tpu.memory_space<vmem_shared>> -> memref<10240x64xf32, #tpu.memory_space<vmem_shared>>
        tpu.wait_indirect_dma semaphore(%arg52 : memref<!tpu.dma_semaphore, #tpu.memory_space<semaphore_mem>>) src(%arg36 : memref<80x64xf32, #tpu.memory_space<vmem>>) dst(%dma_wait3A_345 : memref<10240x64xf32, #tpu.memory_space<vmem_shared>>)
        %dma_wait3A_346 = arith.constant 0 : i32
        %dma_wait3A_347 = arith.constant 0 : i32
        %dma_wait3A_348 = tpu.memref_slice %arg38[%dma_wait3A_346, %dma_wait3A_347] : memref<10240x64xf32, #tpu.memory_space<vmem_shared>> -> memref<10240x64xf32, #tpu.memory_space<vmem_shared>>
        tpu.wait_indirect_dma semaphore(%arg52 : memref<!tpu.dma_semaphore, #tpu.memory_space<semaphore_mem>>) src(%arg37 : memref<80x64xf32, #tpu.memory_space<vmem>>) dst(%dma_wait3A_348 : memref<10240x64xf32, #tpu.memory_space<vmem_shared>>)
      } else {
      }
      %mul3A_192 = arith.constant 10 : i32
      %mul3A_193 = arith.muli %add3A_44, %mul3A_192 : i32
      %add3A_194 = arith.constant 5 : i32
      %add3A_195 = arith.addi %mul3A_193, %add3A_194 : i32
      %mul3A_196 = arith.constant 80 : i32
      %mul3A_197 = arith.muli %add3A_195, %mul3A_196 : i32
      %add3A_198 = arith.addi %multiple_of3A, %mul3A_197 : i32
      %add3A_199 = arith.constant 0 : i32
      %add3A_200 = arith.addi %add3A_198, %add3A_199 : i32
      %multiple_of3A_201 = tpu.assume_multiple %add3A_200, 8 : i32
      %dma_start3A_202 = tpu.memref_slice %arg4[%multiple_of3A_201] : memref<320000xi32, #tpu.memory_space<hbm>> -> memref<80xi32, #tpu.memory_space<hbm>>
      %dma_start3A_203 = tpu.memref_slice %arg4[%multiple_of3A_201] : memref<320000xi32, #tpu.memory_space<hbm>> -> memref<80xi32, #tpu.memory_space<hbm>>
      tpu.enqueue_dma source(%dma_start3A_203 : memref<80xi32, #tpu.memory_space<hbm>>) target(%arg13 : memref<80xi32, #tpu.memory_space<vmem>>) target_semaphore(%arg40 : memref<!tpu.dma_semaphore, #tpu.memory_space<semaphore_mem>>)
      %dma_start3A_204 = tpu.memref_slice %arg5[%multiple_of3A_201] : memref<320000xi32, #tpu.memory_space<hbm>> -> memref<80xi32, #tpu.memory_space<hbm>>
      %dma_start3A_205 = tpu.memref_slice %arg5[%multiple_of3A_201] : memref<320000xi32, #tpu.memory_space<hbm>> -> memref<80xi32, #tpu.memory_space<hbm>>
      tpu.enqueue_dma source(%dma_start3A_205 : memref<80xi32, #tpu.memory_space<hbm>>) target(%arg23 : memref<80xi32, #tpu.memory_space<vmem>>) target_semaphore(%arg40 : memref<!tpu.dma_semaphore, #tpu.memory_space<semaphore_mem>>)
      %add3A_206 = arith.constant 80 : i32
      %add3A_207 = arith.addi %add3A_198, %add3A_206 : i32
      %multiple_of3A_208 = tpu.assume_multiple %add3A_207, 8 : i32
      %dma_start3A_209 = tpu.memref_slice %arg4[%multiple_of3A_208] : memref<320000xi32, #tpu.memory_space<hbm>> -> memref<80xi32, #tpu.memory_space<hbm>>
      %dma_start3A_210 = tpu.memref_slice %arg4[%multiple_of3A_208] : memref<320000xi32, #tpu.memory_space<hbm>> -> memref<80xi32, #tpu.memory_space<hbm>>
      tpu.enqueue_dma source(%dma_start3A_210 : memref<80xi32, #tpu.memory_space<hbm>>) target(%arg14 : memref<80xi32, #tpu.memory_space<vmem>>) target_semaphore(%arg40 : memref<!tpu.dma_semaphore, #tpu.memory_space<semaphore_mem>>)
      %dma_start3A_211 = tpu.memref_slice %arg5[%multiple_of3A_208] : memref<320000xi32, #tpu.memory_space<hbm>> -> memref<80xi32, #tpu.memory_space<hbm>>
      %dma_start3A_212 = tpu.memref_slice %arg5[%multiple_of3A_208] : memref<320000xi32, #tpu.memory_space<hbm>> -> memref<80xi32, #tpu.memory_space<hbm>>
      tpu.enqueue_dma source(%dma_start3A_212 : memref<80xi32, #tpu.memory_space<hbm>>) target(%arg24 : memref<80xi32, #tpu.memory_space<vmem>>) target_semaphore(%arg40 : memref<!tpu.dma_semaphore, #tpu.memory_space<semaphore_mem>>)
      %add3A_213 = arith.constant 160 : i32
      %add3A_214 = arith.addi %add3A_198, %add3A_213 : i32
      %multiple_of3A_215 = tpu.assume_multiple %add3A_214, 8 : i32
      %dma_start3A_216 = tpu.memref_slice %arg4[%multiple_of3A_215] : memref<320000xi32, #tpu.memory_space<hbm>> -> memref<80xi32, #tpu.memory_space<hbm>>
      %dma_start3A_217 = tpu.memref_slice %arg4[%multiple_of3A_215] : memref<320000xi32, #tpu.memory_space<hbm>> -> memref<80xi32, #tpu.memory_space<hbm>>
      tpu.enqueue_dma source(%dma_start3A_217 : memref<80xi32, #tpu.memory_space<hbm>>) target(%arg15 : memref<80xi32, #tpu.memory_space<vmem>>) target_semaphore(%arg40 : memref<!tpu.dma_semaphore, #tpu.memory_space<semaphore_mem>>)
      %dma_start3A_218 = tpu.memref_slice %arg5[%multiple_of3A_215] : memref<320000xi32, #tpu.memory_space<hbm>> -> memref<80xi32, #tpu.memory_space<hbm>>
      %dma_start3A_219 = tpu.memref_slice %arg5[%multiple_of3A_215] : memref<320000xi32, #tpu.memory_space<hbm>> -> memref<80xi32, #tpu.memory_space<hbm>>
      tpu.enqueue_dma source(%dma_start3A_219 : memref<80xi32, #tpu.memory_space<hbm>>) target(%arg25 : memref<80xi32, #tpu.memory_space<vmem>>) target_semaphore(%arg40 : memref<!tpu.dma_semaphore, #tpu.memory_space<semaphore_mem>>)
      %add3A_220 = arith.constant 240 : i32
      %add3A_221 = arith.addi %add3A_198, %add3A_220 : i32
      %multiple_of3A_222 = tpu.assume_multiple %add3A_221, 8 : i32
      %dma_start3A_223 = tpu.memref_slice %arg4[%multiple_of3A_222] : memref<320000xi32, #tpu.memory_space<hbm>> -> memref<80xi32, #tpu.memory_space<hbm>>
      %dma_start3A_224 = tpu.memref_slice %arg4[%multiple_of3A_222] : memref<320000xi32, #tpu.memory_space<hbm>> -> memref<80xi32, #tpu.memory_space<hbm>>
      tpu.enqueue_dma source(%dma_start3A_224 : memref<80xi32, #tpu.memory_space<hbm>>) target(%arg16 : memref<80xi32, #tpu.memory_space<vmem>>) target_semaphore(%arg40 : memref<!tpu.dma_semaphore, #tpu.memory_space<semaphore_mem>>)
      %dma_start3A_225 = tpu.memref_slice %arg5[%multiple_of3A_222] : memref<320000xi32, #tpu.memory_space<hbm>> -> memref<80xi32, #tpu.memory_space<hbm>>
      %dma_start3A_226 = tpu.memref_slice %arg5[%multiple_of3A_222] : memref<320000xi32, #tpu.memory_space<hbm>> -> memref<80xi32, #tpu.memory_space<hbm>>
      tpu.enqueue_dma source(%dma_start3A_226 : memref<80xi32, #tpu.memory_space<hbm>>) target(%arg26 : memref<80xi32, #tpu.memory_space<vmem>>) target_semaphore(%arg40 : memref<!tpu.dma_semaphore, #tpu.memory_space<semaphore_mem>>)
      %add3A_227 = arith.constant 320 : i32
      %add3A_228 = arith.addi %add3A_198, %add3A_227 : i32
      %multiple_of3A_229 = tpu.assume_multiple %add3A_228, 8 : i32
      %dma_start3A_230 = tpu.memref_slice %arg4[%multiple_of3A_229] : memref<320000xi32, #tpu.memory_space<hbm>> -> memref<80xi32, #tpu.memory_space<hbm>>
      %dma_start3A_231 = tpu.memref_slice %arg4[%multiple_of3A_229] : memref<320000xi32, #tpu.memory_space<hbm>> -> memref<80xi32, #tpu.memory_space<hbm>>
      tpu.enqueue_dma source(%dma_start3A_231 : memref<80xi32, #tpu.memory_space<hbm>>) target(%arg17 : memref<80xi32, #tpu.memory_space<vmem>>) target_semaphore(%arg40 : memref<!tpu.dma_semaphore, #tpu.memory_space<semaphore_mem>>)
      %dma_start3A_232 = tpu.memref_slice %arg5[%multiple_of3A_229] : memref<320000xi32, #tpu.memory_space<hbm>> -> memref<80xi32, #tpu.memory_space<hbm>>
      %dma_start3A_233 = tpu.memref_slice %arg5[%multiple_of3A_229] : memref<320000xi32, #tpu.memory_space<hbm>> -> memref<80xi32, #tpu.memory_space<hbm>>
      tpu.enqueue_dma source(%dma_start3A_233 : memref<80xi32, #tpu.memory_space<hbm>>) target(%arg27 : memref<80xi32, #tpu.memory_space<vmem>>) target_semaphore(%arg40 : memref<!tpu.dma_semaphore, #tpu.memory_space<semaphore_mem>>)
      %dma_wait3A_234 = tpu.memref_slice %arg4[%multiple_of3A_201] : memref<320000xi32, #tpu.memory_space<hbm>> -> memref<80xi32, #tpu.memory_space<hbm>>
      %dma_wait3A_235 = tpu.memref_slice %arg4[%multiple_of3A_201] : memref<320000xi32, #tpu.memory_space<hbm>> -> memref<80xi32, #tpu.memory_space<hbm>>
      tpu.wait_dma2 semaphore(%arg40 : memref<!tpu.dma_semaphore, #tpu.memory_space<semaphore_mem>>) src(%dma_wait3A_235 : memref<80xi32, #tpu.memory_space<hbm>>) dst(%arg13 : memref<80xi32, #tpu.memory_space<vmem>>)
      %dma_wait3A_236 = tpu.memref_slice %arg5[%multiple_of3A_201] : memref<320000xi32, #tpu.memory_space<hbm>> -> memref<80xi32, #tpu.memory_space<hbm>>
      %dma_wait3A_237 = tpu.memref_slice %arg5[%multiple_of3A_201] : memref<320000xi32, #tpu.memory_space<hbm>> -> memref<80xi32, #tpu.memory_space<hbm>>
      tpu.wait_dma2 semaphore(%arg40 : memref<!tpu.dma_semaphore, #tpu.memory_space<semaphore_mem>>) src(%dma_wait3A_237 : memref<80xi32, #tpu.memory_space<hbm>>) dst(%arg23 : memref<80xi32, #tpu.memory_space<vmem>>)
      %eq3A_238 = arith.constant 0 : i32
      %eq3A_239 = arith.cmpi eq, %arg0, %eq3A_238 : i32
      %convert_element_type3A_240 = arith.extui %eq3A_239 : i1 to i32
      %cond3A_241 = arith.constant 0 : i32
      %cond3A_242 = arith.cmpi ne, %convert_element_type3A_240, %cond3A_241 : i32
      scf.if %cond3A_242 {
        %dma_start3A_334 = arith.constant 0 : i32
        %dma_start3A_335 = arith.constant 0 : i32
        %dma_start3A_336 = tpu.memref_slice %arg2[%dma_start3A_334, %dma_start3A_335] : memref<10000x64xf32, #tpu.memory_space<hbm>> -> memref<10000x64xf32, #tpu.memory_space<hbm>>
        tpu.enqueue_indirect_dma source(%dma_start3A_336 : memref<10000x64xf32, #tpu.memory_space<hbm>>) target(%arg33 : memref<80x64xf32, #tpu.memory_space<vmem>>) offsets(%arg13 : memref<80xi32, #tpu.memory_space<vmem>>) semaphore(%arg46 : memref<!tpu.dma_semaphore, #tpu.memory_space<semaphore_mem>>)
      } else {
      }
      %eq3A_243 = arith.constant 1 : i32
      %eq3A_244 = arith.cmpi eq, %arg0, %eq3A_243 : i32
      %convert_element_type3A_245 = arith.extui %eq3A_244 : i1 to i32
      %cond3A_246 = arith.constant 0 : i32
      %cond3A_247 = arith.cmpi ne, %convert_element_type3A_245, %cond3A_246 : i32
      scf.if %cond3A_247 {
        %dma_start3A_334 = arith.constant 0 : i32
        %dma_start3A_335 = arith.constant 0 : i32
        %dma_start3A_336 = tpu.memref_slice %arg3[%dma_start3A_334, %dma_start3A_335] : memref<10000x64xf32, #tpu.memory_space<hbm>> -> memref<10000x64xf32, #tpu.memory_space<hbm>>
        tpu.enqueue_indirect_dma source(%dma_start3A_336 : memref<10000x64xf32, #tpu.memory_space<hbm>>) target(%arg33 : memref<80x64xf32, #tpu.memory_space<vmem>>) offsets(%arg13 : memref<80xi32, #tpu.memory_space<vmem>>) semaphore(%arg46 : memref<!tpu.dma_semaphore, #tpu.memory_space<semaphore_mem>>)
      } else {
      }
      %dma_wait3A_248 = tpu.memref_slice %arg4[%multiple_of3A_208] : memref<320000xi32, #tpu.memory_space<hbm>> -> memref<80xi32, #tpu.memory_space<hbm>>
      %dma_wait3A_249 = tpu.memref_slice %arg4[%multiple_of3A_208] : memref<320000xi32, #tpu.memory_space<hbm>> -> memref<80xi32, #tpu.memory_space<hbm>>
      tpu.wait_dma2 semaphore(%arg40 : memref<!tpu.dma_semaphore, #tpu.memory_space<semaphore_mem>>) src(%dma_wait3A_249 : memref<80xi32, #tpu.memory_space<hbm>>) dst(%arg14 : memref<80xi32, #tpu.memory_space<vmem>>)
      %dma_wait3A_250 = tpu.memref_slice %arg5[%multiple_of3A_208] : memref<320000xi32, #tpu.memory_space<hbm>> -> memref<80xi32, #tpu.memory_space<hbm>>
      %dma_wait3A_251 = tpu.memref_slice %arg5[%multiple_of3A_208] : memref<320000xi32, #tpu.memory_space<hbm>> -> memref<80xi32, #tpu.memory_space<hbm>>
      tpu.wait_dma2 semaphore(%arg40 : memref<!tpu.dma_semaphore, #tpu.memory_space<semaphore_mem>>) src(%dma_wait3A_251 : memref<80xi32, #tpu.memory_space<hbm>>) dst(%arg24 : memref<80xi32, #tpu.memory_space<vmem>>)
      %eq3A_252 = arith.constant 0 : i32
      %eq3A_253 = arith.cmpi eq, %arg0, %eq3A_252 : i32
      %convert_element_type3A_254 = arith.extui %eq3A_253 : i1 to i32
      %cond3A_255 = arith.constant 0 : i32
      %cond3A_256 = arith.cmpi ne, %convert_element_type3A_254, %cond3A_255 : i32
      scf.if %cond3A_256 {
        %dma_start3A_334 = arith.constant 0 : i32
        %dma_start3A_335 = arith.constant 0 : i32
        %dma_start3A_336 = tpu.memref_slice %arg2[%dma_start3A_334, %dma_start3A_335] : memref<10000x64xf32, #tpu.memory_space<hbm>> -> memref<10000x64xf32, #tpu.memory_space<hbm>>
        tpu.enqueue_indirect_dma source(%dma_start3A_336 : memref<10000x64xf32, #tpu.memory_space<hbm>>) target(%arg34 : memref<80x64xf32, #tpu.memory_space<vmem>>) offsets(%arg14 : memref<80xi32, #tpu.memory_space<vmem>>) semaphore(%arg47 : memref<!tpu.dma_semaphore, #tpu.memory_space<semaphore_mem>>)
      } else {
      }
      %eq3A_257 = arith.constant 1 : i32
      %eq3A_258 = arith.cmpi eq, %arg0, %eq3A_257 : i32
      %convert_element_type3A_259 = arith.extui %eq3A_258 : i1 to i32
      %cond3A_260 = arith.constant 0 : i32
      %cond3A_261 = arith.cmpi ne, %convert_element_type3A_259, %cond3A_260 : i32
      scf.if %cond3A_261 {
        %dma_start3A_334 = arith.constant 0 : i32
        %dma_start3A_335 = arith.constant 0 : i32
        %dma_start3A_336 = tpu.memref_slice %arg3[%dma_start3A_334, %dma_start3A_335] : memref<10000x64xf32, #tpu.memory_space<hbm>> -> memref<10000x64xf32, #tpu.memory_space<hbm>>
        tpu.enqueue_indirect_dma source(%dma_start3A_336 : memref<10000x64xf32, #tpu.memory_space<hbm>>) target(%arg34 : memref<80x64xf32, #tpu.memory_space<vmem>>) offsets(%arg14 : memref<80xi32, #tpu.memory_space<vmem>>) semaphore(%arg47 : memref<!tpu.dma_semaphore, #tpu.memory_space<semaphore_mem>>)
      } else {
      }
      %dma_wait3A_262 = tpu.memref_slice %arg4[%multiple_of3A_215] : memref<320000xi32, #tpu.memory_space<hbm>> -> memref<80xi32, #tpu.memory_space<hbm>>
      %dma_wait3A_263 = tpu.memref_slice %arg4[%multiple_of3A_215] : memref<320000xi32, #tpu.memory_space<hbm>> -> memref<80xi32, #tpu.memory_space<hbm>>
      tpu.wait_dma2 semaphore(%arg40 : memref<!tpu.dma_semaphore, #tpu.memory_space<semaphore_mem>>) src(%dma_wait3A_263 : memref<80xi32, #tpu.memory_space<hbm>>) dst(%arg15 : memref<80xi32, #tpu.memory_space<vmem>>)
      %dma_wait3A_264 = tpu.memref_slice %arg5[%multiple_of3A_215] : memref<320000xi32, #tpu.memory_space<hbm>> -> memref<80xi32, #tpu.memory_space<hbm>>
      %dma_wait3A_265 = tpu.memref_slice %arg5[%multiple_of3A_215] : memref<320000xi32, #tpu.memory_space<hbm>> -> memref<80xi32, #tpu.memory_space<hbm>>
      tpu.wait_dma2 semaphore(%arg40 : memref<!tpu.dma_semaphore, #tpu.memory_space<semaphore_mem>>) src(%dma_wait3A_265 : memref<80xi32, #tpu.memory_space<hbm>>) dst(%arg25 : memref<80xi32, #tpu.memory_space<vmem>>)
      %eq3A_266 = arith.constant 0 : i32
      %eq3A_267 = arith.cmpi eq, %arg0, %eq3A_266 : i32
      %convert_element_type3A_268 = arith.extui %eq3A_267 : i1 to i32
      %cond3A_269 = arith.constant 0 : i32
      %cond3A_270 = arith.cmpi ne, %convert_element_type3A_268, %cond3A_269 : i32
      scf.if %cond3A_270 {
        %dma_start3A_334 = arith.constant 0 : i32
        %dma_start3A_335 = arith.constant 0 : i32
        %dma_start3A_336 = tpu.memref_slice %arg2[%dma_start3A_334, %dma_start3A_335] : memref<10000x64xf32, #tpu.memory_space<hbm>> -> memref<10000x64xf32, #tpu.memory_space<hbm>>
        tpu.enqueue_indirect_dma source(%dma_start3A_336 : memref<10000x64xf32, #tpu.memory_space<hbm>>) target(%arg35 : memref<80x64xf32, #tpu.memory_space<vmem>>) offsets(%arg15 : memref<80xi32, #tpu.memory_space<vmem>>) semaphore(%arg48 : memref<!tpu.dma_semaphore, #tpu.memory_space<semaphore_mem>>)
      } else {
      }
      %eq3A_271 = arith.constant 1 : i32
      %eq3A_272 = arith.cmpi eq, %arg0, %eq3A_271 : i32
      %convert_element_type3A_273 = arith.extui %eq3A_272 : i1 to i32
      %cond3A_274 = arith.constant 0 : i32
      %cond3A_275 = arith.cmpi ne, %convert_element_type3A_273, %cond3A_274 : i32
      scf.if %cond3A_275 {
        %dma_start3A_334 = arith.constant 0 : i32
        %dma_start3A_335 = arith.constant 0 : i32
        %dma_start3A_336 = tpu.memref_slice %arg3[%dma_start3A_334, %dma_start3A_335] : memref<10000x64xf32, #tpu.memory_space<hbm>> -> memref<10000x64xf32, #tpu.memory_space<hbm>>
        tpu.enqueue_indirect_dma source(%dma_start3A_336 : memref<10000x64xf32, #tpu.memory_space<hbm>>) target(%arg35 : memref<80x64xf32, #tpu.memory_space<vmem>>) offsets(%arg15 : memref<80xi32, #tpu.memory_space<vmem>>) semaphore(%arg48 : memref<!tpu.dma_semaphore, #tpu.memory_space<semaphore_mem>>)
      } else {
      }
      %dma_wait3A_276 = tpu.memref_slice %arg4[%multiple_of3A_222] : memref<320000xi32, #tpu.memory_space<hbm>> -> memref<80xi32, #tpu.memory_space<hbm>>
      %dma_wait3A_277 = tpu.memref_slice %arg4[%multiple_of3A_222] : memref<320000xi32, #tpu.memory_space<hbm>> -> memref<80xi32, #tpu.memory_space<hbm>>
      tpu.wait_dma2 semaphore(%arg40 : memref<!tpu.dma_semaphore, #tpu.memory_space<semaphore_mem>>) src(%dma_wait3A_277 : memref<80xi32, #tpu.memory_space<hbm>>) dst(%arg16 : memref<80xi32, #tpu.memory_space<vmem>>)
      %dma_wait3A_278 = tpu.memref_slice %arg5[%multiple_of3A_222] : memref<320000xi32, #tpu.memory_space<hbm>> -> memref<80xi32, #tpu.memory_space<hbm>>
      %dma_wait3A_279 = tpu.memref_slice %arg5[%multiple_of3A_222] : memref<320000xi32, #tpu.memory_space<hbm>> -> memref<80xi32, #tpu.memory_space<hbm>>
      tpu.wait_dma2 semaphore(%arg40 : memref<!tpu.dma_semaphore, #tpu.memory_space<semaphore_mem>>) src(%dma_wait3A_279 : memref<80xi32, #tpu.memory_space<hbm>>) dst(%arg26 : memref<80xi32, #tpu.memory_space<vmem>>)
      %eq3A_280 = arith.constant 0 : i32
      %eq3A_281 = arith.cmpi eq, %arg0, %eq3A_280 : i32
      %convert_element_type3A_282 = arith.extui %eq3A_281 : i1 to i32
      %cond3A_283 = arith.constant 0 : i32
      %cond3A_284 = arith.cmpi ne, %convert_element_type3A_282, %cond3A_283 : i32
      scf.if %cond3A_284 {
        %dma_start3A_334 = arith.constant 0 : i32
        %dma_start3A_335 = arith.constant 0 : i32
        %dma_start3A_336 = tpu.memref_slice %arg2[%dma_start3A_334, %dma_start3A_335] : memref<10000x64xf32, #tpu.memory_space<hbm>> -> memref<10000x64xf32, #tpu.memory_space<hbm>>
        tpu.enqueue_indirect_dma source(%dma_start3A_336 : memref<10000x64xf32, #tpu.memory_space<hbm>>) target(%arg36 : memref<80x64xf32, #tpu.memory_space<vmem>>) offsets(%arg16 : memref<80xi32, #tpu.memory_space<vmem>>) semaphore(%arg49 : memref<!tpu.dma_semaphore, #tpu.memory_space<semaphore_mem>>)
      } else {
      }
      %eq3A_285 = arith.constant 1 : i32
      %eq3A_286 = arith.cmpi eq, %arg0, %eq3A_285 : i32
      %convert_element_type3A_287 = arith.extui %eq3A_286 : i1 to i32
      %cond3A_288 = arith.constant 0 : i32
      %cond3A_289 = arith.cmpi ne, %convert_element_type3A_287, %cond3A_288 : i32
      scf.if %cond3A_289 {
        %dma_start3A_334 = arith.constant 0 : i32
        %dma_start3A_335 = arith.constant 0 : i32
        %dma_start3A_336 = tpu.memref_slice %arg3[%dma_start3A_334, %dma_start3A_335] : memref<10000x64xf32, #tpu.memory_space<hbm>> -> memref<10000x64xf32, #tpu.memory_space<hbm>>
        tpu.enqueue_indirect_dma source(%dma_start3A_336 : memref<10000x64xf32, #tpu.memory_space<hbm>>) target(%arg36 : memref<80x64xf32, #tpu.memory_space<vmem>>) offsets(%arg16 : memref<80xi32, #tpu.memory_space<vmem>>) semaphore(%arg49 : memref<!tpu.dma_semaphore, #tpu.memory_space<semaphore_mem>>)
      } else {
      }
      %dma_wait3A_290 = tpu.memref_slice %arg4[%multiple_of3A_229] : memref<320000xi32, #tpu.memory_space<hbm>> -> memref<80xi32, #tpu.memory_space<hbm>>
      %dma_wait3A_291 = tpu.memref_slice %arg4[%multiple_of3A_229] : memref<320000xi32, #tpu.memory_space<hbm>> -> memref<80xi32, #tpu.memory_space<hbm>>
      tpu.wait_dma2 semaphore(%arg40 : memref<!tpu.dma_semaphore, #tpu.memory_space<semaphore_mem>>) src(%dma_wait3A_291 : memref<80xi32, #tpu.memory_space<hbm>>) dst(%arg17 : memref<80xi32, #tpu.memory_space<vmem>>)
      %dma_wait3A_292 = tpu.memref_slice %arg5[%multiple_of3A_229] : memref<320000xi32, #tpu.memory_space<hbm>> -> memref<80xi32, #tpu.memory_space<hbm>>
      %dma_wait3A_293 = tpu.memref_slice %arg5[%multiple_of3A_229] : memref<320000xi32, #tpu.memory_space<hbm>> -> memref<80xi32, #tpu.memory_space<hbm>>
      tpu.wait_dma2 semaphore(%arg40 : memref<!tpu.dma_semaphore, #tpu.memory_space<semaphore_mem>>) src(%dma_wait3A_293 : memref<80xi32, #tpu.memory_space<hbm>>) dst(%arg27 : memref<80xi32, #tpu.memory_space<vmem>>)
      %eq3A_294 = arith.constant 0 : i32
      %eq3A_295 = arith.cmpi eq, %arg0, %eq3A_294 : i32
      %convert_element_type3A_296 = arith.extui %eq3A_295 : i1 to i32
      %cond3A_297 = arith.constant 0 : i32
      %cond3A_298 = arith.cmpi ne, %convert_element_type3A_296, %cond3A_297 : i32
      scf.if %cond3A_298 {
        %dma_start3A_334 = arith.constant 0 : i32
        %dma_start3A_335 = arith.constant 0 : i32
        %dma_start3A_336 = tpu.memref_slice %arg2[%dma_start3A_334, %dma_start3A_335] : memref<10000x64xf32, #tpu.memory_space<hbm>> -> memref<10000x64xf32, #tpu.memory_space<hbm>>
        tpu.enqueue_indirect_dma source(%dma_start3A_336 : memref<10000x64xf32, #tpu.memory_space<hbm>>) target(%arg37 : memref<80x64xf32, #tpu.memory_space<vmem>>) offsets(%arg17 : memref<80xi32, #tpu.memory_space<vmem>>) semaphore(%arg50 : memref<!tpu.dma_semaphore, #tpu.memory_space<semaphore_mem>>)
      } else {
      }
      %eq3A_299 = arith.constant 1 : i32
      %eq3A_300 = arith.cmpi eq, %arg0, %eq3A_299 : i32
      %convert_element_type3A_301 = arith.extui %eq3A_300 : i1 to i32
      %cond3A_302 = arith.constant 0 : i32
      %cond3A_303 = arith.cmpi ne, %convert_element_type3A_301, %cond3A_302 : i32
      scf.if %cond3A_303 {
        %dma_start3A_334 = arith.constant 0 : i32
        %dma_start3A_335 = arith.constant 0 : i32
        %dma_start3A_336 = tpu.memref_slice %arg3[%dma_start3A_334, %dma_start3A_335] : memref<10000x64xf32, #tpu.memory_space<hbm>> -> memref<10000x64xf32, #tpu.memory_space<hbm>>
        tpu.enqueue_indirect_dma source(%dma_start3A_336 : memref<10000x64xf32, #tpu.memory_space<hbm>>) target(%arg37 : memref<80x64xf32, #tpu.memory_space<vmem>>) offsets(%arg17 : memref<80xi32, #tpu.memory_space<vmem>>) semaphore(%arg50 : memref<!tpu.dma_semaphore, #tpu.memory_space<semaphore_mem>>)
      } else {
      }
      %dma_wait3A_304 = arith.constant 0 : i32
      %dma_wait3A_305 = arith.constant 0 : i32
      %dma_wait3A_306 = tpu.memref_slice %arg2[%dma_wait3A_304, %dma_wait3A_305] : memref<10000x64xf32, #tpu.memory_space<hbm>> -> memref<10000x64xf32, #tpu.memory_space<hbm>>
      tpu.wait_indirect_dma semaphore(%arg46 : memref<!tpu.dma_semaphore, #tpu.memory_space<semaphore_mem>>) src(%dma_wait3A_306 : memref<10000x64xf32, #tpu.memory_space<hbm>>) dst(%arg33 : memref<80x64xf32, #tpu.memory_space<vmem>>)
      %dma_start3A_307 = arith.constant 0 : i32
      %dma_start3A_308 = arith.constant 0 : i32
      %dma_start3A_309 = tpu.memref_slice %arg38[%dma_start3A_307, %dma_start3A_308] : memref<10240x64xf32, #tpu.memory_space<vmem_shared>> -> memref<10240x64xf32, #tpu.memory_space<vmem_shared>>
      tpu.enqueue_indirect_dma source(%arg33 : memref<80x64xf32, #tpu.memory_space<vmem>>) target(%dma_start3A_309 : memref<10240x64xf32, #tpu.memory_space<vmem_shared>>) offsets(%arg23 : memref<80xi32, #tpu.memory_space<vmem>>) semaphore(%arg52 : memref<!tpu.dma_semaphore, #tpu.memory_space<semaphore_mem>>) {add = true}
      %dma_wait3A_310 = arith.constant 0 : i32
      %dma_wait3A_311 = arith.constant 0 : i32
      %dma_wait3A_312 = tpu.memref_slice %arg2[%dma_wait3A_310, %dma_wait3A_311] : memref<10000x64xf32, #tpu.memory_space<hbm>> -> memref<10000x64xf32, #tpu.memory_space<hbm>>
      tpu.wait_indirect_dma semaphore(%arg47 : memref<!tpu.dma_semaphore, #tpu.memory_space<semaphore_mem>>) src(%dma_wait3A_312 : memref<10000x64xf32, #tpu.memory_space<hbm>>) dst(%arg34 : memref<80x64xf32, #tpu.memory_space<vmem>>)
      %dma_start3A_313 = arith.constant 0 : i32
      %dma_start3A_314 = arith.constant 0 : i32
      %dma_start3A_315 = tpu.memref_slice %arg38[%dma_start3A_313, %dma_start3A_314] : memref<10240x64xf32, #tpu.memory_space<vmem_shared>> -> memref<10240x64xf32, #tpu.memory_space<vmem_shared>>
      tpu.enqueue_indirect_dma source(%arg34 : memref<80x64xf32, #tpu.memory_space<vmem>>) target(%dma_start3A_315 : memref<10240x64xf32, #tpu.memory_space<vmem_shared>>) offsets(%arg24 : memref<80xi32, #tpu.memory_space<vmem>>) semaphore(%arg52 : memref<!tpu.dma_semaphore, #tpu.memory_space<semaphore_mem>>) {add = true}
      %dma_wait3A_316 = arith.constant 0 : i32
      %dma_wait3A_317 = arith.constant 0 : i32
      %dma_wait3A_318 = tpu.memref_slice %arg2[%dma_wait3A_316, %dma_wait3A_317] : memref<10000x64xf32, #tpu.memory_space<hbm>> -> memref<10000x64xf32, #tpu.memory_space<hbm>>
      tpu.wait_indirect_dma semaphore(%arg48 : memref<!tpu.dma_semaphore, #tpu.memory_space<semaphore_mem>>) src(%dma_wait3A_318 : memref<10000x64xf32, #tpu.memory_space<hbm>>) dst(%arg35 : memref<80x64xf32, #tpu.memory_space<vmem>>)
      %dma_start3A_319 = arith.constant 0 : i32
      %dma_start3A_320 = arith.constant 0 : i32
      %dma_start3A_321 = tpu.memref_slice %arg38[%dma_start3A_319, %dma_start3A_320] : memref<10240x64xf32, #tpu.memory_space<vmem_shared>> -> memref<10240x64xf32, #tpu.memory_space<vmem_shared>>
      tpu.enqueue_indirect_dma source(%arg35 : memref<80x64xf32, #tpu.memory_space<vmem>>) target(%dma_start3A_321 : memref<10240x64xf32, #tpu.memory_space<vmem_shared>>) offsets(%arg25 : memref<80xi32, #tpu.memory_space<vmem>>) semaphore(%arg52 : memref<!tpu.dma_semaphore, #tpu.memory_space<semaphore_mem>>) {add = true}
      %dma_wait3A_322 = arith.constant 0 : i32
      %dma_wait3A_323 = arith.constant 0 : i32
      %dma_wait3A_324 = tpu.memref_slice %arg2[%dma_wait3A_322, %dma_wait3A_323] : memref<10000x64xf32, #tpu.memory_space<hbm>> -> memref<10000x64xf32, #tpu.memory_space<hbm>>
      tpu.wait_indirect_dma semaphore(%arg49 : memref<!tpu.dma_semaphore, #tpu.memory_space<semaphore_mem>>) src(%dma_wait3A_324 : memref<10000x64xf32, #tpu.memory_space<hbm>>) dst(%arg36 : memref<80x64xf32, #tpu.memory_space<vmem>>)
      %dma_start3A_325 = arith.constant 0 : i32
      %dma_start3A_326 = arith.constant 0 : i32
      %dma_start3A_327 = tpu.memref_slice %arg38[%dma_start3A_325, %dma_start3A_326] : memref<10240x64xf32, #tpu.memory_space<vmem_shared>> -> memref<10240x64xf32, #tpu.memory_space<vmem_shared>>
      tpu.enqueue_indirect_dma source(%arg36 : memref<80x64xf32, #tpu.memory_space<vmem>>) target(%dma_start3A_327 : memref<10240x64xf32, #tpu.memory_space<vmem_shared>>) offsets(%arg26 : memref<80xi32, #tpu.memory_space<vmem>>) semaphore(%arg52 : memref<!tpu.dma_semaphore, #tpu.memory_space<semaphore_mem>>) {add = true}
      %dma_wait3A_328 = arith.constant 0 : i32
      %dma_wait3A_329 = arith.constant 0 : i32
      %dma_wait3A_330 = tpu.memref_slice %arg2[%dma_wait3A_328, %dma_wait3A_329] : memref<10000x64xf32, #tpu.memory_space<hbm>> -> memref<10000x64xf32, #tpu.memory_space<hbm>>
      tpu.wait_indirect_dma semaphore(%arg50 : memref<!tpu.dma_semaphore, #tpu.memory_space<semaphore_mem>>) src(%dma_wait3A_330 : memref<10000x64xf32, #tpu.memory_space<hbm>>) dst(%arg37 : memref<80x64xf32, #tpu.memory_space<vmem>>)
      %dma_start3A_331 = arith.constant 0 : i32
      %dma_start3A_332 = arith.constant 0 : i32
      %dma_start3A_333 = tpu.memref_slice %arg38[%dma_start3A_331, %dma_start3A_332] : memref<10240x64xf32, #tpu.memory_space<vmem_shared>> -> memref<10240x64xf32, #tpu.memory_space<vmem_shared>>
      tpu.enqueue_indirect_dma source(%arg37 : memref<80x64xf32, #tpu.memory_space<vmem>>) target(%dma_start3A_333 : memref<10240x64xf32, #tpu.memory_space<vmem_shared>>) offsets(%arg27 : memref<80xi32, #tpu.memory_space<vmem>>) semaphore(%arg52 : memref<!tpu.dma_semaphore, #tpu.memory_space<semaphore_mem>>) {add = true}
    }
    %scan3A_6 = arith.constant 25 : i32
    %dma_wait3A = arith.constant 0 : i32
    %dma_wait3A_7 = arith.constant 0 : i32
    %dma_wait3A_8 = tpu.memref_slice %arg38[%dma_wait3A, %dma_wait3A_7] : memref<10240x64xf32, #tpu.memory_space<vmem_shared>> -> memref<10240x64xf32, #tpu.memory_space<vmem_shared>>
    tpu.wait_indirect_dma semaphore(%arg51 : memref<!tpu.dma_semaphore, #tpu.memory_space<semaphore_mem>>) src(%arg28 : memref<80x64xf32, #tpu.memory_space<vmem>>) dst(%dma_wait3A_8 : memref<10240x64xf32, #tpu.memory_space<vmem_shared>>)
    %dma_wait3A_9 = arith.constant 0 : i32
    %dma_wait3A_10 = arith.constant 0 : i32
    %dma_wait3A_11 = tpu.memref_slice %arg38[%dma_wait3A_9, %dma_wait3A_10] : memref<10240x64xf32, #tpu.memory_space<vmem_shared>> -> memref<10240x64xf32, #tpu.memory_space<vmem_shared>>
    tpu.wait_indirect_dma semaphore(%arg51 : memref<!tpu.dma_semaphore, #tpu.memory_space<semaphore_mem>>) src(%arg29 : memref<80x64xf32, #tpu.memory_space<vmem>>) dst(%dma_wait3A_11 : memref<10240x64xf32, #tpu.memory_space<vmem_shared>>)
    %dma_wait3A_12 = arith.constant 0 : i32
    %dma_wait3A_13 = arith.constant 0 : i32
    %dma_wait3A_14 = tpu.memref_slice %arg38[%dma_wait3A_12, %dma_wait3A_13] : memref<10240x64xf32, #tpu.memory_space<vmem_shared>> -> memref<10240x64xf32, #tpu.memory_space<vmem_shared>>
    tpu.wait_indirect_dma semaphore(%arg51 : memref<!tpu.dma_semaphore, #tpu.memory_space<semaphore_mem>>) src(%arg30 : memref<80x64xf32, #tpu.memory_space<vmem>>) dst(%dma_wait3A_14 : memref<10240x64xf32, #tpu.memory_space<vmem_shared>>)
    %dma_wait3A_15 = arith.constant 0 : i32
    %dma_wait3A_16 = arith.constant 0 : i32
    %dma_wait3A_17 = tpu.memref_slice %arg38[%dma_wait3A_15, %dma_wait3A_16] : memref<10240x64xf32, #tpu.memory_space<vmem_shared>> -> memref<10240x64xf32, #tpu.memory_space<vmem_shared>>
    tpu.wait_indirect_dma semaphore(%arg51 : memref<!tpu.dma_semaphore, #tpu.memory_space<semaphore_mem>>) src(%arg31 : memref<80x64xf32, #tpu.memory_space<vmem>>) dst(%dma_wait3A_17 : memref<10240x64xf32, #tpu.memory_space<vmem_shared>>)
    %dma_wait3A_18 = arith.constant 0 : i32
    %dma_wait3A_19 = arith.constant 0 : i32
    %dma_wait3A_20 = tpu.memref_slice %arg38[%dma_wait3A_18, %dma_wait3A_19] : memref<10240x64xf32, #tpu.memory_space<vmem_shared>> -> memref<10240x64xf32, #tpu.memory_space<vmem_shared>>
    tpu.wait_indirect_dma semaphore(%arg51 : memref<!tpu.dma_semaphore, #tpu.memory_space<semaphore_mem>>) src(%arg32 : memref<80x64xf32, #tpu.memory_space<vmem>>) dst(%dma_wait3A_20 : memref<10240x64xf32, #tpu.memory_space<vmem_shared>>)
    %dma_wait3A_21 = arith.constant 0 : i32
    %dma_wait3A_22 = arith.constant 0 : i32
    %dma_wait3A_23 = tpu.memref_slice %arg38[%dma_wait3A_21, %dma_wait3A_22] : memref<10240x64xf32, #tpu.memory_space<vmem_shared>> -> memref<10240x64xf32, #tpu.memory_space<vmem_shared>>
    tpu.wait_indirect_dma semaphore(%arg52 : memref<!tpu.dma_semaphore, #tpu.memory_space<semaphore_mem>>) src(%arg33 : memref<80x64xf32, #tpu.memory_space<vmem>>) dst(%dma_wait3A_23 : memref<10240x64xf32, #tpu.memory_space<vmem_shared>>)
    %dma_wait3A_24 = arith.constant 0 : i32
    %dma_wait3A_25 = arith.constant 0 : i32
    %dma_wait3A_26 = tpu.memref_slice %arg38[%dma_wait3A_24, %dma_wait3A_25] : memref<10240x64xf32, #tpu.memory_space<vmem_shared>> -> memref<10240x64xf32, #tpu.memory_space<vmem_shared>>
    tpu.wait_indirect_dma semaphore(%arg52 : memref<!tpu.dma_semaphore, #tpu.memory_space<semaphore_mem>>) src(%arg34 : memref<80x64xf32, #tpu.memory_space<vmem>>) dst(%dma_wait3A_26 : memref<10240x64xf32, #tpu.memory_space<vmem_shared>>)
    %dma_wait3A_27 = arith.constant 0 : i32
    %dma_wait3A_28 = arith.constant 0 : i32
    %dma_wait3A_29 = tpu.memref_slice %arg38[%dma_wait3A_27, %dma_wait3A_28] : memref<10240x64xf32, #tpu.memory_space<vmem_shared>> -> memref<10240x64xf32, #tpu.memory_space<vmem_shared>>
    tpu.wait_indirect_dma semaphore(%arg52 : memref<!tpu.dma_semaphore, #tpu.memory_space<semaphore_mem>>) src(%arg35 : memref<80x64xf32, #tpu.memory_space<vmem>>) dst(%dma_wait3A_29 : memref<10240x64xf32, #tpu.memory_space<vmem_shared>>)
    %dma_wait3A_30 = arith.constant 0 : i32
    %dma_wait3A_31 = arith.constant 0 : i32
    %dma_wait3A_32 = tpu.memref_slice %arg38[%dma_wait3A_30, %dma_wait3A_31] : memref<10240x64xf32, #tpu.memory_space<vmem_shared>> -> memref<10240x64xf32, #tpu.memory_space<vmem_shared>>
    tpu.wait_indirect_dma semaphore(%arg52 : memref<!tpu.dma_semaphore, #tpu.memory_space<semaphore_mem>>) src(%arg36 : memref<80x64xf32, #tpu.memory_space<vmem>>) dst(%dma_wait3A_32 : memref<10240x64xf32, #tpu.memory_space<vmem_shared>>)
    %dma_wait3A_33 = arith.constant 0 : i32
    %dma_wait3A_34 = arith.constant 0 : i32
    %dma_wait3A_35 = tpu.memref_slice %arg38[%dma_wait3A_33, %dma_wait3A_34] : memref<10240x64xf32, #tpu.memory_space<vmem_shared>> -> memref<10240x64xf32, #tpu.memory_space<vmem_shared>>
    tpu.wait_indirect_dma semaphore(%arg52 : memref<!tpu.dma_semaphore, #tpu.memory_space<semaphore_mem>>) src(%arg37 : memref<80x64xf32, #tpu.memory_space<vmem>>) dst(%dma_wait3A_35 : memref<10240x64xf32, #tpu.memory_space<vmem_shared>>)
    %barrier3A_36 = arith.constant 0 : index
    tpu.barrier barrier_id(%barrier3A_36)
    %mul3A_37 = arith.constant 640 : i32
    %mul3A_38 = arith.muli %arg1, %mul3A_37 : i32
    %mul3A_39 = arith.constant 640 : i32
    %mul3A_40 = arith.muli %arg1, %mul3A_39 : i32
    "tpu.region"() ({
      %run_scoped3A = tpu.sem_alloc : memref<!tpu.dma_semaphore, #tpu.memory_space<semaphore_mem>>
      %dma_start3A = arith.constant 0 : i32
      %dma_start3A_41 = tpu.memref_slice %arg7[%arg0, %mul3A_40, %dma_start3A] : memref<2x10240x64xf32, #tpu.memory_space<hbm>> -> memref<1x640x64xf32, #tpu.memory_space<hbm>>
      %dma_start3A_42 = tpu.memref_squeeze %dma_start3A_41 : memref<1x640x64xf32, #tpu.memory_space<hbm>> -> memref<640x64xf32, #tpu.memory_space<hbm>>
      %dma_start3A_43 = arith.constant 0 : i32
      %dma_start3A_44 = tpu.memref_slice %arg38[%mul3A_38, %dma_start3A_43] : memref<10240x64xf32, #tpu.memory_space<vmem_shared>> -> memref<640x64xf32, #tpu.memory_space<vmem_shared>>
      tpu.enqueue_dma source(%dma_start3A_44 : memref<640x64xf32, #tpu.memory_space<vmem_shared>>) target(%dma_start3A_42 : memref<640x64xf32, #tpu.memory_space<hbm>>) target_semaphore(%run_scoped3A : memref<!tpu.dma_semaphore, #tpu.memory_space<semaphore_mem>>)
      %dma_wait3A_45 = arith.constant 0 : i32
      %dma_wait3A_46 = tpu.memref_slice %arg7[%arg0, %mul3A_40, %dma_wait3A_45] : memref<2x10240x64xf32, #tpu.memory_space<hbm>> -> memref<1x640x64xf32, #tpu.memory_space<hbm>>
      %dma_wait3A_47 = tpu.memref_squeeze %dma_wait3A_46 : memref<1x640x64xf32, #tpu.memory_space<hbm>> -> memref<640x64xf32, #tpu.memory_space<hbm>>
      %dma_wait3A_48 = arith.constant 0 : i32
      %dma_wait3A_49 = tpu.memref_slice %arg38[%mul3A_38, %dma_wait3A_48] : memref<10240x64xf32, #tpu.memory_space<vmem_shared>> -> memref<640x64xf32, #tpu.memory_space<vmem_shared>>
      tpu.wait_dma2 semaphore(%run_scoped3A : memref<!tpu.dma_semaphore, #tpu.memory_space<semaphore_mem>>) src(%dma_wait3A_49 : memref<640x64xf32, #tpu.memory_space<vmem_shared>>) dst(%dma_wait3A_47 : memref<640x64xf32, #tpu.memory_space<hbm>>)
      tpu.yield
    }) : () -> ()
    return
  }
}

module attributes {stable_mosaic.version = 14 : i64} {
  func.func @_mm_body(%arg0: i32, %arg1: memref<2048x128xf32, #tpu.memory_space<vmem>>, %arg2: memref<128x128xf32, #tpu.memory_space<vmem>>, %arg3: memref<2048x64xf32, #tpu.memory_space<vmem>>, %arg4: memref<2048x64xf32, #tpu.memory_space<vmem>>) attributes {dimension_semantics = [#tpu.dimension_semantics<arbitrary>], iteration_bounds = array<i64: 5>, scalar_prefetch = 0 : i64, scratch_operands = 0 : i64, tpu.core_type = #tpu.core_type<tc>, window_params = [{transform_indices = @transform_0, window_bounds = array<i64: 2048, 128>}, {pipeline_mode = #tpu.pipeline_mode<synchronous>, transform_indices = @transform_1, window_bounds = array<i64: 128, 128>}, {transform_indices = @transform_2, window_bounds = array<i64: 2048, 64>}, {transform_indices = @transform_3, window_bounds = array<i64: 2048, 64>}]} {
    %get3A = arith.constant 0 : index
    %get3A_0 = arith.constant 0 : index
    %get3A_1 = vector.load %arg1[%get3A, %get3A_0] : memref<2048x128xf32, #tpu.memory_space<vmem>>, vector<2048x128xf32>
    %get3A_2 = arith.constant 0 : index
    %get3A_3 = arith.constant 0 : index
    %get3A_4 = vector.load %arg2[%get3A_2, %get3A_3] : memref<128x128xf32, #tpu.memory_space<vmem>>, vector<128x128xf32>
    %dot_general3A = arith.constant dense<0.000000e+00> : vector<2048x128xf32>
    %dot_general3A_5 = tpu.matmul %get3A_1, %get3A_4, %dot_general3A {dimension_numbers = #tpu.dot_dimension_numbers<[1], [0], [0], [1], [0, 0, 1, 1], [], []>, transpose_lhs_hint = false} : vector<2048x128xf32>, vector<128x128xf32>, vector<2048x128xf32> -> vector<2048x128xf32>
    %slice3A = vector.extract_strided_slice %dot_general3A_5 {offsets = [0, 0], sizes = [2048, 64], strides = [1, 1]} : vector<2048x128xf32> to vector<2048x64xf32>
    %swap3A = arith.constant 0 : index
    %swap3A_6 = arith.constant 0 : index
    %swap3A_7 = vector.load %arg3[%swap3A, %swap3A_6] : memref<2048x64xf32, #tpu.memory_space<vmem>>, vector<2048x64xf32>
    tpu.vector_store %arg3[%swap3A, %swap3A_6], %slice3A {strides = array<i32>} : memref<2048x64xf32, #tpu.memory_space<vmem>>, vector<2048x64xf32>,
    %slice3A_8 = vector.extract_strided_slice %dot_general3A_5 {offsets = [0, 64], sizes = [2048, 64], strides = [1, 1]} : vector<2048x128xf32> to vector<2048x64xf32>
    %swap3A_9 = arith.constant 0 : index
    %swap3A_10 = arith.constant 0 : index
    %swap3A_11 = vector.load %arg4[%swap3A_9, %swap3A_10] : memref<2048x64xf32, #tpu.memory_space<vmem>>, vector<2048x64xf32>
    tpu.vector_store %arg4[%swap3A_9, %swap3A_10], %slice3A_8 {strides = array<i32>} : memref<2048x64xf32, #tpu.memory_space<vmem>>, vector<2048x64xf32>,
    return
  }
  func.func @transform_0(%arg0: i32) -> (i32, i32) {
    %c0_i32 = arith.constant 0 : i32
    %c0_i32_0 = arith.constant 0 : i32
    return %arg0, %c0_i32 : i32, i32
  }
  func.func @transform_1(%arg0: i32) -> (i32, i32) {
    %c0_i32 = arith.constant 0 : i32
    %c0_i32_0 = arith.constant 0 : i32
    %c0_i32_1 = arith.constant 0 : i32
    return %c0_i32, %c0_i32_0 : i32, i32
  }
  func.func @transform_2(%arg0: i32) -> (i32, i32) {
    %c0_i32 = arith.constant 0 : i32
    %c0_i32_0 = arith.constant 0 : i32
    return %arg0, %c0_i32 : i32, i32
  }
  func.func @transform_3(%arg0: i32) -> (i32, i32) {
    %c0_i32 = arith.constant 0 : i32
    %c0_i32_0 = arith.constant 0 : i32
    return %arg0, %c0_i32 : i32, i32
  }
}

module attributes {stable_mosaic.version = 14 : i64} {
  func.func @_comb_mm_body(%arg0: i32, %arg1: memref<2x2048x64xf32, #tpu.memory_space<vmem>>, %arg2: memref<2048x64xf32, #tpu.memory_space<vmem>>, %arg3: memref<2048x64xf32, #tpu.memory_space<vmem>>, %arg4: memref<16x1x2048xf32, #tpu.memory_space<vmem>>, %arg5: memref<1x128xf32, #tpu.memory_space<vmem>>, %arg6: memref<128x128xf32, #tpu.memory_space<vmem>>, %arg7: memref<2048x64xf32, #tpu.memory_space<vmem>>, %arg8: memref<2048x64xf32, #tpu.memory_space<vmem>>) attributes {dimension_semantics = [#tpu.dimension_semantics<arbitrary>], iteration_bounds = array<i64: 5>, scalar_prefetch = 0 : i64, scratch_operands = 0 : i64, tpu.core_type = #tpu.core_type<tc>, window_params = [{transform_indices = @transform_0, window_bounds = array<i64: 2, 2048, 64>}, {transform_indices = @transform_1, window_bounds = array<i64: 2048, 64>}, {transform_indices = @transform_2, window_bounds = array<i64: 2048, 64>}, {transform_indices = @transform_3, window_bounds = array<i64: 16, 1, 2048>}, {pipeline_mode = #tpu.pipeline_mode<synchronous>, transform_indices = @transform_4, window_bounds = array<i64: 1, 128>}, {pipeline_mode = #tpu.pipeline_mode<synchronous>, transform_indices = @transform_5, window_bounds = array<i64: 128, 128>}, {transform_indices = @transform_6, window_bounds = array<i64: 2048, 64>}, {transform_indices = @transform_7, window_bounds = array<i64: 2048, 64>}]} {
    %get3A = arith.constant 0 : index
    %get3A_0 = arith.constant 0 : index
    %get3A_1 = arith.constant 0 : index
    %get3A_2 = vector.load %arg4[%get3A, %get3A_0, %get3A_1] : memref<16x1x2048xf32, #tpu.memory_space<vmem>>, vector<16x1x2048xf32>
    %get3A_3 = vector.shape_cast %get3A_2 : vector<16x1x2048xf32> to vector<16x2048xf32>
    %broadcast_in_dim3A = arith.constant 1.000000e+00 : f32
    %broadcast_in_dim3A_4 = vector.broadcast %broadcast_in_dim3A : f32 to vector<16x1xf32>
    %dot_general3A = arith.constant dense<0.000000e+00> : vector<2048x1xf32>
    %dot_general3A_5 = tpu.matmul %get3A_3, %broadcast_in_dim3A_4, %dot_general3A {dimension_numbers = #tpu.dot_dimension_numbers<[0], [0], [1], [1], [0, 1, 1, 1], [], []>, transpose_lhs_hint = false} : vector<16x2048xf32>, vector<16x1xf32>, vector<2048x1xf32> -> vector<2048x1xf32>
    %add3A = arith.constant 1.000000e+00 : f32
    %add3A_6 = vector.broadcast %add3A : f32 to vector<2048x1xf32>
    %add3A_7 = arith.addf %dot_general3A_5, %add3A_6 : vector<2048x1xf32>
    %div3A = arith.constant 1.000000e+00 : f32
    %div3A_8 = vector.broadcast %div3A : f32 to vector<2048x1xf32>
    %div3A_9 = arith.divf %div3A_8, %add3A_7 : vector<2048x1xf32>
    %get3A_10 = arith.constant 0 : index
    %get3A_11 = arith.constant 0 : index
    %get3A_12 = arith.constant 0 : index
    %get3A_13 = vector.load %arg1[%get3A_10, %get3A_11, %get3A_12] : memref<2x2048x64xf32, #tpu.memory_space<vmem>>, vector<1x2048x64xf32>
    %get3A_14 = vector.shape_cast %get3A_13 : vector<1x2048x64xf32> to vector<2048x64xf32>
    %get3A_15 = arith.constant 0 : index
    %get3A_16 = arith.constant 0 : index
    %get3A_17 = vector.load %arg2[%get3A_15, %get3A_16] : memref<2048x64xf32, #tpu.memory_space<vmem>>, vector<2048x64xf32>
    %add3A_18 = arith.addf %get3A_14, %get3A_17 : vector<2048x64xf32>
    %mul3A = vector.broadcast %div3A_9 : vector<2048x1xf32> to vector<2048x64xf32>
    %mul3A_19 = arith.mulf %add3A_18, %mul3A : vector<2048x64xf32>
    %get3A_20 = arith.constant 0 : index
    %get3A_21 = arith.constant 0 : index
    %get3A_22 = vector.load %arg5[%get3A_20, %get3A_21] : memref<1x128xf32, #tpu.memory_space<vmem>>, vector<1x64xf32>
    %add3A_23 = vector.broadcast %get3A_22 : vector<1x64xf32> to vector<2048x64xf32>
    %add3A_24 = arith.addf %mul3A_19, %add3A_23 : vector<2048x64xf32>
    %get3A_25 = arith.constant 1 : index
    %get3A_26 = arith.constant 0 : index
    %get3A_27 = arith.constant 0 : index
    %get3A_28 = vector.load %arg1[%get3A_25, %get3A_26, %get3A_27] : memref<2x2048x64xf32, #tpu.memory_space<vmem>>, vector<1x2048x64xf32>
    %get3A_29 = vector.shape_cast %get3A_28 : vector<1x2048x64xf32> to vector<2048x64xf32>
    %get3A_30 = arith.constant 0 : index
    %get3A_31 = arith.constant 0 : index
    %get3A_32 = vector.load %arg3[%get3A_30, %get3A_31] : memref<2048x64xf32, #tpu.memory_space<vmem>>, vector<2048x64xf32>
    %add3A_33 = arith.addf %get3A_29, %get3A_32 : vector<2048x64xf32>
    %mul3A_34 = vector.broadcast %div3A_9 : vector<2048x1xf32> to vector<2048x64xf32>
    %mul3A_35 = arith.mulf %add3A_33, %mul3A_34 : vector<2048x64xf32>
    %get3A_36 = arith.constant 0 : index
    %get3A_37 = arith.constant 64 : index
    %get3A_38 = vector.load %arg5[%get3A_36, %get3A_37] : memref<1x128xf32, #tpu.memory_space<vmem>>, vector<1x64xf32>
    %add3A_39 = vector.broadcast %get3A_38 : vector<1x64xf32> to vector<2048x64xf32>
    %add3A_40 = arith.addf %mul3A_35, %add3A_39 : vector<2048x64xf32>
    %concatenate3A = tpu.concatenate %add3A_24, %add3A_40 in 1 : vector<2048x64xf32>, vector<2048x64xf32> -> vector<2048x128xf32>
    %max3A = arith.constant 0.000000e+00 : f32
    %max3A_41 = vector.broadcast %max3A : f32 to vector<2048x128xf32>
    %max3A_42 = arith.maximumf %concatenate3A, %max3A_41 : vector<2048x128xf32>
    %get3A_43 = arith.constant 0 : index
    %get3A_44 = arith.constant 0 : index
    %get3A_45 = vector.load %arg6[%get3A_43, %get3A_44] : memref<128x128xf32, #tpu.memory_space<vmem>>, vector<128x128xf32>
    %dot_general3A_46 = arith.constant dense<0.000000e+00> : vector<2048x128xf32>
    %dot_general3A_47 = tpu.matmul %max3A_42, %get3A_45, %dot_general3A_46 {dimension_numbers = #tpu.dot_dimension_numbers<[1], [0], [0], [1], [0, 0, 1, 1], [], []>, transpose_lhs_hint = false} : vector<2048x128xf32>, vector<128x128xf32>, vector<2048x128xf32> -> vector<2048x128xf32>
    %slice3A = vector.extract_strided_slice %dot_general3A_47 {offsets = [0, 0], sizes = [2048, 64], strides = [1, 1]} : vector<2048x128xf32> to vector<2048x64xf32>
    %swap3A = arith.constant 0 : index
    %swap3A_48 = arith.constant 0 : index
    %swap3A_49 = vector.load %arg7[%swap3A, %swap3A_48] : memref<2048x64xf32, #tpu.memory_space<vmem>>, vector<2048x64xf32>
    tpu.vector_store %arg7[%swap3A, %swap3A_48], %slice3A {strides = array<i32>} : memref<2048x64xf32, #tpu.memory_space<vmem>>, vector<2048x64xf32>,
    %slice3A_50 = vector.extract_strided_slice %dot_general3A_47 {offsets = [0, 64], sizes = [2048, 64], strides = [1, 1]} : vector<2048x128xf32> to vector<2048x64xf32>
    %swap3A_51 = arith.constant 0 : index
    %swap3A_52 = arith.constant 0 : index
    %swap3A_53 = vector.load %arg8[%swap3A_51, %swap3A_52] : memref<2048x64xf32, #tpu.memory_space<vmem>>, vector<2048x64xf32>
    tpu.vector_store %arg8[%swap3A_51, %swap3A_52], %slice3A_50 {strides = array<i32>} : memref<2048x64xf32, #tpu.memory_space<vmem>>, vector<2048x64xf32>,
    return
  }
  func.func @transform_0(%arg0: i32) -> (i32, i32, i32) {
    %c0_i32 = arith.constant 0 : i32
    %c0_i32_0 = arith.constant 0 : i32
    %c0_i32_1 = arith.constant 0 : i32
    return %c0_i32, %arg0, %c0_i32_0 : i32, i32, i32
  }
  func.func @transform_1(%arg0: i32) -> (i32, i32) {
    %c0_i32 = arith.constant 0 : i32
    %c0_i32_0 = arith.constant 0 : i32
    return %arg0, %c0_i32 : i32, i32
  }
  func.func @transform_2(%arg0: i32) -> (i32, i32) {
    %c0_i32 = arith.constant 0 : i32
    %c0_i32_0 = arith.constant 0 : i32
    return %arg0, %c0_i32 : i32, i32
  }
  func.func @transform_3(%arg0: i32) -> (i32, i32, i32) {
    %c0_i32 = arith.constant 0 : i32
    %c0_i32_0 = arith.constant 0 : i32
    %c0_i32_1 = arith.constant 0 : i32
    return %c0_i32, %c0_i32_0, %arg0 : i32, i32, i32
  }
  func.func @transform_4(%arg0: i32) -> (i32, i32) {
    %c0_i32 = arith.constant 0 : i32
    %c0_i32_0 = arith.constant 0 : i32
    %c0_i32_1 = arith.constant 0 : i32
    return %c0_i32, %c0_i32_0 : i32, i32
  }
  func.func @transform_5(%arg0: i32) -> (i32, i32) {
    %c0_i32 = arith.constant 0 : i32
    %c0_i32_0 = arith.constant 0 : i32
    %c0_i32_1 = arith.constant 0 : i32
    return %c0_i32, %c0_i32_0 : i32, i32
  }
  func.func @transform_6(%arg0: i32) -> (i32, i32) {
    %c0_i32 = arith.constant 0 : i32
    %c0_i32_0 = arith.constant 0 : i32
    return %arg0, %c0_i32 : i32, i32
  }
  func.func @transform_7(%arg0: i32) -> (i32, i32) {
    %c0_i32 = arith.constant 0 : i32
    %c0_i32_0 = arith.constant 0 : i32
    return %arg0, %c0_i32 : i32, i32
  }
}

module attributes {stable_mosaic.version = 14 : i64} {
  func.func @_final_body(%arg0: i32, %arg1: memref<2x2048x64xf32, #tpu.memory_space<vmem>>, %arg2: memref<2048x64xf32, #tpu.memory_space<vmem>>, %arg3: memref<2048x64xf32, #tpu.memory_space<vmem>>, %arg4: memref<16x1x2048xf32, #tpu.memory_space<vmem>>, %arg5: memref<1x128xf32, #tpu.memory_space<vmem>>, %arg6: memref<2048x128xf32, #tpu.memory_space<vmem>>) attributes {dimension_semantics = [#tpu.dimension_semantics<arbitrary>], iteration_bounds = array<i64: 5>, scalar_prefetch = 0 : i64, scratch_operands = 0 : i64, tpu.core_type = #tpu.core_type<tc>, window_params = [{transform_indices = @transform_0, window_bounds = array<i64: 2, 2048, 64>}, {transform_indices = @transform_1, window_bounds = array<i64: 2048, 64>}, {transform_indices = @transform_2, window_bounds = array<i64: 2048, 64>}, {transform_indices = @transform_3, window_bounds = array<i64: 16, 1, 2048>}, {pipeline_mode = #tpu.pipeline_mode<synchronous>, transform_indices = @transform_4, window_bounds = array<i64: 1, 128>}, {transform_indices = @transform_5, window_bounds = array<i64: 2048, 128>}]} {
    %get3A = arith.constant 0 : index
    %get3A_0 = arith.constant 0 : index
    %get3A_1 = arith.constant 0 : index
    %get3A_2 = vector.load %arg4[%get3A, %get3A_0, %get3A_1] : memref<16x1x2048xf32, #tpu.memory_space<vmem>>, vector<16x1x2048xf32>
    %get3A_3 = vector.shape_cast %get3A_2 : vector<16x1x2048xf32> to vector<16x2048xf32>
    %broadcast_in_dim3A = arith.constant 1.000000e+00 : f32
    %broadcast_in_dim3A_4 = vector.broadcast %broadcast_in_dim3A : f32 to vector<16x1xf32>
    %dot_general3A = arith.constant dense<0.000000e+00> : vector<2048x1xf32>
    %dot_general3A_5 = tpu.matmul %get3A_3, %broadcast_in_dim3A_4, %dot_general3A {dimension_numbers = #tpu.dot_dimension_numbers<[0], [0], [1], [1], [0, 1, 1, 1], [], []>, transpose_lhs_hint = false} : vector<16x2048xf32>, vector<16x1xf32>, vector<2048x1xf32> -> vector<2048x1xf32>
    %add3A = arith.constant 1.000000e+00 : f32
    %add3A_6 = vector.broadcast %add3A : f32 to vector<2048x1xf32>
    %add3A_7 = arith.addf %dot_general3A_5, %add3A_6 : vector<2048x1xf32>
    %div3A = arith.constant 1.000000e+00 : f32
    %div3A_8 = vector.broadcast %div3A : f32 to vector<2048x1xf32>
    %div3A_9 = arith.divf %div3A_8, %add3A_7 : vector<2048x1xf32>
    %get3A_10 = arith.constant 0 : index
    %get3A_11 = arith.constant 0 : index
    %get3A_12 = arith.constant 0 : index
    %get3A_13 = vector.load %arg1[%get3A_10, %get3A_11, %get3A_12] : memref<2x2048x64xf32, #tpu.memory_space<vmem>>, vector<1x2048x64xf32>
    %get3A_14 = vector.shape_cast %get3A_13 : vector<1x2048x64xf32> to vector<2048x64xf32>
    %get3A_15 = arith.constant 0 : index
    %get3A_16 = arith.constant 0 : index
    %get3A_17 = vector.load %arg2[%get3A_15, %get3A_16] : memref<2048x64xf32, #tpu.memory_space<vmem>>, vector<2048x64xf32>
    %add3A_18 = arith.addf %get3A_14, %get3A_17 : vector<2048x64xf32>
    %mul3A = vector.broadcast %div3A_9 : vector<2048x1xf32> to vector<2048x64xf32>
    %mul3A_19 = arith.mulf %add3A_18, %mul3A : vector<2048x64xf32>
    %get3A_20 = arith.constant 0 : index
    %get3A_21 = arith.constant 0 : index
    %get3A_22 = vector.load %arg5[%get3A_20, %get3A_21] : memref<1x128xf32, #tpu.memory_space<vmem>>, vector<1x64xf32>
    %add3A_23 = vector.broadcast %get3A_22 : vector<1x64xf32> to vector<2048x64xf32>
    %add3A_24 = arith.addf %mul3A_19, %add3A_23 : vector<2048x64xf32>
    %get3A_25 = arith.constant 1 : index
    %get3A_26 = arith.constant 0 : index
    %get3A_27 = arith.constant 0 : index
    %get3A_28 = vector.load %arg1[%get3A_25, %get3A_26, %get3A_27] : memref<2x2048x64xf32, #tpu.memory_space<vmem>>, vector<1x2048x64xf32>
    %get3A_29 = vector.shape_cast %get3A_28 : vector<1x2048x64xf32> to vector<2048x64xf32>
    %get3A_30 = arith.constant 0 : index
    %get3A_31 = arith.constant 0 : index
    %get3A_32 = vector.load %arg3[%get3A_30, %get3A_31] : memref<2048x64xf32, #tpu.memory_space<vmem>>, vector<2048x64xf32>
    %add3A_33 = arith.addf %get3A_29, %get3A_32 : vector<2048x64xf32>
    %mul3A_34 = vector.broadcast %div3A_9 : vector<2048x1xf32> to vector<2048x64xf32>
    %mul3A_35 = arith.mulf %add3A_33, %mul3A_34 : vector<2048x64xf32>
    %get3A_36 = arith.constant 0 : index
    %get3A_37 = arith.constant 64 : index
    %get3A_38 = vector.load %arg5[%get3A_36, %get3A_37] : memref<1x128xf32, #tpu.memory_space<vmem>>, vector<1x64xf32>
    %add3A_39 = vector.broadcast %get3A_38 : vector<1x64xf32> to vector<2048x64xf32>
    %add3A_40 = arith.addf %mul3A_35, %add3A_39 : vector<2048x64xf32>
    %concatenate3A = tpu.concatenate %add3A_24, %add3A_40 in 1 : vector<2048x64xf32>, vector<2048x64xf32> -> vector<2048x128xf32>
    %swap3A = arith.constant 0 : index
    %swap3A_41 = arith.constant 0 : index
    %swap3A_42 = vector.load %arg6[%swap3A, %swap3A_41] : memref<2048x128xf32, #tpu.memory_space<vmem>>, vector<2048x128xf32>
    tpu.vector_store %arg6[%swap3A, %swap3A_41], %concatenate3A {strides = array<i32>} : memref<2048x128xf32, #tpu.memory_space<vmem>>, vector<2048x128xf32>,
    return
  }
  func.func @transform_0(%arg0: i32) -> (i32, i32, i32) {
    %c0_i32 = arith.constant 0 : i32
    %c0_i32_0 = arith.constant 0 : i32
    %c0_i32_1 = arith.constant 0 : i32
    return %c0_i32, %arg0, %c0_i32_0 : i32, i32, i32
  }
  func.func @transform_1(%arg0: i32) -> (i32, i32) {
    %c0_i32 = arith.constant 0 : i32
    %c0_i32_0 = arith.constant 0 : i32
    return %arg0, %c0_i32 : i32, i32
  }
  func.func @transform_2(%arg0: i32) -> (i32, i32) {
    %c0_i32 = arith.constant 0 : i32
    %c0_i32_0 = arith.constant 0 : i32
    return %arg0, %c0_i32 : i32, i32
  }
  func.func @transform_3(%arg0: i32) -> (i32, i32, i32) {
    %c0_i32 = arith.constant 0 : i32
    %c0_i32_0 = arith.constant 0 : i32
    %c0_i32_1 = arith.constant 0 : i32
    return %c0_i32, %c0_i32_0, %arg0 : i32, i32, i32
  }
  func.func @transform_4(%arg0: i32) -> (i32, i32) {
    %c0_i32 = arith.constant 0 : i32
    %c0_i32_0 = arith.constant 0 : i32
    %c0_i32_1 = arith.constant 0 : i32
    return %c0_i32, %c0_i32_0 : i32, i32
  }
  func.func @transform_5(%arg0: i32) -> (i32, i32) {
    %c0_i32 = arith.constant 0 : i32
    %c0_i32_0 = arith.constant 0 : i32
    return %arg0, %c0_i32 : i32, i32
  }
}

</mosaic_0001>

<sc_bundles>
// kernel: kernel.10.cloned.1.call-start
scs
__scs_entry_jumppad:
0x0: {  	(pc) =	sbr.rel $0x88, $3  }
0x1: {  	(tag) =	ssettag $0x0;
	lr =	simm.s32 $0x1  }
0x2: {  	[smem:$0x3F9B] =	sst lr;
	_ =	strace $0xD0000000  }
0x3: {  	_ = 	snop  }
0x4: {  	_ = 	snop  }
0x5: {  	_ = 	snop  }
0x6: {  	_ = 	snop  }
0x7: {  	_ = 	snop  }
__scs_overlays_trampoline_lowered:
0x8: {  	[smem:$0x3FAA] =	sst s0  }
0x9: {  	[smem:$0x3FAB] =	sst s1  }
0xa: {  	[smem:$0x3FAC] =	sst s2  }
0xb: {  	[smem:$0x3FAD] =	sst s3  }
0xc: {  	[smem:$0x3FAE] =	sst s4  }
0xd: {  	[smem:$0x3FAF] =	sst s5  }
0xe: {  	[smem:$0x3FB0] =	sst s6  }
0xf: {  	[smem:$0x3FB1] =	sst s7  }
0x10: {  	[smem:$0x3FB2] =	sst s8  }
0x11: {  	[smem:$0x3FB3] =	sst s9;
	s0 =	simm.s32 @!p0 $0x0  }
0x12: {  	s1 =	sld [smem:$0x3F99];
	s0 =	simm.s32 @p0 $0x1  }
0x13: {  	[smem:$0x3FB4] =	sst s0;
	s0 =	simm.s32 @!p1 $0x0  }
0x14: {  	s2 =	sld [smem:$0x3F98];
	s0 =	simm.s32 @p1 $0x1  }
0x15: {  	[smem:$0x3FB5] =	sst s0;
	s0 =	simm.s32 @!p2 $0x0  }
0x16: {  	s3 =	sld [smem:$0x3FDB];
	s0 =	simm.s32 @p2 $0x1  }
0x17: {  	s4 =	simm.s32 $0x1BF5;
	[smem:$0x3FB7] =	sst s0  }
0x18: {  	s0 =	sld [smem:$0x3F9A];
	_ =	swait.ge [sflag:s4], $0x0  }
0x19: {  	s7 =	sld [smem:$0x3F9B]  }
0x1a: {  	s8 =	sadd.s32 $0xFFFFE003, lr  }
0x1b: {  	s9 =	sadd.s32 $0xFFFFFEF7, lr;
	s5 =	simm.s32 $0xFFFFFFFF;
	p2 =	slt.u32 s8, $0xFFFFF086  }
0x1c: {  	p1 =	slt.u32 s9, $0xF7A;
	s5 =	simm.s32 @!p2 $0x0  }
0x1d: {  	s5 =	simm.s32 @p1 $0x1;
	p0 =	seq.s32 s7, s2  }
0x1e: {  	s7 =	smul.u32 @!p0 $0xF7A, s2;
	p2 =	seq.s32 @!p0 s5, $0x0  }
0x1f: {  	s9 =	smul.u32 $0xF7A, s1;
	s8 =	simm.s32 @!p0 $0x1BF5;
	p2 =	por !p2, p0  }
0x20: {  	[sflag:s8] =	ssyncset.s32 @!p0 $0xFFFFF086;
	s6 =	sadd.s32 @!p0 s3, s7;
	s7 =	simm.s32 @!p0 $0x108  }
0x21: {  	s3 =	sadd.s32 s3, s9;
	s6 =	sadd.s32 @!p0 $0x88, s6;
	s7 =	simm.s32 @p2 $0x1082  }
0x22: {  	[simem:s7], [sflag:s8] =	dma.local @!p0 [hbm:s6], $0xF7A  }
0x23: {  	s9 =	sor.u32 $0xD0000000, s2;
	s6 =	simm.s32 $0x108;
	_ =	swait.ge @!p0 [sflag:s8], $0x0  }
0x24: {  	s3 =	sadd.s32 $0x88, s3;
	s6 =	simm.s32 @!p1 $0x1082;
	[sflag:s4] =	ssyncset.s32 $0xFFFFF086  }
0x25: {  	[simem:s6], [sflag:s4] =	dma.local [hbm:s3], $0xF7A  }
0x26: {  	[smem:$0x3F9B] =	sst s1;
	(tag) =	ssettag s2;
	_ =	strace s9  }
0x27: {  	s1 =	sld [smem:$0x3FAB]  }
0x28: {  	s2 =	sld [smem:$0x3FAC]  }
0x29: {  	s4 =	sld [smem:$0x3FAE]  }
0x2a: {  	p0 =	seq.s32 s5, $0x0;
	s5 =	sld [smem:$0x3FAF]  }
0x2b: {  	s6 =	sld [smem:$0x3FB0]  }
0x2c: {  	s7 =	sld [smem:$0x3FB1]  }
0x2d: {  	s3 =	simm.s32 $0x108;
	s8 =	sld [smem:$0x3FB2]  }
0x2e: {  	s3 =	simm.s32 @!p0 $0x1082;
	s9 =	sld [smem:$0x3FB3]  }
0x2f: {  	lr =	sadd.s32 s0, s3;
	s0 =	sld [smem:$0x3FAA]  }
0x30: {  	s3 =	sld [smem:$0x3FAD]  }
0x31: {  	[smem:$0x3FB6] =	sst s10  }
0x32: {  	s10 =	sld [smem:$0x3FB4];
	_ =	sdelay $0x3  }
0x33: {  	p0 =	seq.s32 s10, $0x1;
	s10 =	sld [smem:$0x3FB6];
	_ =	sdelay $0x3  }
0x34: {  	[smem:$0x3FB6] =	sst s10  }
0x35: {  	s10 =	sld [smem:$0x3FB5];
	_ =	sdelay $0x3  }
0x36: {  	p1 =	seq.s32 s10, $0x1;
	s10 =	sld [smem:$0x3FB6];
	_ =	sdelay $0x3  }
0x37: {  	[smem:$0x3FB6] =	sst s10  }
0x38: {  	s10 =	sld [smem:$0x3FB7]  }
0x39: {  	_ = 	snop;
	(pc) =	sbr.ind lr, $3  }
0x3a: {  	_ = 	snop  }
0x3b: {  	_ = 	snop  }
0x3c: {  	p2 =	seq.s32 s10, $0x1;
	s10 =	sld [smem:$0x3FB6]  }
0x3d: {  	_ =	shalt  }
0x3e: {  	_ =	shalt  }
0x3f: {  	_ =	shalt  }
0x40: {  	_ =	shalt  }
0x41: {  	_ =	shalt  }
0x42: {  	_ =	shalt  }
0x43: {  	_ =	shalt  }
0x44: {  	_ =	shalt  }
0x45: {  	_ =	shalt  }
0x46: {  	_ =	shalt  }
0x47: {  	_ =	shalt  }
0x48: {  	_ =	shalt  }
0x49: {  	_ =	shalt  }
0x4a: {  	_ =	shalt  }
0x4b: {  	_ =	shalt  }
0x4c: {  	_ =	shalt  }
0x4d: {  	_ =	shalt  }
0x4e: {  	_ =	shalt  }
0x4f: {  	_ =	shalt  }
0x50: {  	_ =	shalt  }
0x51: {  	_ =	shalt  }
0x52: {  	_ =	shalt  }
0x53: {  	_ =	shalt  }
0x54: {  	_ =	shalt  }
0x55: {  	_ =	shalt  }
0x56: {  	_ =	shalt  }
0x57: {  	_ =	shalt  }
0x58: {  	_ =	shalt  }
0x59: {  	_ =	shalt  }
0x5a: {  	_ =	shalt  }
0x5b: {  	_ =	shalt  }
0x5c: {  	_ =	shalt  }
0x5d: {  	_ =	shalt  }
0x5e: {  	_ =	shalt  }
0x5f: {  	_ =	shalt  }
0x60: {  	_ =	shalt  }
0x61: {  	_ =	shalt  }
0x62: {  	_ =	shalt  }
0x63: {  	_ =	shalt  }
0x64: {  	_ =	shalt  }
0x65: {  	_ =	shalt  }
0x66: {  	_ =	shalt  }
0x67: {  	_ =	shalt  }
0x68: {  	_ =	shalt  }
0x69: {  	_ =	shalt  }
0x6a: {  	_ =	shalt  }
0x6b: {  	_ =	shalt  }
0x6c: {  	_ =	shalt  }
0x6d: {  	_ =	shalt  }
0x6e: {  	_ =	shalt  }
0x6f: {  	_ =	shalt  }
0x70: {  	_ =	shalt  }
0x71: {  	_ =	shalt  }
0x72: {  	_ =	shalt  }
0x73: {  	_ =	shalt  }
0x74: {  	_ =	shalt  }
0x75: {  	_ =	shalt  }
0x76: {  	_ =	shalt  }
0x77: {  	_ =	shalt  }
0x78: {  	_ =	shalt  }
0x79: {  	_ =	shalt  }
0x7a: {  	_ =	shalt  }
0x7b: {  	_ =	shalt  }
0x7c: {  	_ =	shalt  }
0x7d: {  	_ =	shalt  }
0x7e: {  	_ =	shalt  }
0x7f: {  	_ =	shalt  }
0x80: {  	_ =	shalt  }
0x81: {  	_ =	shalt  }
0x82: {  	_ =	shalt  }
0x83: {  	_ =	shalt  }
0x84: {  	_ =	shalt  }
0x85: {  	_ =	shalt  }
0x86: {  	_ =	shalt  }
0x87: {  	_ =	shalt  }
.Lfunc_end0:
.L_simem_size_0:
called_computation.1_lowered:
.L_overlay_start_0:
0x88: {  	s2 =	sld [smem:$0x3FD9]  }
0x89: {  	s3 =	sld [smem:$0x3FFE];
	_ =	sdelay $0x1  }
0x8a: {  	s1 =	srdreg.scid  }
0x8b: {  	s0 =	sand.u32 $0x1, s1  }
0x8c: {  	s17 =	sshll.u32 s0, $0xA;
	s2 =	sadd.s32 s3, s2  }
0x8d: {  	s2 =	sadd.s32 s2, s17  }
0x8e: {  	[smem:$0x3FC2] =	sst s2  }
0x8f: {  	_ = 	snop  }
0x90: {  	s2 =	sld [smem:$0x3FD0];
	(tm) =	ssettm $0x1  }
0x91: {  	s18 =	sld [smem:$0x3FFB];
	_ =	sdelay $0x3  }
0x92: {  	_ =	strace s18  }
0x93: {  	s3 =	sld [smem:$0x3FFC];
	_ =	sdelay $0x3  }
0x94: {  	_ =	strace s3  }
0x95: {  	s3 =	sld [smem:$0x3FFD];
	_ =	sdelay $0x3  }
0x96: {  	_ =	strace s3  }
0x97: {  	_ =	strace $0x8FFFFFFF  }
0x98: {  	s19 =	sld [smem:$0x3FDB];
	_ =	sdelay $0x1  }
0x99: {  	s4 =	simm.s32 $_scs_section_size  }
0x9a: {  	s5 =	simm.s32 $_size__tile_overlayer_lowered;
	s6 =	simm.s32 $_tile_overlayer_lowered  }
0x9b: {  	s22 =	simm.s32 $0x1BFF;
	s21 =	sshll.u32 s6, $0x1;
	s3 =	sadd.s32 s4, s19  }
0x9c: {  	s7 =	simm.s32 $0x0;
	s20 =	sshll.u32 s5, $0x1;
	s5 =	sadd.s32 s21, s3  }
0x9d: {  	[timem:s7], [sflag:s22] =	dma.local [hbm:s5], s20  }
0x9e: {  	_ =	swait.ge [sflag:s22], s20  }
0x9f: {  	s4 =	ssub.s32 $0x0, s20;
	[sflag:s22] =	ssyncset.done $0x0  }
0xa0: {  	[sflag:s22] =	ssyncadd.s32 s4;
	_ =	sdelay $0x1  }
0xa1: {  	s23 =	simm.s32 $0x1B8B  }
0xa2: {  	_ =	swait.ge [sflag:s23], $0x1  }
0xa3: {  	[sflag:s23] =	ssyncset.done $0x0  }
0xa4: {  	s25 =	simm.s32 $0x1B8E;
	s24 =	sld [smem:$0x3FFE];
	[sflag:s23] =	ssyncadd.s32 $0xFFFFFFFF  }
0xa5: {  	s26 =	simm.s32 $execute0_lowered;
	[smem:$0x3FD2] =	sst s25  }
0xa6: {  	s5 =	sshll.u32 s26, $0x1;
	_ =	strace $0x80000049;
	[dreg:$0x1] =	wrdreg $0xFFFFFFFF  }
0xa7: {  	s28 =	simm.s32 $_size_execute0_lowered;
	s3 =	sadd.s32 s3, s5;
	[dreg:$0x0] =	wrdreg $0x0  }
0xa8: {  	s5 =	sshll.u32 s28, $0x1;
	[dreg:$0x2] =	wrdreg s3  }
0xa9: {  	[dreg:$0x3] =	wrdreg s5  }
0xaa: {  	[dreg:$0x4] =	wrdreg $0xC0  }
0xab: {  	_ =	task [dreg:s7], $0x5FFFF  }
0xac: {  	[dreg:$0x1] =	wrdreg $0xFFFFFFFF  }
0xad: {  	[dreg:$0x0] =	wrdreg $0x60  }
0xae: {  	[dreg:$0x2] =	wrdreg s2  }
0xaf: {  	[dreg:$0x3] =	wrdreg s24  }
0xb0: {  	[dreg:$0x4] =	wrdreg $0xCE400  }
0xb1: {  	[dreg:$0x5] =	wrdreg $0x9  }
0xb2: {  	_ =	task.clear_ibuf [dreg:s7], $0x6FFFF;
	_ =	strace $0x90000049  }
0xb3: {  	s29 =	simm.s32 $0x9;
	_ =	strace $0x8000004B  }
0xb4: {  	_ =	swait.ge [sflag:s29], $0x1  }
0xb5: {  	[sflag:s29] =	ssyncadd.s32 $0xFFFFFFFF  }
0xb6: {  	_ =	strace $0x9000004B  }
0xb7: {  	_ =	sfence  }
0xb8: {  	s30 =	sld [smem:$0x0];
	_ =	sdelay $0x2  }
0xb9: {  	s31 =	sshll.u32 s1, $0xD;
	s1 =	sshrl.u32 s1, $0x2  }
0xba: {  	s3 =	sand.u32 $0x4000, s31;
	s1 =	sadd.s32 s1, s30  }
0xbb: {  	s0 =	sor.u32 s3, s0;
	s1 =	sshll.u32 s1, $0x11  }
0xbc: {  	s0 =	sor.u32 s1, s0  }
0xbd: {  	s0 =	sadd.s32 $0x8F2B, s0  }
0xbe: {  	[sflag:s0] =	ssyncadd.remote.s32 $0x1  }
0xbf: {  	_ =	sfence.sel $0xFFFF  }
0xc0: {  	[dreg:$0x0] =	wrdreg $0xFFFFFFFF;
	(pc) =	sbr.abs _section_cstart, $3  }
0xc1: {  	[dreg:$0x1] =	wrdreg $0xFFFFFFFF  }
0xc2: {  	_ =	task.clear_ibuf [dreg:s7], $0x2FFFF;
	_ =	strace $0x9FFFFFFF  }
0xc3: {  	(tm) =	ssettm $0x7FFFFFFF  }
tec
execute0_lowered:
.L_overlay_start_1:
0x0: {  	(tag) =	ssettag $0x1  }
0x1: {  	s0 =	rddreg [dreg:$0x0]  }
0x2: {  	s1 =	rddreg [dreg:$0x1]  }
0x3: {  	s2 =	rddreg [dreg:$0x2]  }
0x4: {  	s10 =	stileid.u32;
	s4 =	srdreg.scid;
	s3 =	simm.s32 $0x0  }
0x5: {  	s12 =	simm.s32 $0x50;
	s20 =	simm.s32 $0x1;
	s29 =	simm.s32 $0x5  }
0x6: {  	s30 =	simm.s32 $0x6;
	s31 =	simm.s32 $0x7;
	s18 =	simm.s32 $0x5F0  }
0x7: {  	s14 =	simm.s32 $0x2;
	s21 =	simm.s32 $0x8;
	s5 =	smul.u32 $0x9C4, s10  }
0x8: {  	s6 =	sand.u32 $0x1, s4;
	s7 =	smul.u32 $0xA000, s10;
	[smem:$0x7FF] =	sst s3  }
0x9: {  	s4 =	sadd.s32 $0x15000, s1;
	s9 =	sadd.s32 $0x28A00, s1;
	s10 =	sshll.u32 s10, $0x6  }
0xa: {  	s8 =	smul.u32 $0xA0000, s6;
	_ =	strace $0x8000004A;
	[dreg:$0x6] =	wrdreg s9  }
0xb: {  	s22 =	ssub.s32 $0x2, s6;
	s24 =	sor.u32 $0x1C0F, s10;
	p0 =	seq.s32 s6, $0x0  }
0xc: {  	s6 =	simm.s32 $0xF;
	s5 =	sadd.s32 s5, s1;
	s23 =	sshrl.u32 s22, $0x1  }
0xd: {  	s4 =	smov.u32 @p0 s0;
	s8 =	sadd.s32 s7, s8;
	s25 =	sadd.s32 $0x1400, s5  }
0xe: {  	s7 =	sadd.s32 s7, s2;
	s28 =	sadd.s32 $0xB200, s5;
	[dreg:$0x4] =	wrdreg s25  }
0xf: {  	s8 =	sshrl.u32 s8, $0x3;
	[dreg:$0x5] =	wrdreg s28;
	s5 =	sshrl.u32 s7, $0x3  }
0x10: {  	s25 =	simm.s32 $0xC;
	s7 =	simm.s32 $0x0;
	s1 =	sadd.s32 s8, s1  }
0x11: {  	s8 =	ssub.s32 s22, s23;
	[dreg:$0xa] =	wrdreg s5;
	s1 =	sadd.s32 $0x29E00, s1  }
0x12: {  	s22 =	simm.s32 $0x9;
	s26 =	smax.u32 s8, $0x1;
	[dreg:$0x8] =	wrdreg s1  }
0x13: {  	s23 =	simm.s32 $0xA;
	[dreg:$0x9] =	wrdreg s26;
	s1 =	smov.u32 s24  }
0x14: {  	s26 =	simm.s32 $0xBA40;
	s24 =	simm.s32 $0xB;
	[dreg:$0x7] =	wrdreg s1  }
.LBB2_1:
0x15: {  	[dreg:$0xb] =	wrdreg s7  }
0x16: {  	s0 =	rddreg [dreg:$0x6]  }
0x17: {  	[spmem:s5], [sflag:s1] =	dma.local [hbm:s0], $0x1400  }
0x18: {  	_ =	swait.ge [sflag:s6], $0x1400  }
0x19: {  	[sflag:s6] =	ssyncset.done $0x0  }
0x1a: {  	p0 =	por $0x1, $0x1;
	[sflag:s6] =	ssyncadd.s32 $0xFFFFEC00  }
0x1b: {  	s0 =	simm.s32 @!p0 $0xD;
	[bflag:$0x0] =	sbarrier.arrive $0xFFFF  }
0x1c: {  	_ =	swait.ge @!p0 [sflag:s0], $0x1400  }
0x1d: {  	[sflag:s0] =	ssyncset.done @!p0 $0x0  }
0x1e: {  	[sflag:s0] =	ssyncadd.s32 @!p0 $0xFFFFEC00  }
0x1f: {  	_ =	swait.ge @!p0 [sflag:s0], $0x1400  }
0x20: {  	[sflag:s0] =	ssyncset.done @!p0 $0x0  }
0x21: {  	[sflag:s0] =	ssyncadd.s32 @!p0 $0xFFFFEC00  }
0x22: {  	_ =	swait.ge @!p0 [sflag:s0], $0x1400  }
0x23: {  	[sflag:s0] =	ssyncset.done @!p0 $0x0  }
0x24: {  	[sflag:s0] =	ssyncadd.s32 @!p0 $0xFFFFEC00  }
0x25: {  	_ =	swait.ge @!p0 [sflag:s0], $0x1400  }
0x26: {  	[sflag:s0] =	ssyncset.done @!p0 $0x0  }
0x27: {  	[sflag:s0] =	ssyncadd.s32 @!p0 $0xFFFFEC00  }
0x28: {  	_ =	swait.ge @!p0 [sflag:s0], $0x1400  }
0x29: {  	s6 =	rddreg [dreg:$0x5];
	[sflag:s0] =	ssyncset.done @!p0 $0x0  }
0x2a: {  	s7 =	rddreg [dreg:$0x4];
	[sflag:s0] =	ssyncadd.s32 @!p0 $0xFFFFEC00;
	s0 =	sadd.s32 $0x0, s6  }
0x2b: {  	[tilespmem:s3], [sflag:$0x1] =	stream.linear.gather [hbm4b:s0+s3], $0x50, $0x38;
	[tilespmem:$0x16E40] =	vst v63  }
0x2c: {  	s1 =	sadd.s32 $0x0, s7;
	s6 =	simm.s32 $0x320  }
0x2d: {  	[tilespmem:s6], [sflag:$0x1] =	stream.linear.gather [hbm4b:s1+s3], $0x50, $0x38;
	[tilespmem:$0x16E40] =	vst v63  }
0x2e: {  	s8 =	sadd.s32 $0xA, s0  }
0x2f: {  	[tilespmem:s12], [sflag:$0x1] =	stream.linear.gather [hbm4b:s8+s3], $0x50, $0x38;
	[tilespmem:$0x16E40] =	vst v63  }
0x30: {  	s7 =	simm.s32 $0x370;
	s9 =	sadd.s32 $0xA, s1  }
0x31: {  	[tilespmem:s7], [sflag:$0x1] =	stream.linear.gather [hbm4b:s9+s3], $0x50, $0x38;
	[tilespmem:$0x16E40] =	vst v63  }
0x32: {  	s10 =	sadd.s32 $0x14, s0;
	s8 =	simm.s32 $0xA0  }
0x33: {  	[tilespmem:s8], [sflag:$0x1] =	stream.linear.gather [hbm4b:s10+s3], $0x50, $0x38;
	[tilespmem:$0x16E40] =	vst v63  }
0x34: {  	s11 =	sadd.s32 $0x14, s1;
	s9 =	simm.s32 $0x3C0  }
0x35: {  	[tilespmem:s9], [sflag:$0x1] =	stream.linear.gather [hbm4b:s11+s3], $0x50, $0x38;
	[tilespmem:$0x16E40] =	vst v63  }
0x36: {  	s13 =	sadd.s32 $0x1E, s0;
	s10 =	simm.s32 $0xF0  }
0x37: {  	[tilespmem:s10], [sflag:$0x1] =	stream.linear.gather [hbm4b:s13+s3], $0x50, $0x38;
	[tilespmem:$0x16E40] =	vst v63  }
0x38: {  	s15 =	sadd.s32 $0x1E, s1;
	s11 =	simm.s32 $0x410  }
0x39: {  	[tilespmem:s11], [sflag:$0x1] =	stream.linear.gather [hbm4b:s15+s3], $0x50, $0x38;
	[tilespmem:$0x16E40] =	vst v63  }
0x3a: {  	s16 =	sadd.s32 $0x28, s0;
	s13 =	simm.s32 $0x140  }
0x3b: {  	[tilespmem:s13], [sflag:$0x1] =	stream.linear.gather [hbm4b:s16+s3], $0x50, $0x38;
	[tilespmem:$0x16E40] =	vst v63  }
0x3c: {  	s17 =	sadd.s32 $0x28, s1;
	s15 =	simm.s32 $0x460  }
0x3d: {  	[tilespmem:s15], [sflag:$0x1] =	stream.linear.gather [hbm4b:s17+s3], $0x50, $0x38;
	[tilespmem:$0x16E40] =	vst v63  }
0x3e: {  	_ =	swait.ge [sflag:s20], $0x50  }
0x3f: {  	[sflag:s20] =	ssyncset.done $0x0  }
0x40: {  	[sflag:s20] =	ssyncadd.s32 $0xFFFFFFB0  }
0x41: {  	_ =	swait.ge [sflag:s20], $0x50  }
0x42: {  	[sflag:s20] =	ssyncset.done $0x0  }
0x43: {  	s5 =	simm.s32 $0x640;
	[sflag:s20] =	ssyncadd.s32 $0xFFFFFFB0  }
0x44: {  	[tilespmem:s5], [sflag:$0x3] =	stream.indirect.gather [hbm4b:s4+s12], $0x40, s3, s12, $0xb8;
	[tilespmem:$0x16E40] =	vst v63  }
0x45: {  	_ =	swait.ge [sflag:s20], $0x50  }
0x46: {  	[sflag:s20] =	ssyncset.done $0x0  }
0x47: {  	[sflag:s20] =	ssyncadd.s32 $0xFFFFFFB0  }
0x48: {  	_ =	swait.ge [sflag:s20], $0x50  }
0x49: {  	[sflag:s20] =	ssyncset.done $0x0  }
0x4a: {  	s16 =	simm.s32 $0x1A40;
	[sflag:s20] =	ssyncadd.s32 $0xFFFFFFB0  }
0x4b: {  	[tilespmem:s16], [sflag:$0x4] =	stream.indirect.gather [hbm4b:s4+s12], $0x40, s12, s12, $0xb8;
	[tilespmem:$0x16E40] =	vst v63  }
0x4c: {  	_ =	swait.ge [sflag:s20], $0x50  }
0x4d: {  	[sflag:s20] =	ssyncset.done $0x0  }
0x4e: {  	[sflag:s20] =	ssyncadd.s32 $0xFFFFFFB0  }
0x4f: {  	_ =	swait.ge [sflag:s20], $0x50  }
0x50: {  	[sflag:s20] =	ssyncset.done $0x0  }
0x51: {  	s17 =	simm.s32 $0x2E40;
	[sflag:s20] =	ssyncadd.s32 $0xFFFFFFB0  }
0x52: {  	[tilespmem:s17], [sflag:$0x5] =	stream.indirect.gather [hbm4b:s4+s12], $0x40, s8, s12, $0xb8;
	[tilespmem:$0x16E40] =	vst v63  }
0x53: {  	_ =	swait.ge [sflag:s20], $0x50  }
0x54: {  	[sflag:s20] =	ssyncset.done $0x0  }
0x55: {  	[sflag:s20] =	ssyncadd.s32 $0xFFFFFFB0  }
0x56: {  	_ =	swait.ge [sflag:s20], $0x50  }
0x57: {  	[sflag:s20] =	ssyncset.done $0x0  }
0x58: {  	s8 =	simm.s32 $0x4240;
	[sflag:s20] =	ssyncadd.s32 $0xFFFFFFB0  }
0x59: {  	[tilespmem:s8], [sflag:$0x6] =	stream.indirect.gather [hbm4b:s4+s12], $0x40, s10, s12, $0xb8;
	[tilespmem:$0x16E40] =	vst v63  }
0x5a: {  	_ =	swait.ge [sflag:s20], $0x50  }
0x5b: {  	[sflag:s20] =	ssyncset.done $0x0  }
0x5c: {  	[sflag:s20] =	ssyncadd.s32 $0xFFFFFFB0  }
0x5d: {  	_ =	swait.ge [sflag:s20], $0x50  }
0x5e: {  	[sflag:s20] =	ssyncset.done $0x0  }
0x5f: {  	s19 =	simm.s32 $0x5640;
	s28 =	simm.s32 $0x3;
	[sflag:s20] =	ssyncadd.s32 $0xFFFFFFB0  }
0x60: {  	[tilespmem:s19], [sflag:$0x7] =	stream.indirect.gather [hbm4b:s4+s12], $0x40, s13, s12, $0xb8;
	[tilespmem:$0x16E40] =	vst v63  }
0x61: {  	_ =	swait.ge [sflag:s28], $0x1400  }
0x62: {  	[sflag:s28] =	ssyncset.done $0x0  }
0x63: {  	[sflag:s28] =	ssyncadd.s32 $0xFFFFEC00  }
0x64: {  	[spmem:s2] =	stream.indirect.scatter.add.f32 [tilespmem:s5], [sflag:$0xD], $0x40, s6, s12, $0xb8;
	[tilespmem:$0x16E40] =	vst v63  }
0x65: {  	s6 =	simm.s32 $0x4  }
0x66: {  	_ =	swait.ge [sflag:s6], $0x1400  }
0x67: {  	[sflag:s6] =	ssyncset.done $0x0  }
0x68: {  	[sflag:s6] =	ssyncadd.s32 $0xFFFFEC00  }
0x69: {  	[spmem:s2] =	stream.indirect.scatter.add.f32 [tilespmem:s16], [sflag:$0xD], $0x40, s7, s12, $0xb8;
	[tilespmem:$0x16E40] =	vst v63  }
0x6a: {  	_ =	swait.ge [sflag:s29], $0x1400  }
0x6b: {  	[sflag:s29] =	ssyncset.done $0x0  }
0x6c: {  	[sflag:s29] =	ssyncadd.s32 $0xFFFFEC00  }
0x6d: {  	[spmem:s2] =	stream.indirect.scatter.add.f32 [tilespmem:s17], [sflag:$0xD], $0x40, s9, s12, $0xb8;
	[tilespmem:$0x16E40] =	vst v63  }
0x6e: {  	_ =	swait.ge [sflag:s30], $0x1400  }
0x6f: {  	[sflag:s30] =	ssyncset.done $0x0  }
0x70: {  	[sflag:s30] =	ssyncadd.s32 $0xFFFFEC00  }
0x71: {  	[spmem:s2] =	stream.indirect.scatter.add.f32 [tilespmem:s8], [sflag:$0xD], $0x40, s11, s12, $0xb8;
	[tilespmem:$0x16E40] =	vst v63  }
0x72: {  	_ =	swait.ge [sflag:s31], $0x1400  }
0x73: {  	[sflag:s31] =	ssyncset.done $0x0  }
0x74: {  	s5 =	simm.s32 @!p0 $0xE;
	[sflag:s31] =	ssyncadd.s32 $0xFFFFEC00  }
0x75: {  	[spmem:s2] =	stream.indirect.scatter.add.f32 [tilespmem:s19], [sflag:$0xD], $0x40, s15, s12, $0xb8;
	[tilespmem:$0x16E40] =	vst v63  }
0x76: {  	_ =	swait.ge @!p0 [sflag:s5], $0x1400  }
0x77: {  	[sflag:s5] =	ssyncset.done @!p0 $0x0  }
0x78: {  	[sflag:s5] =	ssyncadd.s32 @!p0 $0xFFFFEC00  }
0x79: {  	_ =	swait.ge @!p0 [sflag:s5], $0x1400  }
0x7a: {  	[sflag:s5] =	ssyncset.done @!p0 $0x0  }
0x7b: {  	[sflag:s5] =	ssyncadd.s32 @!p0 $0xFFFFEC00  }
0x7c: {  	_ =	swait.ge @!p0 [sflag:s5], $0x1400  }
0x7d: {  	[sflag:s5] =	ssyncset.done @!p0 $0x0  }
0x7e: {  	[sflag:s5] =	ssyncadd.s32 @!p0 $0xFFFFEC00  }
0x7f: {  	_ =	swait.ge @!p0 [sflag:s5], $0x1400  }
0x80: {  	[sflag:s5] =	ssyncset.done @!p0 $0x0  }
0x81: {  	[sflag:s5] =	ssyncadd.s32 @!p0 $0xFFFFEC00  }
0x82: {  	_ =	swait.ge @!p0 [sflag:s5], $0x1400  }
0x83: {  	[sflag:s5] =	ssyncset.done @!p0 $0x0  }
0x84: {  	s10 =	sadd.s32 $0x32, s0;
	s6 =	simm.s32 $0x190;
	[sflag:s5] =	ssyncadd.s32 @!p0 $0xFFFFEC00  }
0x85: {  	[tilespmem:s6], [sflag:$0x2] =	stream.linear.gather [hbm4b:s10+s3], $0x50, $0x38;
	[tilespmem:$0x16E40] =	vst v63  }
0x86: {  	s7 =	simm.s32 $0x4B0;
	s11 =	sadd.s32 $0x32, s1  }
0x87: {  	[tilespmem:s7], [sflag:$0x2] =	stream.linear.gather [hbm4b:s11+s3], $0x50, $0x38;
	[tilespmem:$0x16E40] =	vst v63  }
0x88: {  	s13 =	sadd.s32 $0x3C, s0;
	s8 =	simm.s32 $0x1E0  }
0x89: {  	[tilespmem:s8], [sflag:$0x2] =	stream.linear.gather [hbm4b:s13+s3], $0x50, $0x38;
	[tilespmem:$0x16E40] =	vst v63  }
0x8a: {  	s9 =	simm.s32 $0x500;
	s15 =	sadd.s32 $0x3C, s1  }
0x8b: {  	[tilespmem:s9], [sflag:$0x2] =	stream.linear.gather [hbm4b:s15+s3], $0x50, $0x38;
	[tilespmem:$0x16E40] =	vst v63  }
0x8c: {  	s16 =	sadd.s32 $0x46, s0;
	s10 =	simm.s32 $0x230  }
0x8d: {  	[tilespmem:s10], [sflag:$0x2] =	stream.linear.gather [hbm4b:s16+s3], $0x50, $0x38;
	[tilespmem:$0x16E40] =	vst v63  }
0x8e: {  	s17 =	sadd.s32 $0x46, s1;
	s11 =	simm.s32 $0x550  }
0x8f: {  	[tilespmem:s11], [sflag:$0x2] =	stream.linear.gather [hbm4b:s17+s3], $0x50, $0x38;
	[tilespmem:$0x16E40] =	vst v63  }
0x90: {  	s19 =	sadd.s32 $0x50, s0;
	s13 =	simm.s32 $0x280  }
0x91: {  	[tilespmem:s13], [sflag:$0x2] =	stream.linear.gather [hbm4b:s19+s3], $0x50, $0x38;
	[tilespmem:$0x16E40] =	vst v63  }
0x92: {  	s28 =	sadd.s32 $0x50, s1;
	s15 =	simm.s32 $0x5A0  }
0x93: {  	[tilespmem:s15], [sflag:$0x2] =	stream.linear.gather [hbm4b:s28+s3], $0x50, $0x38;
	[tilespmem:$0x16E40] =	vst v63  }
0x94: {  	s0 =	sadd.s32 $0x5A, s0;
	s5 =	simm.s32 $0x2D0  }
0x95: {  	[tilespmem:s5], [sflag:$0x2] =	stream.linear.gather [hbm4b:s0+s3], $0x50, $0x38;
	[tilespmem:$0x16E40] =	vst v63  }
0x96: {  	s16 =	sadd.s32 $0x5A, s1  }
0x97: {  	[tilespmem:s18], [sflag:$0x2] =	stream.linear.gather [hbm4b:s16+s3], $0x50, $0x38;
	[tilespmem:$0x16E40] =	vst v63  }
0x98: {  	_ =	swait.ge [sflag:s14], $0x50  }
0x99: {  	[sflag:s14] =	ssyncset.done $0x0  }
0x9a: {  	[sflag:s14] =	ssyncadd.s32 $0xFFFFFFB0  }
0x9b: {  	_ =	swait.ge [sflag:s14], $0x50  }
0x9c: {  	[sflag:s14] =	ssyncset.done $0x0  }
0x9d: {  	s17 =	simm.s32 $0x6A40;
	[sflag:s14] =	ssyncadd.s32 $0xFFFFFFB0  }
0x9e: {  	[tilespmem:s17], [sflag:$0x8] =	stream.indirect.gather [hbm4b:s4+s12], $0x40, s6, s12, $0xb8;
	[tilespmem:$0x16E40] =	vst v63  }
0x9f: {  	_ =	swait.ge [sflag:s14], $0x50  }
0xa0: {  	[sflag:s14] =	ssyncset.done $0x0  }
0xa1: {  	[sflag:s14] =	ssyncadd.s32 $0xFFFFFFB0  }
0xa2: {  	_ =	swait.ge [sflag:s14], $0x50  }
0xa3: {  	[sflag:s14] =	ssyncset.done $0x0  }
0xa4: {  	s18 =	simm.s32 $0x7E40;
	[sflag:s14] =	ssyncadd.s32 $0xFFFFFFB0  }
0xa5: {  	[tilespmem:s18], [sflag:$0x9] =	stream.indirect.gather [hbm4b:s4+s12], $0x40, s8, s12, $0xb8;
	[tilespmem:$0x16E40] =	vst v63  }
0xa6: {  	_ =	swait.ge [sflag:s14], $0x50  }
0xa7: {  	[sflag:s14] =	ssyncset.done $0x0  }
0xa8: {  	[sflag:s14] =	ssyncadd.s32 $0xFFFFFFB0  }
0xa9: {  	_ =	swait.ge [sflag:s14], $0x50  }
0xaa: {  	[sflag:s14] =	ssyncset.done $0x0  }
0xab: {  	s19 =	simm.s32 $0x9240;
	[sflag:s14] =	ssyncadd.s32 $0xFFFFFFB0  }
0xac: {  	[tilespmem:s19], [sflag:$0xA] =	stream.indirect.gather [hbm4b:s4+s12], $0x40, s10, s12, $0xb8;
	[tilespmem:$0x16E40] =	vst v63  }
0xad: {  	_ =	swait.ge [sflag:s14], $0x50  }
0xae: {  	[sflag:s14] =	ssyncset.done $0x0  }
0xaf: {  	[sflag:s14] =	ssyncadd.s32 $0xFFFFFFB0  }
0xb0: {  	_ =	swait.ge [sflag:s14], $0x50  }
0xb1: {  	[sflag:s14] =	ssyncset.done $0x0  }
0xb2: {  	s28 =	simm.s32 $0xA640;
	[sflag:s14] =	ssyncadd.s32 $0xFFFFFFB0  }
0xb3: {  	[tilespmem:s28], [sflag:$0xB] =	stream.indirect.gather [hbm4b:s4+s12], $0x40, s13, s12, $0xb8;
	[tilespmem:$0x16E40] =	vst v63  }
0xb4: {  	_ =	swait.ge [sflag:s14], $0x50  }
0xb5: {  	[sflag:s14] =	ssyncset.done $0x0  }
0xb6: {  	[sflag:s14] =	ssyncadd.s32 $0xFFFFFFB0  }
0xb7: {  	_ =	swait.ge [sflag:s14], $0x50  }
0xb8: {  	[sflag:s14] =	ssyncset.done $0x0  }
0xb9: {  	[sflag:s14] =	ssyncadd.s32 $0xFFFFFFB0  }
0xba: {  	[tilespmem:s26], [sflag:$0xC] =	stream.indirect.gather [hbm4b:s4+s12], $0x40, s5, s12, $0xb8;
	[tilespmem:$0x16E40] =	vst v63  }
0xbb: {  	_ =	swait.ge [sflag:s21], $0x1400  }
0xbc: {  	[sflag:s21] =	ssyncset.done $0x0  }
0xbd: {  	[sflag:s21] =	ssyncadd.s32 $0xFFFFEC00  }
0xbe: {  	[spmem:s2] =	stream.indirect.scatter.add.f32 [tilespmem:s17], [sflag:$0xE], $0x40, s7, s12, $0xb8;
	[tilespmem:$0x16E40] =	vst v63  }
0xbf: {  	_ =	swait.ge [sflag:s22], $0x1400  }
0xc0: {  	[sflag:s22] =	ssyncset.done $0x0  }
0xc1: {  	[sflag:s22] =	ssyncadd.s32 $0xFFFFEC00  }
0xc2: {  	[spmem:s2] =	stream.indirect.scatter.add.f32 [tilespmem:s18], [sflag:$0xE], $0x40, s9, s12, $0xb8;
	[tilespmem:$0x16E40] =	vst v63  }
0xc3: {  	_ =	swait.ge [sflag:s23], $0x1400  }
0xc4: {  	[sflag:s23] =	ssyncset.done $0x0  }
0xc5: {  	[sflag:s23] =	ssyncadd.s32 $0xFFFFEC00  }
0xc6: {  	[spmem:s2] =	stream.indirect.scatter.add.f32 [tilespmem:s19], [sflag:$0xE], $0x40, s11, s12, $0xb8;
	[tilespmem:$0x16E40] =	vst v63  }
0xc7: {  	_ =	swait.ge [sflag:s24], $0x1400  }
0xc8: {  	[sflag:s24] =	ssyncset.done $0x0  }
0xc9: {  	[sflag:s24] =	ssyncadd.s32 $0xFFFFEC00  }
0xca: {  	[spmem:s2] =	stream.indirect.scatter.add.f32 [tilespmem:s28], [sflag:$0xE], $0x40, s15, s12, $0xb8;
	[tilespmem:$0x16E40] =	vst v63  }
0xcb: {  	p1 =	por $0x0, $0x0;
	_ =	swait.ge [sflag:s25], $0x1400  }
0xcc: {  	s1 =	simm.s32 $0xC8;
	s0 =	simm.s32 $0x64;
	[sflag:s25] =	ssyncset.done $0x0  }
.LBB2_2:
0xcd: {  	s5 =	simm.s32 @!p1 $0xD  }
0xce: {  	[sflag:s25] =	ssyncadd.s32 $0xFFFFEC00;
	s26 =	simm.s32 $0x5F0;
	s28 =	simm.s32 $0xBA40  }
0xcf: {  	[spmem:s2] =	stream.indirect.scatter.add.f32 [tilespmem:s28], [sflag:$0xE], $0x40, s26, s12, $0xb8;
	[tilespmem:$0x16E40] =	vst v63  }
0xd0: {  	_ =	swait.ge @!p1 [sflag:s5], $0x1400  }
0xd1: {  	[sflag:s5] =	ssyncset.done @!p1 $0x0  }
0xd2: {  	[sflag:s5] =	ssyncadd.s32 @!p1 $0xFFFFEC00  }
0xd3: {  	_ =	swait.ge @!p1 [sflag:s5], $0x1400  }
0xd4: {  	[sflag:s5] =	ssyncset.done @!p1 $0x0  }
0xd5: {  	[sflag:s5] =	ssyncadd.s32 @!p1 $0xFFFFEC00  }
0xd6: {  	_ =	swait.ge @!p1 [sflag:s5], $0x1400  }
0xd7: {  	[sflag:s5] =	ssyncset.done @!p1 $0x0  }
0xd8: {  	[sflag:s5] =	ssyncadd.s32 @!p1 $0xFFFFEC00  }
0xd9: {  	_ =	swait.ge @!p1 [sflag:s5], $0x1400  }
0xda: {  	[sflag:s5] =	ssyncset.done @!p1 $0x0  }
0xdb: {  	[sflag:s5] =	ssyncadd.s32 @!p1 $0xFFFFEC00  }
0xdc: {  	_ =	swait.ge @!p1 [sflag:s5], $0x1400  }
0xdd: {  	s8 =	smov.u32 s1;
	s7 =	rddreg [dreg:$0x5];
	[sflag:s5] =	ssyncset.done @!p1 $0x0  }
0xde: {  	s6 =	rddreg [dreg:$0x4];
	[sflag:s5] =	ssyncadd.s32 @!p1 $0xFFFFEC00;
	s5 =	sadd.s32 s0, s7  }
0xdf: {  	[tilespmem:s3], [sflag:$0x1] =	stream.linear.gather [hbm4b:s5+s3], $0x50, $0x38;
	[tilespmem:$0x16E40] =	vst v63  }
0xe0: {  	s7 =	sadd.s32 s0, s6;
	s0 =	smov.u32 s8;
	s8 =	simm.s32 $0x320  }
0xe1: {  	[tilespmem:s8], [sflag:$0x1] =	stream.linear.gather [hbm4b:s7+s3], $0x50, $0x38;
	[tilespmem:$0x16E40] =	vst v63  }
0xe2: {  	s10 =	sadd.s32 $0xA, s5  }
0xe3: {  	[tilespmem:s12], [sflag:$0x1] =	stream.linear.gather [hbm4b:s10+s3], $0x50, $0x38;
	[tilespmem:$0x16E40] =	vst v63  }
0xe4: {  	s9 =	simm.s32 $0x370;
	s11 =	sadd.s32 $0xA, s7  }
0xe5: {  	[tilespmem:s9], [sflag:$0x1] =	stream.linear.gather [hbm4b:s11+s3], $0x50, $0x38;
	[tilespmem:$0x16E40] =	vst v63  }
0xe6: {  	s13 =	sadd.s32 $0x14, s5;
	s10 =	simm.s32 $0xA0  }
0xe7: {  	[tilespmem:s10], [sflag:$0x1] =	stream.linear.gather [hbm4b:s13+s3], $0x50, $0x38;
	[tilespmem:$0x16E40] =	vst v63  }
0xe8: {  	s15 =	sadd.s32 $0x14, s7;
	s11 =	simm.s32 $0x3C0  }
0xe9: {  	[tilespmem:s11], [sflag:$0x1] =	stream.linear.gather [hbm4b:s15+s3], $0x50, $0x38;
	[tilespmem:$0x16E40] =	vst v63  }
0xea: {  	s16 =	sadd.s32 $0x1E, s5;
	s13 =	simm.s32 $0xF0  }
0xeb: {  	[tilespmem:s13], [sflag:$0x1] =	stream.linear.gather [hbm4b:s16+s3], $0x50, $0x38;
	[tilespmem:$0x16E40] =	vst v63  }
0xec: {  	s17 =	sadd.s32 $0x1E, s7;
	s15 =	simm.s32 $0x410  }
0xed: {  	[tilespmem:s15], [sflag:$0x1] =	stream.linear.gather [hbm4b:s17+s3], $0x50, $0x38;
	[tilespmem:$0x16E40] =	vst v63  }
0xee: {  	s18 =	sadd.s32 $0x28, s5;
	s16 =	simm.s32 $0x140  }
0xef: {  	[tilespmem:s16], [sflag:$0x1] =	stream.linear.gather [hbm4b:s18+s3], $0x50, $0x38;
	[tilespmem:$0x16E40] =	vst v63  }
0xf0: {  	s19 =	sadd.s32 $0x28, s7;
	s17 =	simm.s32 $0x460  }
0xf1: {  	[tilespmem:s17], [sflag:$0x1] =	stream.linear.gather [hbm4b:s19+s3], $0x50, $0x38;
	[tilespmem:$0x16E40] =	vst v63  }
0xf2: {  	_ =	swait.ge [sflag:s20], $0x50  }
0xf3: {  	[sflag:s20] =	ssyncset.done $0x0  }
0xf4: {  	[sflag:s20] =	ssyncadd.s32 $0xFFFFFFB0  }
0xf5: {  	_ =	swait.ge [sflag:s20], $0x50  }
0xf6: {  	[sflag:s20] =	ssyncset.done $0x0  }
0xf7: {  	s6 =	simm.s32 $0x640;
	[sflag:s20] =	ssyncadd.s32 $0xFFFFFFB0  }
0xf8: {  	[tilespmem:s6], [sflag:$0x3] =	stream.indirect.gather [hbm4b:s4+s12], $0x40, s3, s12, $0xb8;
	[tilespmem:$0x16E40] =	vst v63  }
0xf9: {  	_ =	swait.ge [sflag:s20], $0x50  }
0xfa: {  	[sflag:s20] =	ssyncset.done $0x0  }
0xfb: {  	[sflag:s20] =	ssyncadd.s32 $0xFFFFFFB0  }
0xfc: {  	_ =	swait.ge [sflag:s20], $0x50  }
0xfd: {  	[sflag:s20] =	ssyncset.done $0x0  }
0xfe: {  	s18 =	simm.s32 $0x1A40;
	[sflag:s20] =	ssyncadd.s32 $0xFFFFFFB0  }
0xff: {  	[tilespmem:s18], [sflag:$0x4] =	stream.indirect.gather [hbm4b:s4+s12], $0x40, s12, s12, $0xb8;
	[tilespmem:$0x16E40] =	vst v63  }
0x100: {  	_ =	swait.ge [sflag:s20], $0x50  }
0x101: {  	[sflag:s20] =	ssyncset.done $0x0  }
0x102: {  	[sflag:s20] =	ssyncadd.s32 $0xFFFFFFB0  }
0x103: {  	_ =	swait.ge [sflag:s20], $0x50  }
0x104: {  	[sflag:s20] =	ssyncset.done $0x0  }
0x105: {  	s19 =	simm.s32 $0x2E40;
	[sflag:s20] =	ssyncadd.s32 $0xFFFFFFB0  }
0x106: {  	[tilespmem:s19], [sflag:$0x5] =	stream.indirect.gather [hbm4b:s4+s12], $0x40, s10, s12, $0xb8;
	[tilespmem:$0x16E40] =	vst v63  }
0x107: {  	_ =	swait.ge [sflag:s20], $0x50  }
0x108: {  	[sflag:s20] =	ssyncset.done $0x0  }
0x109: {  	[sflag:s20] =	ssyncadd.s32 $0xFFFFFFB0  }
0x10a: {  	_ =	swait.ge [sflag:s20], $0x50  }
0x10b: {  	[sflag:s20] =	ssyncset.done $0x0  }
0x10c: {  	s10 =	simm.s32 $0x4240;
	[sflag:s20] =	ssyncadd.s32 $0xFFFFFFB0  }
0x10d: {  	[tilespmem:s10], [sflag:$0x6] =	stream.indirect.gather [hbm4b:s4+s12], $0x40, s13, s12, $0xb8;
	[tilespmem:$0x16E40] =	vst v63  }
0x10e: {  	_ =	swait.ge [sflag:s20], $0x50  }
0x10f: {  	[sflag:s20] =	ssyncset.done $0x0  }
0x110: {  	[sflag:s20] =	ssyncadd.s32 $0xFFFFFFB0  }
0x111: {  	_ =	swait.ge [sflag:s20], $0x50  }
0x112: {  	[sflag:s20] =	ssyncset.done $0x0  }
0x113: {  	s13 =	simm.s32 $0x5640;
	[sflag:s20] =	ssyncadd.s32 $0xFFFFFFB0  }
0x114: {  	[tilespmem:s13], [sflag:$0x7] =	stream.indirect.gather [hbm4b:s4+s12], $0x40, s16, s12, $0xb8;
	[tilespmem:$0x16E40] =	vst v63  }
0x115: {  	s16 =	simm.s32 $0x3  }
0x116: {  	_ =	swait.ge [sflag:s16], $0x1400  }
0x117: {  	[sflag:s16] =	ssyncset.done $0x0  }
0x118: {  	[sflag:s16] =	ssyncadd.s32 $0xFFFFEC00  }
0x119: {  	[spmem:s2] =	stream.indirect.scatter.add.f32 [tilespmem:s6], [sflag:$0xD], $0x40, s8, s12, $0xb8;
	[tilespmem:$0x16E40] =	vst v63  }
0x11a: {  	s8 =	simm.s32 $0x4  }
0x11b: {  	_ =	swait.ge [sflag:s8], $0x1400  }
0x11c: {  	[sflag:s8] =	ssyncset.done $0x0  }
0x11d: {  	[sflag:s8] =	ssyncadd.s32 $0xFFFFEC00  }
0x11e: {  	[spmem:s2] =	stream.indirect.scatter.add.f32 [tilespmem:s18], [sflag:$0xD], $0x40, s9, s12, $0xb8;
	[tilespmem:$0x16E40] =	vst v63  }
0x11f: {  	_ =	swait.ge [sflag:s29], $0x1400  }
0x120: {  	[sflag:s29] =	ssyncset.done $0x0  }
0x121: {  	[sflag:s29] =	ssyncadd.s32 $0xFFFFEC00  }
0x122: {  	[spmem:s2] =	stream.indirect.scatter.add.f32 [tilespmem:s19], [sflag:$0xD], $0x40, s11, s12, $0xb8;
	[tilespmem:$0x16E40] =	vst v63  }
0x123: {  	_ =	swait.ge [sflag:s30], $0x1400  }
0x124: {  	[sflag:s30] =	ssyncset.done $0x0  }
0x125: {  	[sflag:s30] =	ssyncadd.s32 $0xFFFFEC00  }
0x126: {  	[spmem:s2] =	stream.indirect.scatter.add.f32 [tilespmem:s10], [sflag:$0xD], $0x40, s15, s12, $0xb8;
	[tilespmem:$0x16E40] =	vst v63  }
0x127: {  	_ =	swait.ge [sflag:s31], $0x1400  }
0x128: {  	[sflag:s31] =	ssyncset.done $0x0  }
0x129: {  	s6 =	simm.s32 @!p1 $0xE;
	[sflag:s31] =	ssyncadd.s32 $0xFFFFEC00  }
0x12a: {  	[spmem:s2] =	stream.indirect.scatter.add.f32 [tilespmem:s13], [sflag:$0xD], $0x40, s17, s12, $0xb8;
	[tilespmem:$0x16E40] =	vst v63  }
0x12b: {  	_ =	swait.ge @!p1 [sflag:s6], $0x1400  }
0x12c: {  	[sflag:s6] =	ssyncset.done @!p1 $0x0  }
0x12d: {  	[sflag:s6] =	ssyncadd.s32 @!p1 $0xFFFFEC00  }
0x12e: {  	_ =	swait.ge @!p1 [sflag:s6], $0x1400  }
0x12f: {  	[sflag:s6] =	ssyncset.done @!p1 $0x0  }
0x130: {  	[sflag:s6] =	ssyncadd.s32 @!p1 $0xFFFFEC00  }
0x131: {  	_ =	swait.ge @!p1 [sflag:s6], $0x1400  }
0x132: {  	[sflag:s6] =	ssyncset.done @!p1 $0x0  }
0x133: {  	[sflag:s6] =	ssyncadd.s32 @!p1 $0xFFFFEC00  }
0x134: {  	_ =	swait.ge @!p1 [sflag:s6], $0x1400  }
0x135: {  	[sflag:s6] =	ssyncset.done @!p1 $0x0  }
0x136: {  	[sflag:s6] =	ssyncadd.s32 @!p1 $0xFFFFEC00  }
0x137: {  	_ =	swait.ge @!p1 [sflag:s6], $0x1400  }
0x138: {  	[sflag:s6] =	ssyncset.done @!p1 $0x0  }
0x139: {  	s8 =	simm.s32 $0x190;
	s9 =	sadd.s32 $0x32, s5;
	[sflag:s6] =	ssyncadd.s32 @!p1 $0xFFFFEC00  }
0x13a: {  	[tilespmem:s8], [sflag:$0x2] =	stream.linear.gather [hbm4b:s9+s3], $0x50, $0x38;
	[tilespmem:$0x16E40] =	vst v63  }
0x13b: {  	s10 =	sadd.s32 $0x32, s7;
	s9 =	simm.s32 $0x4B0  }
0x13c: {  	[tilespmem:s9], [sflag:$0x2] =	stream.linear.gather [hbm4b:s10+s3], $0x50, $0x38;
	[tilespmem:$0x16E40] =	vst v63  }
0x13d: {  	s11 =	sadd.s32 $0x3C, s5;
	s10 =	simm.s32 $0x1E0  }
0x13e: {  	[tilespmem:s10], [sflag:$0x2] =	stream.linear.gather [hbm4b:s11+s3], $0x50, $0x38;
	[tilespmem:$0x16E40] =	vst v63  }
0x13f: {  	s13 =	sadd.s32 $0x3C, s7;
	s11 =	simm.s32 $0x500  }
0x140: {  	[tilespmem:s11], [sflag:$0x2] =	stream.linear.gather [hbm4b:s13+s3], $0x50, $0x38;
	[tilespmem:$0x16E40] =	vst v63  }
0x141: {  	s15 =	sadd.s32 $0x46, s5;
	s13 =	simm.s32 $0x230  }
0x142: {  	[tilespmem:s13], [sflag:$0x2] =	stream.linear.gather [hbm4b:s15+s3], $0x50, $0x38;
	[tilespmem:$0x16E40] =	vst v63  }
0x143: {  	s16 =	sadd.s32 $0x46, s7;
	s15 =	simm.s32 $0x550  }
0x144: {  	[tilespmem:s15], [sflag:$0x2] =	stream.linear.gather [hbm4b:s16+s3], $0x50, $0x38;
	[tilespmem:$0x16E40] =	vst v63  }
0x145: {  	s17 =	sadd.s32 $0x50, s5;
	s16 =	simm.s32 $0x280  }
0x146: {  	[tilespmem:s16], [sflag:$0x2] =	stream.linear.gather [hbm4b:s17+s3], $0x50, $0x38;
	[tilespmem:$0x16E40] =	vst v63  }
0x147: {  	s18 =	sadd.s32 $0x50, s7;
	s17 =	simm.s32 $0x5A0  }
0x148: {  	[tilespmem:s17], [sflag:$0x2] =	stream.linear.gather [hbm4b:s18+s3], $0x50, $0x38;
	[tilespmem:$0x16E40] =	vst v63  }
0x149: {  	s5 =	sadd.s32 $0x5A, s5;
	s6 =	simm.s32 $0x2D0  }
0x14a: {  	[tilespmem:s6], [sflag:$0x2] =	stream.linear.gather [hbm4b:s5+s3], $0x50, $0x38;
	[tilespmem:$0x16E40] =	vst v63  }
0x14b: {  	s19 =	sadd.s32 $0x5A, s7  }
0x14c: {  	[tilespmem:s26], [sflag:$0x2] =	stream.linear.gather [hbm4b:s19+s3], $0x50, $0x38;
	[tilespmem:$0x16E40] =	vst v63  }
0x14d: {  	_ =	swait.ge [sflag:s14], $0x50  }
0x14e: {  	[sflag:s14] =	ssyncset.done $0x0  }
0x14f: {  	[sflag:s14] =	ssyncadd.s32 $0xFFFFFFB0  }
0x150: {  	_ =	swait.ge [sflag:s14], $0x50  }
0x151: {  	[sflag:s14] =	ssyncset.done $0x0  }
0x152: {  	s7 =	simm.s32 $0x6A40;
	[sflag:s14] =	ssyncadd.s32 $0xFFFFFFB0  }
0x153: {  	[tilespmem:s7], [sflag:$0x8] =	stream.indirect.gather [hbm4b:s4+s12], $0x40, s8, s12, $0xb8;
	[tilespmem:$0x16E40] =	vst v63  }
0x154: {  	_ =	swait.ge [sflag:s14], $0x50  }
0x155: {  	[sflag:s14] =	ssyncset.done $0x0  }
0x156: {  	[sflag:s14] =	ssyncadd.s32 $0xFFFFFFB0  }
0x157: {  	_ =	swait.ge [sflag:s14], $0x50  }
0x158: {  	[sflag:s14] =	ssyncset.done $0x0  }
0x159: {  	s18 =	simm.s32 $0x7E40;
	[sflag:s14] =	ssyncadd.s32 $0xFFFFFFB0  }
0x15a: {  	[tilespmem:s18], [sflag:$0x9] =	stream.indirect.gather [hbm4b:s4+s12], $0x40, s10, s12, $0xb8;
	[tilespmem:$0x16E40] =	vst v63  }
0x15b: {  	_ =	swait.ge [sflag:s14], $0x50  }
0x15c: {  	[sflag:s14] =	ssyncset.done $0x0  }
0x15d: {  	[sflag:s14] =	ssyncadd.s32 $0xFFFFFFB0  }
0x15e: {  	_ =	swait.ge [sflag:s14], $0x50  }
0x15f: {  	[sflag:s14] =	ssyncset.done $0x0  }
0x160: {  	s19 =	simm.s32 $0x9240;
	[sflag:s14] =	ssyncadd.s32 $0xFFFFFFB0  }
0x161: {  	[tilespmem:s19], [sflag:$0xA] =	stream.indirect.gather [hbm4b:s4+s12], $0x40, s13, s12, $0xb8;
	[tilespmem:$0x16E40] =	vst v63  }
0x162: {  	_ =	swait.ge [sflag:s14], $0x50  }
0x163: {  	[sflag:s14] =	ssyncset.done $0x0  }
0x164: {  	[sflag:s14] =	ssyncadd.s32 $0xFFFFFFB0  }
0x165: {  	_ =	swait.ge [sflag:s14], $0x50  }
0x166: {  	[sflag:s14] =	ssyncset.done $0x0  }
0x167: {  	s26 =	simm.s32 $0xA640;
	[sflag:s14] =	ssyncadd.s32 $0xFFFFFFB0  }
0x168: {  	[tilespmem:s26], [sflag:$0xB] =	stream.indirect.gather [hbm4b:s4+s12], $0x40, s16, s12, $0xb8;
	[tilespmem:$0x16E40] =	vst v63  }
0x169: {  	_ =	swait.ge [sflag:s14], $0x50  }
0x16a: {  	[sflag:s14] =	ssyncset.done $0x0  }
0x16b: {  	[sflag:s14] =	ssyncadd.s32 $0xFFFFFFB0  }
0x16c: {  	_ =	swait.ge [sflag:s14], $0x50  }
0x16d: {  	[sflag:s14] =	ssyncset.done $0x0  }
0x16e: {  	[sflag:s14] =	ssyncadd.s32 $0xFFFFFFB0  }
0x16f: {  	[tilespmem:s28], [sflag:$0xC] =	stream.indirect.gather [hbm4b:s4+s12], $0x40, s6, s12, $0xb8;
	[tilespmem:$0x16E40] =	vst v63  }
0x170: {  	_ =	swait.ge [sflag:s21], $0x1400  }
0x171: {  	[sflag:s21] =	ssyncset.done $0x0  }
0x172: {  	[sflag:s21] =	ssyncadd.s32 $0xFFFFEC00  }
0x173: {  	[spmem:s2] =	stream.indirect.scatter.add.f32 [tilespmem:s7], [sflag:$0xE], $0x40, s9, s12, $0xb8;
	[tilespmem:$0x16E40] =	vst v63  }
0x174: {  	_ =	swait.ge [sflag:s22], $0x1400  }
0x175: {  	[sflag:s22] =	ssyncset.done $0x0  }
0x176: {  	[sflag:s22] =	ssyncadd.s32 $0xFFFFEC00  }
0x177: {  	[spmem:s2] =	stream.indirect.scatter.add.f32 [tilespmem:s18], [sflag:$0xE], $0x40, s11, s12, $0xb8;
	[tilespmem:$0x16E40] =	vst v63  }
0x178: {  	_ =	swait.ge [sflag:s23], $0x1400  }
0x179: {  	[sflag:s23] =	ssyncset.done $0x0  }
0x17a: {  	s1 =	sadd.s32 $0x64, s1;
	[sflag:s23] =	ssyncadd.s32 $0xFFFFEC00  }
0x17b: {  	[spmem:s2] =	stream.indirect.scatter.add.f32 [tilespmem:s19], [sflag:$0xE], $0x40, s15, s12, $0xb8;
	[tilespmem:$0x16E40] =	vst v63  }
0x17c: {  	p0 =	sne.s32 s1, $0x9C4;
	_ =	swait.ge [sflag:s24], $0x1400  }
.Ltmp0:
0x17d: {  	[sflag:s24] =	ssyncset.done $0x0;
	(pc) =	sbr.rel @p0 .LBB2_2-.Ltmp0, $4  }
0x17e: {  	[sflag:s24] =	ssyncadd.s32 $0xFFFFEC00  }
0x17f: {  	[spmem:s2] =	stream.indirect.scatter.add.f32 [tilespmem:s26], [sflag:$0xE], $0x40, s17, s12, $0xb8;
	[tilespmem:$0x16E40] =	vst v63  }
0x180: {  	_ =	swait.ge [sflag:s25], $0x1400  }
0x181: {  	p1 =	seq.s32 s0, $0x0;
	[sflag:s25] =	ssyncset.done $0x0  }
0x182: {  	s1 =	simm.s32 @!p1 $0xD  }
0x183: {  	[sflag:s25] =	ssyncadd.s32 $0xFFFFEC00;
	s19 =	simm.s32 $0x5F0;
	s28 =	simm.s32 $0xBA40  }
0x184: {  	[spmem:s2] =	stream.indirect.scatter.add.f32 [tilespmem:s28], [sflag:$0xE], $0x40, s19, s12, $0xb8;
	[tilespmem:$0x16E40] =	vst v63  }
0x185: {  	_ =	swait.ge @!p1 [sflag:s1], $0x1400  }
0x186: {  	[sflag:s1] =	ssyncset.done @!p1 $0x0  }
0x187: {  	[sflag:s1] =	ssyncadd.s32 @!p1 $0xFFFFEC00  }
0x188: {  	_ =	swait.ge @!p1 [sflag:s1], $0x1400  }
0x189: {  	[sflag:s1] =	ssyncset.done @!p1 $0x0  }
0x18a: {  	[sflag:s1] =	ssyncadd.s32 @!p1 $0xFFFFEC00  }
0x18b: {  	_ =	swait.ge @!p1 [sflag:s1], $0x1400  }
0x18c: {  	[sflag:s1] =	ssyncset.done @!p1 $0x0  }
0x18d: {  	[sflag:s1] =	ssyncadd.s32 @!p1 $0xFFFFEC00  }
0x18e: {  	_ =	swait.ge @!p1 [sflag:s1], $0x1400  }
0x18f: {  	[sflag:s1] =	ssyncset.done @!p1 $0x0  }
0x190: {  	[sflag:s1] =	ssyncadd.s32 @!p1 $0xFFFFEC00  }
0x191: {  	_ =	swait.ge @!p1 [sflag:s1], $0x1400  }
0x192: {  	s5 =	rddreg [dreg:$0x5];
	[sflag:s1] =	ssyncset.done @!p1 $0x0  }
0x193: {  	s6 =	rddreg [dreg:$0x4];
	[sflag:s1] =	ssyncadd.s32 @!p1 $0xFFFFEC00;
	s1 =	sadd.s32 s0, s5  }
0x194: {  	[tilespmem:s3], [sflag:$0x1] =	stream.linear.gather [hbm4b:s1+s3], $0x50, $0x38;
	[tilespmem:$0x16E40] =	vst v63  }
0x195: {  	s0 =	sadd.s32 s0, s6;
	s6 =	simm.s32 $0x320  }
0x196: {  	[tilespmem:s6], [sflag:$0x1] =	stream.linear.gather [hbm4b:s0+s3], $0x50, $0x38;
	[tilespmem:$0x16E40] =	vst v63  }
0x197: {  	s5 =	sadd.s32 $0xA, s1  }
0x198: {  	[tilespmem:s12], [sflag:$0x1] =	stream.linear.gather [hbm4b:s5+s3], $0x50, $0x38;
	[tilespmem:$0x16E40] =	vst v63  }
0x199: {  	s7 =	simm.s32 $0x370;
	s9 =	sadd.s32 $0xA, s0  }
0x19a: {  	[tilespmem:s7], [sflag:$0x1] =	stream.linear.gather [hbm4b:s9+s3], $0x50, $0x38;
	[tilespmem:$0x16E40] =	vst v63  }
0x19b: {  	s8 =	simm.s32 $0xA0;
	s10 =	sadd.s32 $0x14, s1  }
0x19c: {  	[tilespmem:s8], [sflag:$0x1] =	stream.linear.gather [hbm4b:s10+s3], $0x50, $0x38;
	[tilespmem:$0x16E40] =	vst v63  }
0x19d: {  	s11 =	sadd.s32 $0x14, s0;
	s9 =	simm.s32 $0x3C0  }
0x19e: {  	[tilespmem:s9], [sflag:$0x1] =	stream.linear.gather [hbm4b:s11+s3], $0x50, $0x38;
	[tilespmem:$0x16E40] =	vst v63  }
0x19f: {  	s13 =	sadd.s32 $0x1E, s1;
	s10 =	simm.s32 $0xF0  }
0x1a0: {  	[tilespmem:s10], [sflag:$0x1] =	stream.linear.gather [hbm4b:s13+s3], $0x50, $0x38;
	[tilespmem:$0x16E40] =	vst v63  }
0x1a1: {  	s15 =	sadd.s32 $0x1E, s0;
	s11 =	simm.s32 $0x410  }
0x1a2: {  	[tilespmem:s11], [sflag:$0x1] =	stream.linear.gather [hbm4b:s15+s3], $0x50, $0x38;
	[tilespmem:$0x16E40] =	vst v63  }
0x1a3: {  	s16 =	sadd.s32 $0x28, s1;
	s13 =	simm.s32 $0x140  }
0x1a4: {  	[tilespmem:s13], [sflag:$0x1] =	stream.linear.gather [hbm4b:s16+s3], $0x50, $0x38;
	[tilespmem:$0x16E40] =	vst v63  }
0x1a5: {  	s17 =	sadd.s32 $0x28, s0;
	s15 =	simm.s32 $0x460  }
0x1a6: {  	[tilespmem:s15], [sflag:$0x1] =	stream.linear.gather [hbm4b:s17+s3], $0x50, $0x38;
	[tilespmem:$0x16E40] =	vst v63  }
0x1a7: {  	_ =	swait.ge [sflag:s20], $0x50  }
0x1a8: {  	[sflag:s20] =	ssyncset.done $0x0  }
0x1a9: {  	[sflag:s20] =	ssyncadd.s32 $0xFFFFFFB0  }
0x1aa: {  	_ =	swait.ge [sflag:s20], $0x50  }
0x1ab: {  	[sflag:s20] =	ssyncset.done $0x0  }
0x1ac: {  	s5 =	simm.s32 $0x640;
	[sflag:s20] =	ssyncadd.s32 $0xFFFFFFB0  }
0x1ad: {  	[tilespmem:s5], [sflag:$0x3] =	stream.indirect.gather [hbm4b:s4+s12], $0x40, s3, s12, $0xb8;
	[tilespmem:$0x16E40] =	vst v63  }
0x1ae: {  	_ =	swait.ge [sflag:s20], $0x50  }
0x1af: {  	[sflag:s20] =	ssyncset.done $0x0  }
0x1b0: {  	[sflag:s20] =	ssyncadd.s32 $0xFFFFFFB0  }
0x1b1: {  	_ =	swait.ge [sflag:s20], $0x50  }
0x1b2: {  	[sflag:s20] =	ssyncset.done $0x0  }
0x1b3: {  	s16 =	simm.s32 $0x1A40;
	[sflag:s20] =	ssyncadd.s32 $0xFFFFFFB0  }
0x1b4: {  	[tilespmem:s16], [sflag:$0x4] =	stream.indirect.gather [hbm4b:s4+s12], $0x40, s12, s12, $0xb8;
	[tilespmem:$0x16E40] =	vst v63  }
0x1b5: {  	_ =	swait.ge [sflag:s20], $0x50  }
0x1b6: {  	[sflag:s20] =	ssyncset.done $0x0  }
0x1b7: {  	[sflag:s20] =	ssyncadd.s32 $0xFFFFFFB0  }
0x1b8: {  	_ =	swait.ge [sflag:s20], $0x50  }
0x1b9: {  	[sflag:s20] =	ssyncset.done $0x0  }
0x1ba: {  	s17 =	simm.s32 $0x2E40;
	[sflag:s20] =	ssyncadd.s32 $0xFFFFFFB0  }
0x1bb: {  	[tilespmem:s17], [sflag:$0x5] =	stream.indirect.gather [hbm4b:s4+s12], $0x40, s8, s12, $0xb8;
	[tilespmem:$0x16E40] =	vst v63  }
0x1bc: {  	_ =	swait.ge [sflag:s20], $0x50  }
0x1bd: {  	[sflag:s20] =	ssyncset.done $0x0  }
0x1be: {  	[sflag:s20] =	ssyncadd.s32 $0xFFFFFFB0  }
0x1bf: {  	_ =	swait.ge [sflag:s20], $0x50  }
0x1c0: {  	[sflag:s20] =	ssyncset.done $0x0  }
0x1c1: {  	s8 =	simm.s32 $0x4240;
	[sflag:s20] =	ssyncadd.s32 $0xFFFFFFB0  }
0x1c2: {  	[tilespmem:s8], [sflag:$0x6] =	stream.indirect.gather [hbm4b:s4+s12], $0x40, s10, s12, $0xb8;
	[tilespmem:$0x16E40] =	vst v63  }
0x1c3: {  	_ =	swait.ge [sflag:s20], $0x50  }
0x1c4: {  	[sflag:s20] =	ssyncset.done $0x0  }
0x1c5: {  	[sflag:s20] =	ssyncadd.s32 $0xFFFFFFB0  }
0x1c6: {  	_ =	swait.ge [sflag:s20], $0x50  }
0x1c7: {  	[sflag:s20] =	ssyncset.done $0x0  }
0x1c8: {  	s18 =	simm.s32 $0x5640;
	s26 =	simm.s32 $0x3;
	[sflag:s20] =	ssyncadd.s32 $0xFFFFFFB0  }
0x1c9: {  	[tilespmem:s18], [sflag:$0x7] =	stream.indirect.gather [hbm4b:s4+s12], $0x40, s13, s12, $0xb8;
	[tilespmem:$0x16E40] =	vst v63  }
0x1ca: {  	_ =	swait.ge [sflag:s26], $0x1400  }
0x1cb: {  	[sflag:s26] =	ssyncset.done $0x0  }
0x1cc: {  	[sflag:s26] =	ssyncadd.s32 $0xFFFFEC00  }
0x1cd: {  	[spmem:s2] =	stream.indirect.scatter.add.f32 [tilespmem:s5], [sflag:$0xD], $0x40, s6, s12, $0xb8;
	[tilespmem:$0x16E40] =	vst v63  }
0x1ce: {  	s6 =	simm.s32 $0x4  }
0x1cf: {  	_ =	swait.ge [sflag:s6], $0x1400  }
0x1d0: {  	[sflag:s6] =	ssyncset.done $0x0  }
0x1d1: {  	[sflag:s6] =	ssyncadd.s32 $0xFFFFEC00  }
0x1d2: {  	[spmem:s2] =	stream.indirect.scatter.add.f32 [tilespmem:s16], [sflag:$0xD], $0x40, s7, s12, $0xb8;
	[tilespmem:$0x16E40] =	vst v63  }
0x1d3: {  	_ =	swait.ge [sflag:s29], $0x1400  }
0x1d4: {  	[sflag:s29] =	ssyncset.done $0x0  }
0x1d5: {  	[sflag:s29] =	ssyncadd.s32 $0xFFFFEC00  }
0x1d6: {  	[spmem:s2] =	stream.indirect.scatter.add.f32 [tilespmem:s17], [sflag:$0xD], $0x40, s9, s12, $0xb8;
	[tilespmem:$0x16E40] =	vst v63  }
0x1d7: {  	_ =	swait.ge [sflag:s30], $0x1400  }
0x1d8: {  	[sflag:s30] =	ssyncset.done $0x0  }
0x1d9: {  	[sflag:s30] =	ssyncadd.s32 $0xFFFFEC00  }
0x1da: {  	[spmem:s2] =	stream.indirect.scatter.add.f32 [tilespmem:s8], [sflag:$0xD], $0x40, s11, s12, $0xb8;
	[tilespmem:$0x16E40] =	vst v63  }
0x1db: {  	_ =	swait.ge [sflag:s31], $0x1400  }
0x1dc: {  	[sflag:s31] =	ssyncset.done $0x0  }
0x1dd: {  	s5 =	simm.s32 @!p1 $0xE;
	[sflag:s31] =	ssyncadd.s32 $0xFFFFEC00  }
0x1de: {  	[spmem:s2] =	stream.indirect.scatter.add.f32 [tilespmem:s18], [sflag:$0xD], $0x40, s15, s12, $0xb8;
	[tilespmem:$0x16E40] =	vst v63  }
0x1df: {  	_ =	swait.ge @!p1 [sflag:s5], $0x1400  }
0x1e0: {  	[sflag:s5] =	ssyncset.done @!p1 $0x0  }
0x1e1: {  	[sflag:s5] =	ssyncadd.s32 @!p1 $0xFFFFEC00  }
0x1e2: {  	_ =	swait.ge @!p1 [sflag:s5], $0x1400  }
0x1e3: {  	[sflag:s5] =	ssyncset.done @!p1 $0x0  }
0x1e4: {  	[sflag:s5] =	ssyncadd.s32 @!p1 $0xFFFFEC00  }
0x1e5: {  	_ =	swait.ge @!p1 [sflag:s5], $0x1400  }
0x1e6: {  	[sflag:s5] =	ssyncset.done @!p1 $0x0  }
0x1e7: {  	[sflag:s5] =	ssyncadd.s32 @!p1 $0xFFFFEC00  }
0x1e8: {  	_ =	swait.ge @!p1 [sflag:s5], $0x1400  }
0x1e9: {  	[sflag:s5] =	ssyncset.done @!p1 $0x0  }
0x1ea: {  	[sflag:s5] =	ssyncadd.s32 @!p1 $0xFFFFEC00  }
0x1eb: {  	_ =	swait.ge @!p1 [sflag:s5], $0x1400  }
0x1ec: {  	[sflag:s5] =	ssyncset.done @!p1 $0x0  }
0x1ed: {  	s6 =	simm.s32 $0x190;
	s7 =	sadd.s32 $0x32, s1;
	[sflag:s5] =	ssyncadd.s32 @!p1 $0xFFFFEC00  }
0x1ee: {  	[tilespmem:s6], [sflag:$0x2] =	stream.linear.gather [hbm4b:s7+s3], $0x50, $0x38;
	[tilespmem:$0x16E40] =	vst v63  }
0x1ef: {  	s8 =	sadd.s32 $0x32, s0;
	s7 =	simm.s32 $0x4B0  }
0x1f0: {  	[tilespmem:s7], [sflag:$0x2] =	stream.linear.gather [hbm4b:s8+s3], $0x50, $0x38;
	[tilespmem:$0x16E40] =	vst v63  }
0x1f1: {  	s9 =	sadd.s32 $0x3C, s1;
	s8 =	simm.s32 $0x1E0  }
0x1f2: {  	[tilespmem:s8], [sflag:$0x2] =	stream.linear.gather [hbm4b:s9+s3], $0x50, $0x38;
	[tilespmem:$0x16E40] =	vst v63  }
0x1f3: {  	s10 =	sadd.s32 $0x3C, s0;
	s9 =	simm.s32 $0x500  }
0x1f4: {  	[tilespmem:s9], [sflag:$0x2] =	stream.linear.gather [hbm4b:s10+s3], $0x50, $0x38;
	[tilespmem:$0x16E40] =	vst v63  }
0x1f5: {  	s11 =	sadd.s32 $0x46, s1;
	s10 =	simm.s32 $0x230  }
0x1f6: {  	[tilespmem:s10], [sflag:$0x2] =	stream.linear.gather [hbm4b:s11+s3], $0x50, $0x38;
	[tilespmem:$0x16E40] =	vst v63  }
0x1f7: {  	s13 =	sadd.s32 $0x46, s0;
	s11 =	simm.s32 $0x550  }
0x1f8: {  	[tilespmem:s11], [sflag:$0x2] =	stream.linear.gather [hbm4b:s13+s3], $0x50, $0x38;
	[tilespmem:$0x16E40] =	vst v63  }
0x1f9: {  	s16 =	simm.s32 $0x280;
	s15 =	sadd.s32 $0x50, s1  }
0x1fa: {  	[tilespmem:s16], [sflag:$0x2] =	stream.linear.gather [hbm4b:s15+s3], $0x50, $0x38;
	[tilespmem:$0x16E40] =	vst v63  }
0x1fb: {  	s17 =	sadd.s32 $0x50, s0;
	s18 =	simm.s32 $0x5A0  }
0x1fc: {  	[tilespmem:s18], [sflag:$0x2] =	stream.linear.gather [hbm4b:s17+s3], $0x50, $0x38;
	[tilespmem:$0x16E40] =	vst v63  }
0x1fd: {  	s26 =	simm.s32 $0x2D0;
	s1 =	sadd.s32 $0x5A, s1  }
0x1fe: {  	[tilespmem:s26], [sflag:$0x2] =	stream.linear.gather [hbm4b:s1+s3], $0x50, $0x38;
	[tilespmem:$0x16E40] =	vst v63  }
0x1ff: {  	s0 =	sadd.s32 $0x5A, s0  }
0x200: {  	[tilespmem:s19], [sflag:$0x2] =	stream.linear.gather [hbm4b:s0+s3], $0x50, $0x38;
	[tilespmem:$0x16E40] =	vst v63  }
0x201: {  	_ =	swait.ge [sflag:s14], $0x50  }
0x202: {  	[sflag:s14] =	ssyncset.done $0x0  }
0x203: {  	[sflag:s14] =	ssyncadd.s32 $0xFFFFFFB0  }
0x204: {  	_ =	swait.ge [sflag:s14], $0x50  }
0x205: {  	[sflag:s14] =	ssyncset.done $0x0  }
0x206: {  	s1 =	simm.s32 $0x6A40;
	[sflag:s14] =	ssyncadd.s32 $0xFFFFFFB0  }
0x207: {  	[tilespmem:s1], [sflag:$0x8] =	stream.indirect.gather [hbm4b:s4+s12], $0x40, s6, s12, $0xb8;
	[tilespmem:$0x16E40] =	vst v63  }
0x208: {  	_ =	swait.ge [sflag:s14], $0x50  }
0x209: {  	[sflag:s14] =	ssyncset.done $0x0  }
0x20a: {  	[sflag:s14] =	ssyncadd.s32 $0xFFFFFFB0  }
0x20b: {  	_ =	swait.ge [sflag:s14], $0x50  }
0x20c: {  	[sflag:s14] =	ssyncset.done $0x0  }
0x20d: {  	s6 =	simm.s32 $0x7E40;
	[sflag:s14] =	ssyncadd.s32 $0xFFFFFFB0  }
0x20e: {  	[tilespmem:s6], [sflag:$0x9] =	stream.indirect.gather [hbm4b:s4+s12], $0x40, s8, s12, $0xb8;
	[tilespmem:$0x16E40] =	vst v63  }
0x20f: {  	_ =	swait.ge [sflag:s14], $0x50  }
0x210: {  	[sflag:s14] =	ssyncset.done $0x0  }
0x211: {  	[sflag:s14] =	ssyncadd.s32 $0xFFFFFFB0  }
0x212: {  	_ =	swait.ge [sflag:s14], $0x50  }
0x213: {  	[sflag:s14] =	ssyncset.done $0x0  }
0x214: {  	s8 =	simm.s32 $0x9240;
	[sflag:s14] =	ssyncadd.s32 $0xFFFFFFB0  }
0x215: {  	[tilespmem:s8], [sflag:$0xA] =	stream.indirect.gather [hbm4b:s4+s12], $0x40, s10, s12, $0xb8;
	[tilespmem:$0x16E40] =	vst v63  }
0x216: {  	_ =	swait.ge [sflag:s14], $0x50  }
0x217: {  	[sflag:s14] =	ssyncset.done $0x0  }
0x218: {  	[sflag:s14] =	ssyncadd.s32 $0xFFFFFFB0  }
0x219: {  	_ =	swait.ge [sflag:s14], $0x50  }
0x21a: {  	[sflag:s14] =	ssyncset.done $0x0  }
0x21b: {  	s10 =	simm.s32 $0xA640;
	[sflag:s14] =	ssyncadd.s32 $0xFFFFFFB0  }
0x21c: {  	[tilespmem:s10], [sflag:$0xB] =	stream.indirect.gather [hbm4b:s4+s12], $0x40, s16, s12, $0xb8;
	[tilespmem:$0x16E40] =	vst v63  }
0x21d: {  	_ =	swait.ge [sflag:s14], $0x50  }
0x21e: {  	[sflag:s14] =	ssyncset.done $0x0  }
0x21f: {  	[sflag:s14] =	ssyncadd.s32 $0xFFFFFFB0  }
0x220: {  	_ =	swait.ge [sflag:s14], $0x50  }
0x221: {  	[sflag:s14] =	ssyncset.done $0x0  }
0x222: {  	[sflag:s14] =	ssyncadd.s32 $0xFFFFFFB0  }
0x223: {  	[tilespmem:s28], [sflag:$0xC] =	stream.indirect.gather [hbm4b:s4+s12], $0x40, s26, s12, $0xb8;
	[tilespmem:$0x16E40] =	vst v63  }
0x224: {  	_ =	swait.ge [sflag:s21], $0x1400  }
0x225: {  	[sflag:s21] =	ssyncset.done $0x0  }
0x226: {  	[sflag:s21] =	ssyncadd.s32 $0xFFFFEC00  }
0x227: {  	[spmem:s2] =	stream.indirect.scatter.add.f32 [tilespmem:s1], [sflag:$0xE], $0x40, s7, s12, $0xb8;
	[tilespmem:$0x16E40] =	vst v63  }
0x228: {  	_ =	swait.ge [sflag:s22], $0x1400  }
0x229: {  	[sflag:s22] =	ssyncset.done $0x0  }
0x22a: {  	[sflag:s22] =	ssyncadd.s32 $0xFFFFEC00  }
0x22b: {  	[spmem:s2] =	stream.indirect.scatter.add.f32 [tilespmem:s6], [sflag:$0xE], $0x40, s9, s12, $0xb8;
	[tilespmem:$0x16E40] =	vst v63  }
0x22c: {  	_ =	swait.ge [sflag:s23], $0x1400  }
0x22d: {  	[sflag:s23] =	ssyncset.done $0x0  }
0x22e: {  	[sflag:s23] =	ssyncadd.s32 $0xFFFFEC00  }
0x22f: {  	[spmem:s2] =	stream.indirect.scatter.add.f32 [tilespmem:s8], [sflag:$0xE], $0x40, s11, s12, $0xb8;
	[tilespmem:$0x16E40] =	vst v63  }
0x230: {  	_ =	swait.ge [sflag:s24], $0x1400  }
0x231: {  	[sflag:s24] =	ssyncset.done $0x0  }
0x232: {  	[sflag:s24] =	ssyncadd.s32 $0xFFFFEC00  }
0x233: {  	[spmem:s2] =	stream.indirect.scatter.add.f32 [tilespmem:s10], [sflag:$0xE], $0x40, s18, s12, $0xb8;
	[tilespmem:$0x16E40] =	vst v63  }
0x234: {  	_ =	swait.ge [sflag:s25], $0x1400  }
0x235: {  	[sflag:s25] =	ssyncset.done $0x0  }
0x236: {  	s15 =	simm.s32 $0xD;
	[sflag:s25] =	ssyncadd.s32 $0xFFFFEC00  }
0x237: {  	[spmem:s2] =	stream.indirect.scatter.add.f32 [tilespmem:s28], [sflag:$0xE], $0x40, s19, s12, $0xb8;
	[tilespmem:$0x16E40] =	vst v63  }
0x238: {  	_ =	swait.ge [sflag:s15], $0x1400  }
0x239: {  	[sflag:s15] =	ssyncset.done $0x0  }
0x23a: {  	[sflag:s15] =	ssyncadd.s32 $0xFFFFEC00  }
0x23b: {  	_ =	swait.ge [sflag:s15], $0x1400  }
0x23c: {  	[sflag:s15] =	ssyncset.done $0x0  }
0x23d: {  	[sflag:s15] =	ssyncadd.s32 $0xFFFFEC00  }
0x23e: {  	_ =	swait.ge [sflag:s15], $0x1400  }
0x23f: {  	[sflag:s15] =	ssyncset.done $0x0  }
0x240: {  	[sflag:s15] =	ssyncadd.s32 $0xFFFFEC00  }
0x241: {  	_ =	swait.ge [sflag:s15], $0x1400  }
0x242: {  	[sflag:s15] =	ssyncset.done $0x0  }
0x243: {  	[sflag:s15] =	ssyncadd.s32 $0xFFFFEC00  }
0x244: {  	_ =	swait.ge [sflag:s15], $0x1400  }
0x245: {  	[sflag:s15] =	ssyncset.done $0x0  }
0x246: {  	s16 =	simm.s32 $0xE;
	[sflag:s15] =	ssyncadd.s32 $0xFFFFEC00  }
0x247: {  	_ =	swait.ge [sflag:s16], $0x1400  }
0x248: {  	[sflag:s16] =	ssyncset.done $0x0  }
0x249: {  	[sflag:s16] =	ssyncadd.s32 $0xFFFFEC00  }
0x24a: {  	_ =	swait.ge [sflag:s16], $0x1400  }
0x24b: {  	[sflag:s16] =	ssyncset.done $0x0  }
0x24c: {  	[sflag:s16] =	ssyncadd.s32 $0xFFFFEC00  }
0x24d: {  	_ =	swait.ge [sflag:s16], $0x1400  }
0x24e: {  	[sflag:s16] =	ssyncset.done $0x0  }
0x24f: {  	[sflag:s16] =	ssyncadd.s32 $0xFFFFEC00  }
0x250: {  	_ =	swait.ge [sflag:s16], $0x1400  }
0x251: {  	[sflag:s16] =	ssyncset.done $0x0  }
0x252: {  	[sflag:s16] =	ssyncadd.s32 $0xFFFFEC00  }
0x253: {  	_ =	swait.ge [sflag:s16], $0x1400  }
0x254: {  	[sflag:s16] =	ssyncset.done $0x0  }
0x255: {  	[sflag:s16] =	ssyncadd.s32 $0xFFFFEC00  }
0x256: {  	[bflag:$0x0] =	sbarrier.arrive $0xFFFF  }
0x257: {  	s1 =	rddreg [dreg:$0x7]  }
0x258: {  	s17 =	rddreg [dreg:$0x8]  }
0x259: {  	s6 =	simm.s32 $0xF;
	s5 =	rddreg [dreg:$0xa]  }
0x25a: {  	[hbm:s17], [sflag:s1] =	dma.local [spmem:s5], $0x1400  }
0x25b: {  	_ =	swait.ge [sflag:s6], $0x1400  }
0x25c: {  	s19 =	rddreg [dreg:$0xb]  }
0x25d: {  	s28 =	rddreg [dreg:$0x9];
	s7 =	sadd.s32 $0x1, s19  }
0x25e: {  	p0 =	sne.s32 s7, s28  }
.Ltmp1:
0x25f: {  	_ = 	snop;
	(pc) =	sbr.rel @p0 .LBB2_1-.Ltmp1, $3  }
0x260: {  	_ =	sdelay $0x1  }
0x261: {  	[sflag:s6] =	ssyncset.done $0x0  }
0x262: {  	s26 =	simm.s32 $0xBA40;
	s18 =	simm.s32 $0x5F0;
	[sflag:s6] =	ssyncadd.s32 $0xFFFFEC00  }
0x263: {  	_ =	sfence.sel $0x180000  }
0x264: {  	[bflag:$0x0] =	sbarrier.arrive $0xFFFF  }
0x265: {  	_ =	strace $0x9000004A  }
0x266: {  	s0 =	stileid.u32;
	[bflag:$0x2] =	sbarrier.arrive $0xFFFF  }
0x267: {  	p0 =	sne.s32 s0, $0x0;
	s0 =	rddreg [dreg:$0x3]  }
0x268: {  	s0 =	sadd.s32 @!p0 $0x100000, s0  }
0x269: {  	[sflag:s0] =	ssyncadd.tile.s32 @!p0 $0x1;
	_ =	shalt  }
.Lfunc_end2:
_tile_overlayer_lowered:
.L_overlay_start_2:
0x26a: {  	(tag) =	ssettag $0x2  }
0x26b: {  	s0 =	rddreg [dreg:$0x0];
	s2 =	stileid.u32  }
0x26c: {  	s1 =	rddreg [dreg:$0x1];
	p0 =	sne.s32 s2, $0x0  }
0x26d: {  	s3 =	rddreg [dreg:$0x2];
	[bflag:$0x3] =	sbarrier.arrive $0xFFFF;
	s2 =	simm.s32 @!p0 $0x1C0F  }
0x26e: {  	[timem:s3], [sflag:s2] =	dma.local @!p0 [hbm:s0], s1  }
0x26f: {  	s0 =	simm.s32 @!p0 $0xF  }
0x270: {  	_ =	swait.ge @!p0 [sflag:s0], s1  }
0x271: {  	s1 =	ssub.s32 @!p0 $0x0, s1;
	[sflag:s0] =	ssyncset.done @!p0 $0x0  }
0x272: {  	[sflag:s0] =	ssyncadd.s32 @!p0 s1  }
0x273: {  	[bflag:$0x3] =	sbarrier.arrive $0xFFFF  }
0x274: {  	_ =	shalt  }

// kernel: kernel.7.cloned.1.call-start
scs
__scs_entry_jumppad:
0x0: {  	(pc) =	sbr.rel $0x88, $3  }
0x1: {  	(tag) =	ssettag $0x0;
	lr =	simm.s32 $0x1  }
0x2: {  	[smem:$0x3F9B] =	sst lr;
	_ =	strace $0xD0000000  }
0x3: {  	_ = 	snop  }
0x4: {  	_ = 	snop  }
0x5: {  	_ = 	snop  }
0x6: {  	_ = 	snop  }
0x7: {  	_ = 	snop  }
__scs_overlays_trampoline_lowered:
0x8: {  	[smem:$0x3FAA] =	sst s0  }
0x9: {  	[smem:$0x3FAB] =	sst s1  }
0xa: {  	[smem:$0x3FAC] =	sst s2  }
0xb: {  	[smem:$0x3FAD] =	sst s3  }
0xc: {  	[smem:$0x3FAE] =	sst s4  }
0xd: {  	[smem:$0x3FAF] =	sst s5  }
0xe: {  	[smem:$0x3FB0] =	sst s6  }
0xf: {  	[smem:$0x3FB1] =	sst s7  }
0x10: {  	[smem:$0x3FB2] =	sst s8  }
0x11: {  	[smem:$0x3FB3] =	sst s9;
	s0 =	simm.s32 @!p0 $0x0  }
0x12: {  	s1 =	sld [smem:$0x3F99];
	s0 =	simm.s32 @p0 $0x1  }
0x13: {  	[smem:$0x3FB4] =	sst s0;
	s0 =	simm.s32 @!p1 $0x0  }
0x14: {  	s2 =	sld [smem:$0x3F98];
	s0 =	simm.s32 @p1 $0x1  }
0x15: {  	[smem:$0x3FB5] =	sst s0;
	s0 =	simm.s32 @!p2 $0x0  }
0x16: {  	s3 =	sld [smem:$0x3FDB];
	s0 =	simm.s32 @p2 $0x1  }
0x17: {  	s4 =	simm.s32 $0x1BF5;
	[smem:$0x3FB7] =	sst s0  }
0x18: {  	s0 =	sld [smem:$0x3F9A];
	_ =	swait.ge [sflag:s4], $0x0  }
0x19: {  	s7 =	sld [smem:$0x3F9B]  }
0x1a: {  	s8 =	sadd.s32 $0xFFFFE003, lr  }
0x1b: {  	s9 =	sadd.s32 $0xFFFFFEF7, lr;
	s5 =	simm.s32 $0xFFFFFFFF;
	p2 =	slt.u32 s8, $0xFFFFF086  }
0x1c: {  	p1 =	slt.u32 s9, $0xF7A;
	s5 =	simm.s32 @!p2 $0x0  }
0x1d: {  	s5 =	simm.s32 @p1 $0x1;
	p0 =	seq.s32 s7, s2  }
0x1e: {  	s7 =	smul.u32 @!p0 $0xF7A, s2;
	p2 =	seq.s32 @!p0 s5, $0x0  }
0x1f: {  	s9 =	smul.u32 $0xF7A, s1;
	s8 =	simm.s32 @!p0 $0x1BF5;
	p2 =	por !p2, p0  }
0x20: {  	[sflag:s8] =	ssyncset.s32 @!p0 $0xFFFFF086;
	s6 =	sadd.s32 @!p0 s3, s7;
	s7 =	simm.s32 @!p0 $0x108  }
0x21: {  	s3 =	sadd.s32 s3, s9;
	s6 =	sadd.s32 @!p0 $0x88, s6;
	s7 =	simm.s32 @p2 $0x1082  }
0x22: {  	[simem:s7], [sflag:s8] =	dma.local @!p0 [hbm:s6], $0xF7A  }
0x23: {  	s9 =	sor.u32 $0xD0000000, s2;
	s6 =	simm.s32 $0x108;
	_ =	swait.ge @!p0 [sflag:s8], $0x0  }
0x24: {  	s3 =	sadd.s32 $0x88, s3;
	s6 =	simm.s32 @!p1 $0x1082;
	[sflag:s4] =	ssyncset.s32 $0xFFFFF086  }
0x25: {  	[simem:s6], [sflag:s4] =	dma.local [hbm:s3], $0xF7A  }
0x26: {  	[smem:$0x3F9B] =	sst s1;
	(tag) =	ssettag s2;
	_ =	strace s9  }
0x27: {  	s1 =	sld [smem:$0x3FAB]  }
0x28: {  	s2 =	sld [smem:$0x3FAC]  }
0x29: {  	s4 =	sld [smem:$0x3FAE]  }
0x2a: {  	p0 =	seq.s32 s5, $0x0;
	s5 =	sld [smem:$0x3FAF]  }
0x2b: {  	s6 =	sld [smem:$0x3FB0]  }
0x2c: {  	s7 =	sld [smem:$0x3FB1]  }
0x2d: {  	s3 =	simm.s32 $0x108;
	s8 =	sld [smem:$0x3FB2]  }
0x2e: {  	s3 =	simm.s32 @!p0 $0x1082;
	s9 =	sld [smem:$0x3FB3]  }
0x2f: {  	lr =	sadd.s32 s0, s3;
	s0 =	sld [smem:$0x3FAA]  }
0x30: {  	s3 =	sld [smem:$0x3FAD]  }
0x31: {  	[smem:$0x3FB6] =	sst s10  }
0x32: {  	s10 =	sld [smem:$0x3FB4];
	_ =	sdelay $0x3  }
0x33: {  	p0 =	seq.s32 s10, $0x1;
	s10 =	sld [smem:$0x3FB6];
	_ =	sdelay $0x3  }
0x34: {  	[smem:$0x3FB6] =	sst s10  }
0x35: {  	s10 =	sld [smem:$0x3FB5];
	_ =	sdelay $0x3  }
0x36: {  	p1 =	seq.s32 s10, $0x1;
	s10 =	sld [smem:$0x3FB6];
	_ =	sdelay $0x3  }
0x37: {  	[smem:$0x3FB6] =	sst s10  }
0x38: {  	s10 =	sld [smem:$0x3FB7]  }
0x39: {  	_ = 	snop;
	(pc) =	sbr.ind lr, $3  }
0x3a: {  	_ = 	snop  }
0x3b: {  	_ = 	snop  }
0x3c: {  	p2 =	seq.s32 s10, $0x1;
	s10 =	sld [smem:$0x3FB6]  }
0x3d: {  	_ =	shalt  }
0x3e: {  	_ =	shalt  }
0x3f: {  	_ =	shalt  }
0x40: {  	_ =	shalt  }
0x41: {  	_ =	shalt  }
0x42: {  	_ =	shalt  }
0x43: {  	_ =	shalt  }
0x44: {  	_ =	shalt  }
0x45: {  	_ =	shalt  }
0x46: {  	_ =	shalt  }
0x47: {  	_ =	shalt  }
0x48: {  	_ =	shalt  }
0x49: {  	_ =	shalt  }
0x4a: {  	_ =	shalt  }
0x4b: {  	_ =	shalt  }
0x4c: {  	_ =	shalt  }
0x4d: {  	_ =	shalt  }
0x4e: {  	_ =	shalt  }
0x4f: {  	_ =	shalt  }
0x50: {  	_ =	shalt  }
0x51: {  	_ =	shalt  }
0x52: {  	_ =	shalt  }
0x53: {  	_ =	shalt  }
0x54: {  	_ =	shalt  }
0x55: {  	_ =	shalt  }
0x56: {  	_ =	shalt  }
0x57: {  	_ =	shalt  }
0x58: {  	_ =	shalt  }
0x59: {  	_ =	shalt  }
0x5a: {  	_ =	shalt  }
0x5b: {  	_ =	shalt  }
0x5c: {  	_ =	shalt  }
0x5d: {  	_ =	shalt  }
0x5e: {  	_ =	shalt  }
0x5f: {  	_ =	shalt  }
0x60: {  	_ =	shalt  }
0x61: {  	_ =	shalt  }
0x62: {  	_ =	shalt  }
0x63: {  	_ =	shalt  }
0x64: {  	_ =	shalt  }
0x65: {  	_ =	shalt  }
0x66: {  	_ =	shalt  }
0x67: {  	_ =	shalt  }
0x68: {  	_ =	shalt  }
0x69: {  	_ =	shalt  }
0x6a: {  	_ =	shalt  }
0x6b: {  	_ =	shalt  }
0x6c: {  	_ =	shalt  }
0x6d: {  	_ =	shalt  }
0x6e: {  	_ =	shalt  }
0x6f: {  	_ =	shalt  }
0x70: {  	_ =	shalt  }
0x71: {  	_ =	shalt  }
0x72: {  	_ =	shalt  }
0x73: {  	_ =	shalt  }
0x74: {  	_ =	shalt  }
0x75: {  	_ =	shalt  }
0x76: {  	_ =	shalt  }
0x77: {  	_ =	shalt  }
0x78: {  	_ =	shalt  }
0x79: {  	_ =	shalt  }
0x7a: {  	_ =	shalt  }
0x7b: {  	_ =	shalt  }
0x7c: {  	_ =	shalt  }
0x7d: {  	_ =	shalt  }
0x7e: {  	_ =	shalt  }
0x7f: {  	_ =	shalt  }
0x80: {  	_ =	shalt  }
0x81: {  	_ =	shalt  }
0x82: {  	_ =	shalt  }
0x83: {  	_ =	shalt  }
0x84: {  	_ =	shalt  }
0x85: {  	_ =	shalt  }
0x86: {  	_ =	shalt  }
0x87: {  	_ =	shalt  }
.Lfunc_end0:
.L_simem_size_0:
called_computation_lowered:
.L_overlay_start_0:
0x88: {  	s2 =	sld [smem:$0x3FD9]  }
0x89: {  	s3 =	sld [smem:$0x3FFE];
	_ =	sdelay $0x1  }
0x8a: {  	s1 =	srdreg.scid  }
0x8b: {  	s0 =	sand.u32 $0x1, s1  }
0x8c: {  	s17 =	sshll.u32 s0, $0xA;
	s2 =	sadd.s32 s3, s2  }
0x8d: {  	s2 =	sadd.s32 s2, s17  }
0x8e: {  	[smem:$0x3FC2] =	sst s2  }
0x8f: {  	_ = 	snop  }
0x90: {  	s2 =	sld [smem:$0x3FD0];
	(tm) =	ssettm $0x1  }
0x91: {  	s18 =	sld [smem:$0x3FFB];
	_ =	sdelay $0x3  }
0x92: {  	_ =	strace s18  }
0x93: {  	s3 =	sld [smem:$0x3FFC];
	_ =	sdelay $0x3  }
0x94: {  	_ =	strace s3  }
0x95: {  	s3 =	sld [smem:$0x3FFD];
	_ =	sdelay $0x3  }
0x96: {  	_ =	strace s3  }
0x97: {  	_ =	strace $0x8FFFFFFF  }
0x98: {  	s19 =	sld [smem:$0x3FDB];
	_ =	sdelay $0x1  }
0x99: {  	s4 =	simm.s32 $_scs_section_size  }
0x9a: {  	s5 =	simm.s32 $_size__tile_overlayer_lowered;
	s6 =	simm.s32 $_tile_overlayer_lowered  }
0x9b: {  	s22 =	simm.s32 $0x1BFF;
	s21 =	sshll.u32 s6, $0x1;
	s3 =	sadd.s32 s4, s19  }
0x9c: {  	s7 =	simm.s32 $0x0;
	s20 =	sshll.u32 s5, $0x1;
	s5 =	sadd.s32 s21, s3  }
0x9d: {  	[timem:s7], [sflag:s22] =	dma.local [hbm:s5], s20  }
0x9e: {  	_ =	swait.ge [sflag:s22], s20  }
0x9f: {  	s4 =	ssub.s32 $0x0, s20;
	[sflag:s22] =	ssyncset.done $0x0  }
0xa0: {  	[sflag:s22] =	ssyncadd.s32 s4;
	_ =	sdelay $0x1  }
0xa1: {  	s23 =	simm.s32 $0x1B8B  }
0xa2: {  	_ =	swait.ge [sflag:s23], $0x1  }
0xa3: {  	[sflag:s23] =	ssyncset.done $0x0  }
0xa4: {  	s25 =	simm.s32 $0x1B8E;
	s24 =	sld [smem:$0x3FFE];
	[sflag:s23] =	ssyncadd.s32 $0xFFFFFFFF  }
0xa5: {  	s26 =	simm.s32 $execute0_lowered;
	[smem:$0x3FD2] =	sst s25  }
0xa6: {  	s5 =	sshll.u32 s26, $0x1;
	_ =	strace $0x80000046;
	[dreg:$0x1] =	wrdreg $0xFFFFFFFF  }
0xa7: {  	s28 =	simm.s32 $_size_execute0_lowered;
	s3 =	sadd.s32 s3, s5;
	[dreg:$0x0] =	wrdreg $0x0  }
0xa8: {  	s5 =	sshll.u32 s28, $0x1;
	[dreg:$0x2] =	wrdreg s3  }
0xa9: {  	[dreg:$0x3] =	wrdreg s5  }
0xaa: {  	[dreg:$0x4] =	wrdreg $0xC0  }
0xab: {  	_ =	task [dreg:s7], $0x5FFFF  }
0xac: {  	[dreg:$0x1] =	wrdreg $0xFFFFFFFF  }
0xad: {  	[dreg:$0x0] =	wrdreg $0x60  }
0xae: {  	[dreg:$0x2] =	wrdreg s2  }
0xaf: {  	[dreg:$0x3] =	wrdreg s24  }
0xb0: {  	[dreg:$0x4] =	wrdreg $0xCE400  }
0xb1: {  	[dreg:$0x5] =	wrdreg $0x9  }
0xb2: {  	_ =	task.clear_ibuf [dreg:s7], $0x6FFFF;
	_ =	strace $0x90000046  }
0xb3: {  	s29 =	simm.s32 $0x9;
	_ =	strace $0x80000048  }
0xb4: {  	_ =	swait.ge [sflag:s29], $0x1  }
0xb5: {  	[sflag:s29] =	ssyncadd.s32 $0xFFFFFFFF  }
0xb6: {  	_ =	strace $0x90000048  }
0xb7: {  	_ =	sfence  }
0xb8: {  	s30 =	sld [smem:$0x0];
	_ =	sdelay $0x2  }
0xb9: {  	s31 =	sshll.u32 s1, $0xD;
	s1 =	sshrl.u32 s1, $0x2  }
0xba: {  	s3 =	sand.u32 $0x4000, s31;
	s1 =	sadd.s32 s1, s30  }
0xbb: {  	s0 =	sor.u32 s3, s0;
	s1 =	sshll.u32 s1, $0x11  }
0xbc: {  	s0 =	sor.u32 s1, s0  }
0xbd: {  	s0 =	sadd.s32 $0x8F2B, s0  }
0xbe: {  	[sflag:s0] =	ssyncadd.remote.s32 $0x1  }
0xbf: {  	_ =	sfence.sel $0xFFFF  }
0xc0: {  	[dreg:$0x0] =	wrdreg $0xFFFFFFFF;
	(pc) =	sbr.abs _section_cstart, $3  }
0xc1: {  	[dreg:$0x1] =	wrdreg $0xFFFFFFFF  }
0xc2: {  	_ =	task.clear_ibuf [dreg:s7], $0x2FFFF;
	_ =	strace $0x9FFFFFFF  }
0xc3: {  	(tm) =	ssettm $0x7FFFFFFF  }
tec
execute0_lowered:
.L_overlay_start_1:
0x0: {  	(tag) =	ssettag $0x1  }
0x1: {  	s18 =	rddreg [dreg:$0x0]  }
0x2: {  	s0 =	rddreg [dreg:$0x1]  }
0x3: {  	s3 =	rddreg [dreg:$0x2]  }
0x4: {  	s10 =	stileid.u32;
	s2 =	srdreg.scid  }
0x5: {  	s4 =	simm.s32 $0x0;
	s17 =	simm.s32 $0x320;
	s19 =	simm.s32 $0x3C0  }
0x6: {  	s20 =	simm.s32 $0x140;
	s21 =	simm.s32 $0x640;
	s22 =	simm.s32 $0x2E40  }
0x7: {  	s23 =	simm.s32 $0x5640;
	[smem:$0x7FF] =	sst s4;
	s9 =	sadd.s32 $0x28A00, s0  }
0x8: {  	s24 =	simm.s32 $0x4B0;
	_ =	strace $0x80000047;
	[dreg:$0x12] =	wrdreg s9  }
0x9: {  	s25 =	simm.s32 $0x550;
	s26 =	simm.s32 $0x2D0;
	[dreg:$0x6] =	wrdreg s17  }
0xa: {  	s28 =	simm.s32 $0x6A40;
	s29 =	simm.s32 $0x9240;
	[dreg:$0x7] =	wrdreg s19  }
0xb: {  	s30 =	simm.s32 $0xBA40;
	s31 =	simm.s32 $0x4240;
	[dreg:$0x8] =	wrdreg s20  }
0xc: {  	s1 =	smul.u32 $0x9C4, s10;
	s2 =	sand.u32 $0x1, s2;
	[dreg:$0x9] =	wrdreg s21  }
0xd: {  	s6 =	smul.u32 $0xA000, s10;
	s5 =	sadd.s32 $0x15000, s0;
	[dreg:$0xa] =	wrdreg s22  }
0xe: {  	s8 =	smul.u32 $0x500, s10;
	s13 =	sshll.u32 s10, $0x6;
	[dreg:$0xb] =	wrdreg s23  }
0xf: {  	s10 =	simm.s32 $0xC;
	s7 =	smul.u32 $0xA0000, s2;
	[dreg:$0xc] =	wrdreg s24  }
0x10: {  	s11 =	ssub.s32 $0x2, s2;
	p0 =	seq.s32 s2, $0x0;
	[dreg:$0xd] =	wrdreg s25  }
0x11: {  	s17 =	simm.s32 $0x370;
	s19 =	simm.s32 $0xA0;
	[dreg:$0xe] =	wrdreg s26  }
0x12: {  	s21 =	simm.s32 $0xF0;
	s20 =	simm.s32 $0x1;
	[dreg:$0xf] =	wrdreg s28  }
0x13: {  	[dreg:$0x10] =	wrdreg s29;
	s23 =	simm.s32 $0x5;
	s24 =	simm.s32 $0x7  }
0x14: {  	[dreg:$0x11] =	wrdreg s30;
	s9 =	simm.s32 $0xA;
	s22 =	simm.s32 $0x5F0  }
0x15: {  	s25 =	simm.s32 $0x7E40;
	s26 =	simm.s32 $0xA640;
	s1 =	sadd.s32 s1, s0  }
0x16: {  	s12 =	sshrl.u32 s11, $0x1;
	s7 =	sadd.s32 s6, s7;
	s15 =	sadd.s32 $0x1400, s1  }
0x17: {  	s6 =	sadd.s32 s6, s3;
	s16 =	sadd.s32 $0xB200, s1;
	[dreg:$0x4] =	wrdreg s15  }
0x18: {  	s1 =	simm.s32 $0x2;
	s7 =	sshrl.u32 s7, $0x3;
	[dreg:$0x5] =	wrdreg s16  }
0x19: {  	s15 =	sshrl.u32 s6, $0x3;
	s16 =	simm.s32 $0xF;
	s6 =	simm.s32 $0x280  }
0x1a: {  	s7 =	sadd.s32 s7, s0;
	s0 =	sadd.s32 s8, s0;
	s8 =	ssub.s32 s11, s12  }
0x1b: {  	s12 =	sor.u32 $0x1C0F, s13;
	s11 =	smov.u32 s5;
	[dreg:$0x17] =	wrdreg s15  }
0x1c: {  	s7 =	sadd.s32 $0x29E00, s7;
	s0 =	sadd.s32 $0x51E00, s0;
	[dreg:$0x13] =	wrdreg s12  }
0x1d: {  	s14 =	smax.u32 s8, $0x1;
	s11 =	smov.u32 @p0 s18;
	[dreg:$0x14] =	wrdreg s7  }
0x1e: {  	p0 =	sne.s32 s2, $0x0;
	s8 =	simm.s32 $0x5A0;
	[dreg:$0x15] =	wrdreg s0  }
0x1f: {  	v0 =	vimm.f32 $0.0e+00;
	[dreg:$0x16] =	wrdreg s14;
	s14 =	simm.s32 $0x50;
	s0 =	simm.s32 $0x0  }
.LBB2_1:
0x20: {  	[dreg:$0x18] =	wrdreg s0  }
0x21: {  	s2 =	rddreg [dreg:$0x12]  }
0x22: {  	[spmem:s15], [sflag:s12] =	dma.local [hbm:s2], $0x1400  }
0x23: {  	_ =	swait.ge [sflag:s16], $0x1400  }
0x24: {  	[sflag:s16] =	ssyncset.done $0x0  }
0x25: {  	s7 =	simm.s32 $0x0;
	s2 =	simm.s32 $0x40;
	[sflag:s16] =	ssyncadd.s32 $0xFFFFEC00  }
.LBB2_2:
0x26: {  	p1 =	sne.s32 s2, $0x9FC0;
	[tilespmem:s7+$0x16E40] =	vst v0;
	s7 =	smov.u32 s2;
	s2 =	sadd.s32 $0x40, s2  }
.Ltmp0:
0x27: {  	(pc) =	sbr.rel @p1 .LBB2_2-.Ltmp0, $2  }
0x28: {  	_ =	sdelay $0x2  }
0x29: {  	s7 =	sshra.s32 s7, $0x2  }
0x2a: {  	[tilespmem:s7+$0x16E40] =	vst v0  }
0x2b: {  	s13 =	simm.s32 $0x0;
	s0 =	simm.s32 $0x230;
	[bflag:$0x0] =	sbarrier.arrive $0xFFFF  }
.LBB2_4:
0x2c: {  	p1 =	seq.s32 s13, $0x0  }
0x2d: {  	s2 =	simm.s32 @!p1 $0xD  }
0x2e: {  	_ =	swait.ge @!p1 [sflag:s2], $0x1400  }
0x2f: {  	[sflag:s2] =	ssyncset.done @!p1 $0x0  }
0x30: {  	[sflag:s2] =	ssyncadd.s32 @!p1 $0xFFFFEC00  }
0x31: {  	_ =	swait.ge @!p1 [sflag:s2], $0x1400  }
0x32: {  	[sflag:s2] =	ssyncset.done @!p1 $0x0  }
0x33: {  	[sflag:s2] =	ssyncadd.s32 @!p1 $0xFFFFEC00  }
0x34: {  	_ =	swait.ge @!p1 [sflag:s2], $0x1400  }
0x35: {  	[sflag:s2] =	ssyncset.done @!p1 $0x0  }
0x36: {  	[sflag:s2] =	ssyncadd.s32 @!p1 $0xFFFFEC00  }
0x37: {  	_ =	swait.ge @!p1 [sflag:s2], $0x1400  }
0x38: {  	[sflag:s2] =	ssyncset.done @!p1 $0x0  }
0x39: {  	[sflag:s2] =	ssyncadd.s32 @!p1 $0xFFFFEC00  }
0x3a: {  	_ =	swait.ge @!p1 [sflag:s2], $0x1400  }
0x3b: {  	s7 =	rddreg [dreg:$0x5];
	[sflag:s2] =	ssyncset.done @!p1 $0x0  }
0x3c: {  	s12 =	rddreg [dreg:$0x4];
	[sflag:s2] =	ssyncadd.s32 @!p1 $0xFFFFEC00;
	s15 =	sadd.s32 s13, s7  }
0x3d: {  	[tilespmem:s4], [sflag:$0x1] =	stream.linear.gather [hbm4b:s15+s4], $0x50, $0x38;
	[tilespmem:$0x19640] =	vst v63  }
0x3e: {  	s30 =	rddreg [dreg:$0x6];
	s16 =	sadd.s32 s13, s12  }
0x3f: {  	[tilespmem:s30], [sflag:$0x1] =	stream.linear.gather [hbm4b:s16+s4], $0x50, $0x38;
	[tilespmem:$0x19640] =	vst v63  }
0x40: {  	s7 =	sadd.s32 $0xA, s15  }
0x41: {  	[tilespmem:s14], [sflag:$0x1] =	stream.linear.gather [hbm4b:s7+s4], $0x50, $0x38;
	[tilespmem:$0x19640] =	vst v63  }
0x42: {  	s12 =	sadd.s32 $0xA, s16  }
0x43: {  	[tilespmem:s17], [sflag:$0x1] =	stream.linear.gather [hbm4b:s12+s4], $0x50, $0x38;
	[tilespmem:$0x19640] =	vst v63  }
0x44: {  	s28 =	sadd.s32 $0x14, s15  }
0x45: {  	[tilespmem:s19], [sflag:$0x1] =	stream.linear.gather [hbm4b:s28+s4], $0x50, $0x38;
	[tilespmem:$0x19640] =	vst v63  }
0x46: {  	s29 =	rddreg [dreg:$0x7];
	s30 =	sadd.s32 $0x14, s16  }
0x47: {  	[tilespmem:s29], [sflag:$0x1] =	stream.linear.gather [hbm4b:s30+s4], $0x50, $0x38;
	[tilespmem:$0x19640] =	vst v63  }
0x48: {  	s12 =	sadd.s32 $0x1E, s15  }
0x49: {  	[tilespmem:s21], [sflag:$0x1] =	stream.linear.gather [hbm4b:s12+s4], $0x50, $0x38;
	[tilespmem:$0x19640] =	vst v63  }
0x4a: {  	s17 =	sadd.s32 $0x1E, s16;
	s28 =	simm.s32 $0x410  }
0x4b: {  	[tilespmem:s28], [sflag:$0x1] =	stream.linear.gather [hbm4b:s17+s4], $0x50, $0x38;
	[tilespmem:$0x19640] =	vst v63  }
0x4c: {  	s29 =	rddreg [dreg:$0x8];
	s30 =	sadd.s32 $0x28, s15  }
0x4d: {  	[tilespmem:s29], [sflag:$0x1] =	stream.linear.gather [hbm4b:s30+s4], $0x50, $0x38;
	[tilespmem:$0x19640] =	vst v63  }
0x4e: {  	s7 =	sadd.s32 $0x28, s16;
	s29 =	simm.s32 $0x460  }
0x4f: {  	[tilespmem:s29], [sflag:$0x1] =	stream.linear.gather [hbm4b:s7+s4], $0x50, $0x38;
	[tilespmem:$0x19640] =	vst v63  }
0x50: {  	_ =	swait.ge [sflag:s20], $0x50  }
0x51: {  	[sflag:s20] =	ssyncset.done $0x0  }
0x52: {  	[sflag:s20] =	ssyncadd.s32 $0xFFFFFFB0  }
0x53: {  	_ =	swait.ge [sflag:s20], $0x50  }
0x54: {  	[sflag:s20] =	ssyncset.done $0x0  }
0x55: {  	s12 =	rddreg [dreg:$0x9];
	[sflag:s20] =	ssyncadd.s32 $0xFFFFFFB0  }
0x56: {  	[tilespmem:s12], [sflag:$0x3] =	stream.indirect.gather [hbm4b:s11+s14], $0x40, s4, s14, $0xb8;
	[tilespmem:$0x19640] =	vst v63  }
0x57: {  	_ =	swait.ge [sflag:s20], $0x50  }
0x58: {  	[sflag:s20] =	ssyncset.done $0x0  }
0x59: {  	[sflag:s20] =	ssyncadd.s32 $0xFFFFFFB0  }
0x5a: {  	_ =	swait.ge [sflag:s20], $0x50  }
0x5b: {  	[sflag:s20] =	ssyncset.done $0x0  }
0x5c: {  	s30 =	simm.s32 $0x1A40;
	[sflag:s20] =	ssyncadd.s32 $0xFFFFFFB0  }
0x5d: {  	[tilespmem:s30], [sflag:$0x4] =	stream.indirect.gather [hbm4b:s11+s14], $0x40, s14, s14, $0xb8;
	[tilespmem:$0x19640] =	vst v63  }
0x5e: {  	_ =	swait.ge [sflag:s20], $0x50  }
0x5f: {  	[sflag:s20] =	ssyncset.done $0x0  }
0x60: {  	[sflag:s20] =	ssyncadd.s32 $0xFFFFFFB0  }
0x61: {  	_ =	swait.ge [sflag:s20], $0x50  }
0x62: {  	[sflag:s20] =	ssyncset.done $0x0  }
0x63: {  	s17 =	rddreg [dreg:$0xa];
	[sflag:s20] =	ssyncadd.s32 $0xFFFFFFB0  }
0x64: {  	[tilespmem:s17], [sflag:$0x5] =	stream.indirect.gather [hbm4b:s11+s14], $0x40, s19, s14, $0xb8;
	[tilespmem:$0x19640] =	vst v63  }
0x65: {  	_ =	swait.ge [sflag:s20], $0x50  }
0x66: {  	[sflag:s20] =	ssyncset.done $0x0  }
0x67: {  	[sflag:s20] =	ssyncadd.s32 $0xFFFFFFB0  }
0x68: {  	_ =	swait.ge [sflag:s20], $0x50  }
0x69: {  	[sflag:s20] =	ssyncset.done $0x0  }
0x6a: {  	[sflag:s20] =	ssyncadd.s32 $0xFFFFFFB0  }
0x6b: {  	[tilespmem:s31], [sflag:$0x6] =	stream.indirect.gather [hbm4b:s11+s14], $0x40, s21, s14, $0xb8;
	[tilespmem:$0x19640] =	vst v63  }
0x6c: {  	_ =	swait.ge [sflag:s20], $0x50  }
0x6d: {  	[sflag:s20] =	ssyncset.done $0x0  }
0x6e: {  	[sflag:s20] =	ssyncadd.s32 $0xFFFFFFB0  }
0x6f: {  	_ =	swait.ge [sflag:s20], $0x50  }
0x70: {  	s2 =	simm.s32 @p0 $0x50;
	[sflag:s20] =	ssyncset.done $0x0  }
0x71: {  	s7 =	simm.s32 @p0 $0x140;
	s12 =	simm.s32 @p0 $0x5640;
	[sflag:s20] =	ssyncadd.s32 $0xFFFFFFB0  }
0x72: {  	[tilespmem:s12], [sflag:$0x7] =	stream.indirect.gather @p0 [hbm4b:s5+s2], $0x40, s7, s2, $0xb8;
	[tilespmem:$0x19640] =	vst v63  }
0x73: {  	s7 =	simm.s32 @p0 $0x3  }
0x74: {  	_ =	swait.ge @p0 [sflag:s7], $0x1400  }
0x75: {  	[sflag:s7] =	ssyncset.done @p0 $0x0  }
0x76: {  	s12 =	simm.s32 @p0 $0x640;
	[sflag:s7] =	ssyncadd.s32 @p0 $0xFFFFEC00;
	s7 =	simm.s32 @p0 $0x320  }
0x77: {  	[spmem:s3] =	stream.indirect.scatter.add.f32 @p0 [tilespmem:s12], [sflag:$0xD], $0x40, s7, s2, $0xb8;
	[tilespmem:$0x19640] =	vst v63  }
0x78: {  	s7 =	simm.s32 @p0 $0x4  }
0x79: {  	_ =	swait.ge @p0 [sflag:s7], $0x1400  }
0x7a: {  	s17 =	simm.s32 @!p0 $0x5640;
	[sflag:s7] =	ssyncset.done @p0 $0x0  }
0x7b: {  	s12 =	simm.s32 @!p0 $0x50;
	[sflag:s7] =	ssyncadd.s32 @p0 $0xFFFFEC00;
	s7 =	simm.s32 @!p0 $0x140  }
0x7c: {  	[tilespmem:s17], [sflag:$0x7] =	stream.indirect.gather @!p0 [hbm4b:s18+s12], $0x40, s7, s12, $0xb8;
	[tilespmem:$0x19640] =	vst v63  }
0x7d: {  	s7 =	simm.s32 @!p0 $0x3  }
0x7e: {  	_ =	swait.ge @!p0 [sflag:s7], $0x1400  }
0x7f: {  	[sflag:s7] =	ssyncset.done @!p0 $0x0  }
0x80: {  	[sflag:s7] =	ssyncadd.s32 @!p0 $0xFFFFEC00  }
0x81: {  	v2 =	vld @!p0 [tilespmem:$0x320];
	_ =	sdelay $0x6  }
0x82: {  	v1 =	vimm.f32 @!p0 $1.000000000e+00;
	s7 =	simm.s32 @!p0 $0x16E40  }
0x83: {  	[tilespmem:v2+s7+$0x0] =	vst.idx.add.f32.msk @!p0 $0xffff, v1  }
0x84: {  	v2 =	vld @!p0 [tilespmem:$0x330];
	_ =	sdelay $0x7  }
0x85: {  	[tilespmem:v2+s7+$0x0] =	vst.idx.add.f32.msk @!p0 $0xffff, v1  }
0x86: {  	v2 =	vld @!p0 [tilespmem:$0x340];
	_ =	sdelay $0x7  }
0x87: {  	[tilespmem:v2+s7+$0x0] =	vst.idx.add.f32.msk @!p0 $0xffff, v1  }
0x88: {  	v2 =	vld @!p0 [tilespmem:$0x350];
	_ =	sdelay $0x7  }
0x89: {  	[tilespmem:v2+s7+$0x0] =	vst.idx.add.f32.msk @!p0 $0xffff, v1  }
0x8a: {  	v2 =	vld @!p0 [tilespmem:$0x360];
	_ =	sdelay $0x7  }
0x8b: {  	s19 =	smov.u32 s18;
	s17 =	simm.s32 @!p0 $0x320;
	s18 =	simm.s32 @!p0 $0x640;
	[tilespmem:v2+s7+$0x0] =	vst.idx.add.f32.msk @!p0 $0xffff, v1  }
0x8c: {  	[spmem:s3] =	stream.indirect.scatter.add.f32 @!p0 [tilespmem:s18], [sflag:$0xD], $0x40, s17, s12, $0xb8;
	[tilespmem:$0x19640] =	vst v63  }
0x8d: {  	s17 =	simm.s32 @!p0 $0x4  }
0x8e: {  	_ =	swait.ge @!p0 [sflag:s17], $0x1400  }
0x8f: {  	[sflag:s17] =	ssyncset.done @!p0 $0x0  }
0x90: {  	[sflag:s17] =	ssyncadd.s32 @!p0 $0xFFFFEC00  }
0x91: {  	v2 =	vld @!p0 [tilespmem:$0x370];
	_ =	sdelay $0x7  }
0x92: {  	[tilespmem:v2+s7+$0x0] =	vst.idx.add.f32.msk @!p0 $0xffff, v1  }
0x93: {  	v2 =	vld @!p0 [tilespmem:$0x380];
	_ =	sdelay $0x7  }
0x94: {  	[tilespmem:v2+s7+$0x0] =	vst.idx.add.f32.msk @!p0 $0xffff, v1  }
0x95: {  	v2 =	vld @!p0 [tilespmem:$0x390];
	_ =	sdelay $0x7  }
0x96: {  	[tilespmem:v2+s7+$0x0] =	vst.idx.add.f32.msk @!p0 $0xffff, v1  }
0x97: {  	v2 =	vld @!p0 [tilespmem:$0x3A0];
	_ =	sdelay $0x7  }
0x98: {  	[tilespmem:v2+s7+$0x0] =	vst.idx.add.f32.msk @!p0 $0xffff, v1  }
0x99: {  	v2 =	vld @!p0 [tilespmem:$0x3B0];
	_ =	sdelay $0x7  }
0x9a: {  	s21 =	simm.s32 $0x370;
	[tilespmem:v2+s7+$0x0] =	vst.idx.add.f32.msk @!p0 $0xffff, v1  }
0x9b: {  	[spmem:s3] =	stream.indirect.scatter.add.f32 [tilespmem:s30], [sflag:$0xD], $0x40, s21, s14, $0xb8;
	[tilespmem:$0x19640] =	vst v63  }
0x9c: {  	_ =	swait.ge [sflag:s23], $0x1400  }
0x9d: {  	[sflag:s23] =	ssyncset.done $0x0  }
0x9e: {  	s18 =	simm.s32 @p0 $0x2E40;
	s17 =	simm.s32 @p0 $0x3C0;
	[sflag:s23] =	ssyncadd.s32 $0xFFFFEC00  }
0x9f: {  	[spmem:s3] =	stream.indirect.scatter.add.f32 @p0 [tilespmem:s18], [sflag:$0xD], $0x40, s17, s2, $0xb8;
	[tilespmem:$0x19640] =	vst v63  }
0xa0: {  	s17 =	simm.s32 @p0 $0x6  }
0xa1: {  	_ =	swait.ge @p0 [sflag:s17], $0x1400  }
0xa2: {  	[sflag:s17] =	ssyncset.done @p0 $0x0  }
0xa3: {  	[sflag:s17] =	ssyncadd.s32 @p0 $0xFFFFEC00  }
0xa4: {  	v2 =	vld @!p0 [tilespmem:$0x3C0];
	_ =	sdelay $0x7  }
0xa5: {  	[tilespmem:v2+s7+$0x0] =	vst.idx.add.f32.msk @!p0 $0xffff, v1  }
0xa6: {  	v2 =	vld @!p0 [tilespmem:$0x3D0];
	_ =	sdelay $0x7  }
0xa7: {  	[tilespmem:v2+s7+$0x0] =	vst.idx.add.f32.msk @!p0 $0xffff, v1  }
0xa8: {  	v2 =	vld @!p0 [tilespmem:$0x3E0];
	_ =	sdelay $0x7  }
0xa9: {  	[tilespmem:v2+s7+$0x0] =	vst.idx.add.f32.msk @!p0 $0xffff, v1  }
0xaa: {  	v2 =	vld @!p0 [tilespmem:$0x3F0];
	_ =	sdelay $0x7  }
0xab: {  	[tilespmem:v2+s7+$0x0] =	vst.idx.add.f32.msk @!p0 $0xffff, v1  }
0xac: {  	v2 =	vld @!p0 [tilespmem:$0x400];
	_ =	sdelay $0x7  }
0xad: {  	s18 =	simm.s32 @!p0 $0x2E40;
	s17 =	simm.s32 @!p0 $0x3C0;
	[tilespmem:v2+s7+$0x0] =	vst.idx.add.f32.msk @!p0 $0xffff, v1  }
0xae: {  	[spmem:s3] =	stream.indirect.scatter.add.f32 @!p0 [tilespmem:s18], [sflag:$0xD], $0x40, s17, s12, $0xb8;
	[tilespmem:$0x19640] =	vst v63  }
0xaf: {  	s17 =	simm.s32 @!p0 $0x6  }
0xb0: {  	_ =	swait.ge @!p0 [sflag:s17], $0x1400  }
0xb1: {  	[sflag:s17] =	ssyncset.done @!p0 $0x0  }
0xb2: {  	[sflag:s17] =	ssyncadd.s32 @!p0 $0xFFFFEC00  }
0xb3: {  	v2 =	vld @!p0 [tilespmem:$0x410];
	_ =	sdelay $0x7  }
0xb4: {  	[tilespmem:v2+s7+$0x0] =	vst.idx.add.f32.msk @!p0 $0xffff, v1  }
0xb5: {  	v2 =	vld @!p0 [tilespmem:$0x420];
	_ =	sdelay $0x7  }
0xb6: {  	[tilespmem:v2+s7+$0x0] =	vst.idx.add.f32.msk @!p0 $0xffff, v1  }
0xb7: {  	v2 =	vld @!p0 [tilespmem:$0x430];
	_ =	sdelay $0x7  }
0xb8: {  	[tilespmem:v2+s7+$0x0] =	vst.idx.add.f32.msk @!p0 $0xffff, v1  }
0xb9: {  	v2 =	vld @!p0 [tilespmem:$0x440];
	_ =	sdelay $0x7  }
0xba: {  	[tilespmem:v2+s7+$0x0] =	vst.idx.add.f32.msk @!p0 $0xffff, v1  }
0xbb: {  	v2 =	vld @!p0 [tilespmem:$0x450];
	_ =	sdelay $0x7  }
0xbc: {  	[tilespmem:v2+s7+$0x0] =	vst.idx.add.f32.msk @!p0 $0xffff, v1  }
0xbd: {  	[spmem:s3] =	stream.indirect.scatter.add.f32 [tilespmem:s31], [sflag:$0xD], $0x40, s28, s14, $0xb8;
	[tilespmem:$0x19640] =	vst v63  }
0xbe: {  	_ =	swait.ge [sflag:s24], $0x1400  }
0xbf: {  	[sflag:s24] =	ssyncset.done $0x0  }
0xc0: {  	[sflag:s24] =	ssyncadd.s32 $0xFFFFEC00  }
0xc1: {  	v2 =	vld @!p0 [tilespmem:$0x460];
	_ =	sdelay $0x7  }
0xc2: {  	[tilespmem:v2+s7+$0x0] =	vst.idx.add.f32.msk @!p0 $0xffff, v1  }
0xc3: {  	v2 =	vld @!p0 [tilespmem:$0x470];
	_ =	sdelay $0x7  }
0xc4: {  	[tilespmem:v2+s7+$0x0] =	vst.idx.add.f32.msk @!p0 $0xffff, v1  }
0xc5: {  	v2 =	vld @!p0 [tilespmem:$0x480];
	_ =	sdelay $0x7  }
0xc6: {  	[tilespmem:v2+s7+$0x0] =	vst.idx.add.f32.msk @!p0 $0xffff, v1  }
0xc7: {  	v2 =	vld @!p0 [tilespmem:$0x490];
	_ =	sdelay $0x7  }
0xc8: {  	[tilespmem:v2+s7+$0x0] =	vst.idx.add.f32.msk @!p0 $0xffff, v1  }
0xc9: {  	v2 =	vld @!p0 [tilespmem:$0x4A0];
	_ =	sdelay $0x7  }
0xca: {  	s17 =	simm.s32 @!p1 $0xE;
	s28 =	rddreg [dreg:$0xb];
	[tilespmem:v2+s7+$0x0] =	vst.idx.add.f32.msk @!p0 $0xffff, v1  }
0xcb: {  	[spmem:s3] =	stream.indirect.scatter.add.f32 [tilespmem:s28], [sflag:$0xD], $0x40, s29, s14, $0xb8;
	[tilespmem:$0x19640] =	vst v63  }
0xcc: {  	_ =	swait.ge @!p1 [sflag:s17], $0x1400  }
0xcd: {  	[sflag:s17] =	ssyncset.done @!p1 $0x0  }
0xce: {  	[sflag:s17] =	ssyncadd.s32 @!p1 $0xFFFFEC00  }
0xcf: {  	_ =	swait.ge @!p1 [sflag:s17], $0x1400  }
0xd0: {  	[sflag:s17] =	ssyncset.done @!p1 $0x0  }
0xd1: {  	[sflag:s17] =	ssyncadd.s32 @!p1 $0xFFFFEC00  }
0xd2: {  	_ =	swait.ge @!p1 [sflag:s17], $0x1400  }
0xd3: {  	[sflag:s17] =	ssyncset.done @!p1 $0x0  }
0xd4: {  	[sflag:s17] =	ssyncadd.s32 @!p1 $0xFFFFEC00  }
0xd5: {  	_ =	swait.ge @!p1 [sflag:s17], $0x1400  }
0xd6: {  	[sflag:s17] =	ssyncset.done @!p1 $0x0  }
0xd7: {  	[sflag:s17] =	ssyncadd.s32 @!p1 $0xFFFFEC00  }
0xd8: {  	_ =	swait.ge @!p1 [sflag:s17], $0x1400  }
0xd9: {  	[sflag:s17] =	ssyncset.done @!p1 $0x0  }
0xda: {  	s29 =	sadd.s32 $0x32, s15;
	s28 =	simm.s32 $0x190;
	[sflag:s17] =	ssyncadd.s32 @!p1 $0xFFFFEC00  }
0xdb: {  	[tilespmem:s28], [sflag:$0x2] =	stream.linear.gather [hbm4b:s29+s4], $0x50, $0x38;
	[tilespmem:$0x19640] =	vst v63  }
0xdc: {  	s30 =	rddreg [dreg:$0xc];
	s29 =	sadd.s32 $0x32, s16  }
0xdd: {  	[tilespmem:s30], [sflag:$0x2] =	stream.linear.gather [hbm4b:s29+s4], $0x50, $0x38;
	[tilespmem:$0x19640] =	vst v63  }
0xde: {  	s30 =	sadd.s32 $0x3C, s15;
	s29 =	simm.s32 $0x1E0  }
0xdf: {  	[tilespmem:s29], [sflag:$0x2] =	stream.linear.gather [hbm4b:s30+s4], $0x50, $0x38;
	[tilespmem:$0x19640] =	vst v63  }
0xe0: {  	s18 =	sadd.s32 $0x3C, s16;
	s30 =	simm.s32 $0x500  }
0xe1: {  	[tilespmem:s30], [sflag:$0x2] =	stream.linear.gather [hbm4b:s18+s4], $0x50, $0x38;
	[tilespmem:$0x19640] =	vst v63  }
0xe2: {  	s17 =	sadd.s32 $0x46, s15  }
0xe3: {  	[tilespmem:s0], [sflag:$0x2] =	stream.linear.gather [hbm4b:s17+s4], $0x50, $0x38;
	[tilespmem:$0x19640] =	vst v63  }
0xe4: {  	s18 =	rddreg [dreg:$0xd];
	s17 =	sadd.s32 $0x46, s16  }
0xe5: {  	[tilespmem:s18], [sflag:$0x2] =	stream.linear.gather [hbm4b:s17+s4], $0x50, $0x38;
	[tilespmem:$0x19640] =	vst v63  }
0xe6: {  	s18 =	sadd.s32 $0x50, s15  }
0xe7: {  	[tilespmem:s6], [sflag:$0x2] =	stream.linear.gather [hbm4b:s18+s4], $0x50, $0x38;
	[tilespmem:$0x19640] =	vst v63  }
0xe8: {  	s17 =	sadd.s32 $0x50, s16  }
0xe9: {  	[tilespmem:s8], [sflag:$0x2] =	stream.linear.gather [hbm4b:s17+s4], $0x50, $0x38;
	[tilespmem:$0x19640] =	vst v63  }
0xea: {  	s15 =	sadd.s32 $0x5A, s15;
	s18 =	rddreg [dreg:$0xe]  }
0xeb: {  	[tilespmem:s18], [sflag:$0x2] =	stream.linear.gather [hbm4b:s15+s4], $0x50, $0x38;
	[tilespmem:$0x19640] =	vst v63  }
0xec: {  	s16 =	sadd.s32 $0x5A, s16  }
0xed: {  	[tilespmem:s22], [sflag:$0x2] =	stream.linear.gather [hbm4b:s16+s4], $0x50, $0x38;
	[tilespmem:$0x19640] =	vst v63  }
0xee: {  	_ =	swait.ge [sflag:s1], $0x50  }
0xef: {  	[sflag:s1] =	ssyncset.done $0x0  }
0xf0: {  	[sflag:s1] =	ssyncadd.s32 $0xFFFFFFB0  }
0xf1: {  	_ =	swait.ge [sflag:s1], $0x50  }
0xf2: {  	[sflag:s1] =	ssyncset.done $0x0  }
0xf3: {  	s16 =	rddreg [dreg:$0xf];
	[sflag:s1] =	ssyncadd.s32 $0xFFFFFFB0  }
0xf4: {  	[tilespmem:s16], [sflag:$0x8] =	stream.indirect.gather [hbm4b:s11+s14], $0x40, s28, s14, $0xb8;
	[tilespmem:$0x19640] =	vst v63  }
0xf5: {  	_ =	swait.ge [sflag:s1], $0x50  }
0xf6: {  	[sflag:s1] =	ssyncset.done $0x0  }
0xf7: {  	[sflag:s1] =	ssyncadd.s32 $0xFFFFFFB0  }
0xf8: {  	_ =	swait.ge [sflag:s1], $0x50  }
0xf9: {  	[sflag:s1] =	ssyncset.done $0x0  }
0xfa: {  	[sflag:s1] =	ssyncadd.s32 $0xFFFFFFB0  }
0xfb: {  	[tilespmem:s25], [sflag:$0x9] =	stream.indirect.gather [hbm4b:s11+s14], $0x40, s29, s14, $0xb8;
	[tilespmem:$0x19640] =	vst v63  }
0xfc: {  	_ =	swait.ge [sflag:s1], $0x50  }
0xfd: {  	[sflag:s1] =	ssyncset.done $0x0  }
0xfe: {  	[sflag:s1] =	ssyncadd.s32 $0xFFFFFFB0  }
0xff: {  	_ =	swait.ge [sflag:s1], $0x50  }
0x100: {  	[sflag:s1] =	ssyncset.done $0x0  }
0x101: {  	s29 =	rddreg [dreg:$0x10];
	[sflag:s1] =	ssyncadd.s32 $0xFFFFFFB0  }
0x102: {  	[tilespmem:s29], [sflag:$0xA] =	stream.indirect.gather [hbm4b:s11+s14], $0x40, s0, s14, $0xb8;
	[tilespmem:$0x19640] =	vst v63  }
0x103: {  	_ =	swait.ge [sflag:s1], $0x50  }
0x104: {  	[sflag:s1] =	ssyncset.done $0x0  }
0x105: {  	[sflag:s1] =	ssyncadd.s32 $0xFFFFFFB0  }
0x106: {  	_ =	swait.ge [sflag:s1], $0x50  }
0x107: {  	[sflag:s1] =	ssyncset.done $0x0  }
0x108: {  	[sflag:s1] =	ssyncadd.s32 $0xFFFFFFB0  }
0x109: {  	[tilespmem:s26], [sflag:$0xB] =	stream.indirect.gather [hbm4b:s11+s14], $0x40, s6, s14, $0xb8;
	[tilespmem:$0x19640] =	vst v63  }
0x10a: {  	_ =	swait.ge [sflag:s1], $0x50  }
0x10b: {  	[sflag:s1] =	ssyncset.done $0x0  }
0x10c: {  	[sflag:s1] =	ssyncadd.s32 $0xFFFFFFB0  }
0x10d: {  	_ =	swait.ge [sflag:s1], $0x50  }
0x10e: {  	[sflag:s1] =	ssyncset.done $0x0  }
0x10f: {  	s15 =	simm.s32 @p0 $0x2D0;
	s16 =	simm.s32 @p0 $0xBA40;
	[sflag:s1] =	ssyncadd.s32 $0xFFFFFFB0  }
0x110: {  	[tilespmem:s16], [sflag:$0xC] =	stream.indirect.gather @p0 [hbm4b:s5+s2], $0x40, s15, s2, $0xb8;
	[tilespmem:$0x19640] =	vst v63  }
0x111: {  	s15 =	simm.s32 @p0 $0x8  }
0x112: {  	_ =	swait.ge @p0 [sflag:s15], $0x1400  }
0x113: {  	[sflag:s15] =	ssyncset.done @p0 $0x0  }
0x114: {  	s16 =	simm.s32 @p0 $0x6A40;
	[sflag:s15] =	ssyncadd.s32 @p0 $0xFFFFEC00;
	s15 =	simm.s32 @p0 $0x4B0  }
0x115: {  	[spmem:s3] =	stream.indirect.scatter.add.f32 @p0 [tilespmem:s16], [sflag:$0xE], $0x40, s15, s2, $0xb8;
	[tilespmem:$0x19640] =	vst v63  }
0x116: {  	s15 =	simm.s32 @p0 $0x9  }
0x117: {  	_ =	swait.ge @p0 [sflag:s15], $0x1400  }
0x118: {  	s18 =	smov.u32 s19;
	[sflag:s15] =	ssyncset.done @p0 $0x0  }
0x119: {  	s16 =	simm.s32 @!p0 $0xBA40;
	[sflag:s15] =	ssyncadd.s32 @p0 $0xFFFFEC00;
	s15 =	simm.s32 @!p0 $0x2D0  }
0x11a: {  	[tilespmem:s16], [sflag:$0xC] =	stream.indirect.gather @!p0 [hbm4b:s18+s12], $0x40, s15, s12, $0xb8;
	[tilespmem:$0x19640] =	vst v63  }
0x11b: {  	s15 =	simm.s32 @!p0 $0x8  }
0x11c: {  	_ =	swait.ge @!p0 [sflag:s15], $0x1400  }
0x11d: {  	[sflag:s15] =	ssyncset.done @!p0 $0x0  }
0x11e: {  	[sflag:s15] =	ssyncadd.s32 @!p0 $0xFFFFEC00  }
0x11f: {  	v2 =	vld @!p0 [tilespmem:$0x4B0];
	_ =	sdelay $0x7  }
0x120: {  	[tilespmem:v2+s7+$0x0] =	vst.idx.add.f32.msk @!p0 $0xffff, v1  }
0x121: {  	v2 =	vld @!p0 [tilespmem:$0x4C0];
	_ =	sdelay $0x7  }
0x122: {  	[tilespmem:v2+s7+$0x0] =	vst.idx.add.f32.msk @!p0 $0xffff, v1  }
0x123: {  	v2 =	vld @!p0 [tilespmem:$0x4D0];
	_ =	sdelay $0x7  }
0x124: {  	[tilespmem:v2+s7+$0x0] =	vst.idx.add.f32.msk @!p0 $0xffff, v1  }
0x125: {  	v2 =	vld @!p0 [tilespmem:$0x4E0];
	_ =	sdelay $0x7  }
0x126: {  	[tilespmem:v2+s7+$0x0] =	vst.idx.add.f32.msk @!p0 $0xffff, v1  }
0x127: {  	v2 =	vld @!p0 [tilespmem:$0x4F0];
	_ =	sdelay $0x7  }
0x128: {  	s16 =	simm.s32 @!p0 $0x6A40;
	s15 =	simm.s32 @!p0 $0x4B0;
	[tilespmem:v2+s7+$0x0] =	vst.idx.add.f32.msk @!p0 $0xffff, v1  }
0x129: {  	[spmem:s3] =	stream.indirect.scatter.add.f32 @!p0 [tilespmem:s16], [sflag:$0xE], $0x40, s15, s12, $0xb8;
	[tilespmem:$0x19640] =	vst v63  }
0x12a: {  	s15 =	simm.s32 @!p0 $0x9  }
0x12b: {  	_ =	swait.ge @!p0 [sflag:s15], $0x1400  }
0x12c: {  	[sflag:s15] =	ssyncset.done @!p0 $0x0  }
0x12d: {  	[sflag:s15] =	ssyncadd.s32 @!p0 $0xFFFFEC00  }
0x12e: {  	v2 =	vld @!p0 [tilespmem:$0x500];
	_ =	sdelay $0x7  }
0x12f: {  	[tilespmem:v2+s7+$0x0] =	vst.idx.add.f32.msk @!p0 $0xffff, v1  }
0x130: {  	v2 =	vld @!p0 [tilespmem:$0x510];
	_ =	sdelay $0x7  }
0x131: {  	[tilespmem:v2+s7+$0x0] =	vst.idx.add.f32.msk @!p0 $0xffff, v1  }
0x132: {  	v2 =	vld @!p0 [tilespmem:$0x520];
	_ =	sdelay $0x7  }
0x133: {  	[tilespmem:v2+s7+$0x0] =	vst.idx.add.f32.msk @!p0 $0xffff, v1  }
0x134: {  	v2 =	vld @!p0 [tilespmem:$0x530];
	_ =	sdelay $0x7  }
0x135: {  	[tilespmem:v2+s7+$0x0] =	vst.idx.add.f32.msk @!p0 $0xffff, v1  }
0x136: {  	v2 =	vld @!p0 [tilespmem:$0x540];
	_ =	sdelay $0x7  }
0x137: {  	[tilespmem:v2+s7+$0x0] =	vst.idx.add.f32.msk @!p0 $0xffff, v1  }
0x138: {  	[spmem:s3] =	stream.indirect.scatter.add.f32 [tilespmem:s25], [sflag:$0xE], $0x40, s30, s14, $0xb8;
	[tilespmem:$0x19640] =	vst v63  }
0x139: {  	_ =	swait.ge [sflag:s9], $0x1400  }
0x13a: {  	[sflag:s9] =	ssyncset.done $0x0  }
0x13b: {  	s16 =	simm.s32 @p0 $0x9240;
	s15 =	simm.s32 @p0 $0x550;
	[sflag:s9] =	ssyncadd.s32 $0xFFFFEC00  }
0x13c: {  	[spmem:s3] =	stream.indirect.scatter.add.f32 @p0 [tilespmem:s16], [sflag:$0xE], $0x40, s15, s2, $0xb8;
	[tilespmem:$0x19640] =	vst v63  }
0x13d: {  	s2 =	simm.s32 @p0 $0xB  }
0x13e: {  	_ =	swait.ge @p0 [sflag:s2], $0x1400  }
0x13f: {  	[sflag:s2] =	ssyncset.done @p0 $0x0  }
0x140: {  	[sflag:s2] =	ssyncadd.s32 @p0 $0xFFFFEC00  }
0x141: {  	v2 =	vld @!p0 [tilespmem:$0x550];
	_ =	sdelay $0x7  }
0x142: {  	[tilespmem:v2+s7+$0x0] =	vst.idx.add.f32.msk @!p0 $0xffff, v1  }
0x143: {  	v2 =	vld @!p0 [tilespmem:$0x560];
	_ =	sdelay $0x7  }
0x144: {  	[tilespmem:v2+s7+$0x0] =	vst.idx.add.f32.msk @!p0 $0xffff, v1  }
0x145: {  	v2 =	vld @!p0 [tilespmem:$0x570];
	_ =	sdelay $0x7  }
0x146: {  	[tilespmem:v2+s7+$0x0] =	vst.idx.add.f32.msk @!p0 $0xffff, v1  }
0x147: {  	v2 =	vld @!p0 [tilespmem:$0x580];
	_ =	sdelay $0x7  }
0x148: {  	[tilespmem:v2+s7+$0x0] =	vst.idx.add.f32.msk @!p0 $0xffff, v1  }
0x149: {  	v2 =	vld @!p0 [tilespmem:$0x590];
	_ =	sdelay $0x7  }
0x14a: {  	s15 =	simm.s32 @!p0 $0x9240;
	s2 =	simm.s32 @!p0 $0x550;
	[tilespmem:v2+s7+$0x0] =	vst.idx.add.f32.msk @!p0 $0xffff, v1  }
0x14b: {  	[spmem:s3] =	stream.indirect.scatter.add.f32 @!p0 [tilespmem:s15], [sflag:$0xE], $0x40, s2, s12, $0xb8;
	[tilespmem:$0x19640] =	vst v63  }
0x14c: {  	s2 =	simm.s32 @!p0 $0xB  }
0x14d: {  	_ =	swait.ge @!p0 [sflag:s2], $0x1400  }
0x14e: {  	[sflag:s2] =	ssyncset.done @!p0 $0x0  }
0x14f: {  	[sflag:s2] =	ssyncadd.s32 @!p0 $0xFFFFEC00  }
0x150: {  	v2 =	vld @!p0 [tilespmem:$0x5A0];
	_ =	sdelay $0x7  }
0x151: {  	[tilespmem:v2+s7+$0x0] =	vst.idx.add.f32.msk @!p0 $0xffff, v1  }
0x152: {  	v2 =	vld @!p0 [tilespmem:$0x5B0];
	_ =	sdelay $0x7  }
0x153: {  	[tilespmem:v2+s7+$0x0] =	vst.idx.add.f32.msk @!p0 $0xffff, v1  }
0x154: {  	v2 =	vld @!p0 [tilespmem:$0x5C0];
	_ =	sdelay $0x7  }
0x155: {  	[tilespmem:v2+s7+$0x0] =	vst.idx.add.f32.msk @!p0 $0xffff, v1  }
0x156: {  	v2 =	vld @!p0 [tilespmem:$0x5D0];
	_ =	sdelay $0x7  }
0x157: {  	[tilespmem:v2+s7+$0x0] =	vst.idx.add.f32.msk @!p0 $0xffff, v1  }
0x158: {  	v2 =	vld @!p0 [tilespmem:$0x5E0];
	_ =	sdelay $0x7  }
0x159: {  	[tilespmem:v2+s7+$0x0] =	vst.idx.add.f32.msk @!p0 $0xffff, v1  }
0x15a: {  	[spmem:s3] =	stream.indirect.scatter.add.f32 [tilespmem:s26], [sflag:$0xE], $0x40, s8, s14, $0xb8;
	[tilespmem:$0x19640] =	vst v63  }
0x15b: {  	_ =	swait.ge [sflag:s10], $0x1400  }
0x15c: {  	[sflag:s10] =	ssyncset.done $0x0  }
0x15d: {  	[sflag:s10] =	ssyncadd.s32 $0xFFFFEC00  }
0x15e: {  	v2 =	vld @!p0 [tilespmem:$0x5F0];
	_ =	sdelay $0x7  }
0x15f: {  	[tilespmem:v2+s7+$0x0] =	vst.idx.add.f32.msk @!p0 $0xffff, v1  }
0x160: {  	v2 =	vld @!p0 [tilespmem:$0x600];
	_ =	sdelay $0x7  }
0x161: {  	[tilespmem:v2+s7+$0x0] =	vst.idx.add.f32.msk @!p0 $0xffff, v1  }
0x162: {  	v2 =	vld @!p0 [tilespmem:$0x610];
	_ =	sdelay $0x7  }
0x163: {  	[tilespmem:v2+s7+$0x0] =	vst.idx.add.f32.msk @!p0 $0xffff, v1  }
0x164: {  	v2 =	vld @!p0 [tilespmem:$0x620];
	_ =	sdelay $0x7  }
0x165: {  	[tilespmem:v2+s7+$0x0] =	vst.idx.add.f32.msk @!p0 $0xffff, v1  }
0x166: {  	v2 =	vld @!p0 [tilespmem:$0x630];
	_ =	sdelay $0x2  }
0x167: {  	s13 =	sadd.s32 $0x64, s13  }
0x168: {  	p1 =	sne.s32 s13, $0x9C4  }
.Ltmp1:
0x169: {  	_ = 	snop;
	(pc) =	sbr.rel @p1 .LBB2_4-.Ltmp1, $4  }
0x16a: {  	_ = 	snop  }
0x16b: {  	s21 =	simm.s32 $0xF0  }
0x16c: {  	s17 =	simm.s32 $0x370;
	s19 =	simm.s32 $0xA0;
	s30 =	rddreg [dreg:$0x11];
	[tilespmem:v2+s7+$0x0] =	vst.idx.add.f32.msk @!p0 $0xffff, v1  }
0x16d: {  	[spmem:s3] =	stream.indirect.scatter.add.f32 [tilespmem:s30], [sflag:$0xE], $0x40, s22, s14, $0xb8;
	[tilespmem:$0x19640] =	vst v63  }
0x16e: {  	s0 =	simm.s32 $0xD  }
0x16f: {  	_ =	swait.ge [sflag:s0], $0x1400  }
0x170: {  	[sflag:s0] =	ssyncset.done $0x0  }
0x171: {  	[sflag:s0] =	ssyncadd.s32 $0xFFFFEC00  }
0x172: {  	_ =	swait.ge [sflag:s0], $0x1400  }
0x173: {  	[sflag:s0] =	ssyncset.done $0x0  }
0x174: {  	[sflag:s0] =	ssyncadd.s32 $0xFFFFEC00  }
0x175: {  	_ =	swait.ge [sflag:s0], $0x1400  }
0x176: {  	[sflag:s0] =	ssyncset.done $0x0  }
0x177: {  	[sflag:s0] =	ssyncadd.s32 $0xFFFFEC00  }
0x178: {  	_ =	swait.ge [sflag:s0], $0x1400  }
0x179: {  	[sflag:s0] =	ssyncset.done $0x0  }
0x17a: {  	[sflag:s0] =	ssyncadd.s32 $0xFFFFEC00  }
0x17b: {  	_ =	swait.ge [sflag:s0], $0x1400  }
0x17c: {  	[sflag:s0] =	ssyncset.done $0x0  }
0x17d: {  	s28 =	simm.s32 $0xE;
	[sflag:s0] =	ssyncadd.s32 $0xFFFFEC00  }
0x17e: {  	_ =	swait.ge [sflag:s28], $0x1400  }
0x17f: {  	[sflag:s28] =	ssyncset.done $0x0  }
0x180: {  	[sflag:s28] =	ssyncadd.s32 $0xFFFFEC00  }
0x181: {  	_ =	swait.ge [sflag:s28], $0x1400  }
0x182: {  	[sflag:s28] =	ssyncset.done $0x0  }
0x183: {  	[sflag:s28] =	ssyncadd.s32 $0xFFFFEC00  }
0x184: {  	_ =	swait.ge [sflag:s28], $0x1400  }
0x185: {  	[sflag:s28] =	ssyncset.done $0x0  }
0x186: {  	[sflag:s28] =	ssyncadd.s32 $0xFFFFEC00  }
0x187: {  	_ =	swait.ge [sflag:s28], $0x1400  }
0x188: {  	[sflag:s28] =	ssyncset.done $0x0  }
0x189: {  	[sflag:s28] =	ssyncadd.s32 $0xFFFFEC00  }
0x18a: {  	_ =	swait.ge [sflag:s28], $0x1400  }
0x18b: {  	[sflag:s28] =	ssyncset.done $0x0  }
0x18c: {  	[sflag:s28] =	ssyncadd.s32 $0xFFFFEC00  }
0x18d: {  	[bflag:$0x0] =	sbarrier.arrive $0xFFFF  }
0x18e: {  	s12 =	rddreg [dreg:$0x13]  }
0x18f: {  	s2 =	rddreg [dreg:$0x14]  }
0x190: {  	s16 =	simm.s32 $0xF;
	s15 =	rddreg [dreg:$0x17]  }
0x191: {  	[hbm:s2], [sflag:s12] =	dma.local [spmem:s15], $0x1400  }
0x192: {  	_ =	swait.ge [sflag:s16], $0x1400  }
0x193: {  	[sflag:s16] =	ssyncset.done $0x0  }
0x194: {  	s2 =	simm.s32 @!p0 $0x0;
	s13 =	rddreg [dreg:$0x15];
	[sflag:s16] =	ssyncadd.s32 $0xFFFFEC00  }
0x195: {  	[hbm4b:s13+s2] =	stream.linear.scatter @!p0 [tilespmem:s7], [sflag:$0xF], $0x2800, $0x38;
	[tilespmem:$0x19640] =	vst v63  }
0x196: {  	s2 =	simm.s32 @!p0 $0xF  }
0x197: {  	_ =	swait.ge @!p0 [sflag:s2], $0x2800  }
0x198: {  	s29 =	rddreg [dreg:$0x18]  }
0x199: {  	s30 =	rddreg [dreg:$0x16];
	s0 =	sadd.s32 $0x1, s29  }
0x19a: {  	p1 =	sne.s32 s0, s30  }
.Ltmp2:
0x19b: {  	_ = 	snop;
	(pc) =	sbr.rel @p1 .LBB2_1-.Ltmp2, $3  }
0x19c: {  	_ =	sdelay $0x1  }
0x19d: {  	[sflag:s2] =	ssyncset.done @!p0 $0x0  }
0x19e: {  	[sflag:s2] =	ssyncadd.s32 @!p0 $0xFFFFD800  }
0x19f: {  	_ =	sfence.sel $0x180000  }
0x1a0: {  	[bflag:$0x0] =	sbarrier.arrive $0xFFFF  }
0x1a1: {  	_ =	strace $0x90000047  }
0x1a2: {  	s0 =	stileid.u32;
	[bflag:$0x2] =	sbarrier.arrive $0xFFFF  }
0x1a3: {  	p0 =	sne.s32 s0, $0x0;
	s0 =	rddreg [dreg:$0x3]  }
0x1a4: {  	s0 =	sadd.s32 @!p0 $0x100000, s0  }
0x1a5: {  	[sflag:s0] =	ssyncadd.tile.s32 @!p0 $0x1;
	_ =	shalt  }
.Lfunc_end2:
_tile_overlayer_lowered:
.L_overlay_start_2:
0x1a6: {  	(tag) =	ssettag $0x2  }
0x1a7: {  	s0 =	rddreg [dreg:$0x0];
	s2 =	stileid.u32  }
0x1a8: {  	s1 =	rddreg [dreg:$0x1];
	p0 =	sne.s32 s2, $0x0  }
0x1a9: {  	s3 =	rddreg [dreg:$0x2];
	[bflag:$0x3] =	sbarrier.arrive $0xFFFF;
	s2 =	simm.s32 @!p0 $0x1C0F  }
0x1aa: {  	[timem:s3], [sflag:s2] =	dma.local @!p0 [hbm:s0], s1  }
0x1ab: {  	s0 =	simm.s32 @!p0 $0xF  }
0x1ac: {  	_ =	swait.ge @!p0 [sflag:s0], s1  }
0x1ad: {  	s1 =	ssub.s32 @!p0 $0x0, s1;
	[sflag:s0] =	ssyncset.done @!p0 $0x0  }
0x1ae: {  	[sflag:s0] =	ssyncadd.s32 @!p0 s1  }
0x1af: {  	[bflag:$0x3] =	sbarrier.arrive $0xFFFF  }
0x1b0: {  	_ =	shalt  }

</sc_bundles>
